<compile_context>
chip_gen: v7x
topology: tpu7x:2x2x1
jax: 0.10.2.dev20260603
libtpu: 0.0.44.dev20260713+nightly
codegen_flags: <defaults>
</compile_context>

<pallas_src>
import functools

import jax
import jax.numpy as jnp
from jax import lax
from jax.experimental import pallas as pl
from jax.experimental.pallas import tpu as pltpu
from jax.experimental.pallas import tpu_sc as plsc

_B = 4096
_D_IN = 1024
_M = 32
_D = 64
_K = 1024
_H = 64
_BETA = 0.25

_BB_VQ = 256
_BB_HEAD = 512

_NC = 2
_NS = 16
_NW = _NC * _NS
_GCHUNK = 256


def _encvq_kernel(f_ref, w_ref, b_ref, cbt2_ref, idx_ref, cnt_ref, loss_ref):
    g = pl.program_id(0)

    z_e = (
        jnp.dot(f_ref[...], w_ref[...], preferred_element_type=jnp.float32)
        + b_ref[...]
    )
    cbt2 = cbt2_ref[...]
    cb2_sq = jnp.sum(cbt2 * cbt2, axis=0, keepdims=True)

    iota_f = lax.broadcasted_iota(
        jnp.int32, (_BB_VQ, _K), 1
    ).astype(jnp.float32)
    big = jnp.float32(_K)

    idx_cols = []
    cnt_acc = jnp.zeros((1, _K), jnp.float32)
    loss_acc = jnp.zeros((1, 1), jnp.float32)
    for c in range(_M // 2):
        e_pair = z_e[:, 128 * c : 128 * (c + 1)]
        pair_scores = cb2_sq - 2.0 * jnp.dot(
            e_pair, cbt2, preferred_element_type=jnp.float32
        )
        for h in range(2):
            s = pair_scores[:, _K * h : _K * (h + 1)]
            rowmin = jnp.min(s, axis=1, keepdims=True)
            cand = jnp.where(s == rowmin, iota_f, big)
            idxf = jnp.min(cand, axis=1, keepdims=True)
            onehot = (cand == idxf).astype(jnp.float32)
            cnt_acc = cnt_acc + jnp.sum(onehot, axis=0, keepdims=True)
            loss_acc = loss_acc + jnp.sum(rowmin, axis=0, keepdims=True)
            idx_cols.append(idxf)

    idx_ref[...] = jnp.concatenate(idx_cols, axis=1).astype(jnp.int32)

    loss_acc = loss_acc + jnp.sum(
        jnp.sum(z_e * z_e, axis=1, keepdims=True), axis=0, keepdims=True
    )

    @pl.when(g == 0)
    def _init():
        cnt_ref[...] = jnp.zeros_like(cnt_ref)
        loss_ref[...] = jnp.zeros_like(loss_ref)

    cnt_ref[0:1, :] += cnt_acc
    loss_ref[...] += loss_acc


def _head_kernel(zq_ref, w1_ref, b1_ref, w2_ref, b2_ref, wd_ref, bd_ref,
                 cnt_ref, loss_ref, logits_ref, fhat_ref, vql_ref, perp_ref):
    i = pl.program_id(0)
    zq = zq_ref[...]
    h = jax.nn.gelu(
        jnp.dot(zq, w1_ref[...], preferred_element_type=jnp.float32)
        + b1_ref[...]
    )
    logits_ref[...] = (
        jnp.dot(h, w2_ref[...], preferred_element_type=jnp.float32)
        + b2_ref[...]
    )
    fhat_ref[...] = (
        jnp.dot(zq, wd_ref[...], preferred_element_type=jnp.float32)
        + bd_ref[...]
    )

    @pl.when(i == 0)
    def _scalars():
        counts = cnt_ref[0:1, :]
        total = jnp.sum(counts, axis=1, keepdims=True)
        probs = counts / total
        ent = jnp.sum(probs * jnp.log(probs + 1e-10), axis=1, keepdims=True)
        perp_ref[...] = jnp.exp(-ent)
        vql_ref[...] = loss_ref[...] * ((1.0 + _BETA) / (_B * _M * _D))


def _sc_gather(codebook_pad, idx_flat):
    n = idx_flat.shape[0]
    per_w = n // _NW
    mesh = plsc.VectorSubcoreMesh(core_axis_name="c", subcore_axis_name="s")

    n_it = per_w // _GCHUNK

    @functools.partial(
        pl.kernel,
        mesh=mesh,
        out_type=jax.ShapeDtypeStruct((n, 128), jnp.float32),
        scratch_types=[
            pltpu.VMEM((_GCHUNK,), jnp.int32),
            pltpu.VMEM((_GCHUNK,), jnp.int32),
            pltpu.VMEM((_GCHUNK, 128), jnp.float32),
            pltpu.VMEM((_GCHUNK, 128), jnp.float32),
            pltpu.SemaphoreType.DMA,
            pltpu.SemaphoreType.DMA,
            pltpu.SemaphoreType.DMA,
            pltpu.SemaphoreType.DMA,
        ],
    )
    def k(table_hbm, idx_hbm, out_hbm, idx_v0, idx_v1, rows_v0, rows_v1,
          gs0, gs1, ws0, ws1):
        wid = lax.axis_index("s") * _NC + lax.axis_index("c")
        base = wid * per_w
        idx_v = (idx_v0, idx_v1)
        rows_v = (rows_v0, rows_v1)
        gs = (gs0, gs1)
        ws = (ws0, ws1)

        g_h = [None] * n_it
        w_h = [None] * n_it
        pltpu.sync_copy(idx_hbm.at[pl.ds(base, _GCHUNK)], idx_v[0])
        g_h[0] = pltpu.async_copy(table_hbm.at[idx_v[0]], rows_v[0], gs[0])
        for j in range(n_it):
            b = j % 2
            nb = (j + 1) % 2
            if j + 1 < n_it:
                if j >= 1:
                    w_h[j - 1].wait()
                pltpu.sync_copy(
                    idx_hbm.at[pl.ds(base + (j + 1) * _GCHUNK, _GCHUNK)],
                    idx_v[nb],
                )
                g_h[j + 1] = pltpu.async_copy(
                    table_hbm.at[idx_v[nb]], rows_v[nb], gs[nb]
                )
            g_h[j].wait()
            w_h[j] = pltpu.async_copy(
                rows_v[b], out_hbm.at[pl.ds(base + j * _GCHUNK, _GCHUNK)],
                ws[b],
            )
        w_h[n_it - 2].wait()
        w_h[n_it - 1].wait()

    return k(codebook_pad, idx_flat)


def _depad_kernel(xp_ref, o_ref):
    o_ref[...] = xp_ref[:, : _D]


def _depad(zq_pad):
    n = zq_pad.shape[0]
    fb = 16384
    return pl.pallas_call(
        _depad_kernel,
        grid=(n // fb,),
        in_specs=[pl.BlockSpec((fb, 128), lambda i: (i, 0))],
        out_specs=pl.BlockSpec((fb, _D), lambda i: (i, 0)),
        out_shape=jax.ShapeDtypeStruct((n, _D), jnp.float32),
    )(zq_pad)


@jax.jit
def kernel(f_t, W_enc, b_enc, codebook, W1, b1, W2, b2, W_dec, b_dec):
    cbt = codebook.T
    cbt2 = jnp.zeros((2 * _D, 2 * _K), jnp.float32)
    cbt2 = cbt2.at[: _D, : _K].set(cbt).at[_D :, _K :].set(cbt)

    indices, counts8, loss_sum = pl.pallas_call(
        _encvq_kernel,
        grid=(_B // _BB_VQ,),
        in_specs=[
            pl.BlockSpec((_BB_VQ, _D_IN), lambda g: (g, 0)),
            pl.BlockSpec((_D_IN, _M * _D), lambda g: (0, 0)),
            pl.BlockSpec((1, _M * _D), lambda g: (0, 0)),
            pl.BlockSpec((2 * _D, 2 * _K), lambda g: (0, 0)),
        ],
        out_specs=[
            pl.BlockSpec((_BB_VQ, _M), lambda g: (g, 0)),
            pl.BlockSpec((8, _K), lambda g: (0, 0)),
            pl.BlockSpec((1, 1), lambda g: (0, 0)),
        ],
        out_shape=[
            jax.ShapeDtypeStruct((_B, _M), jnp.int32),
            jax.ShapeDtypeStruct((8, _K), jnp.float32),
            jax.ShapeDtypeStruct((1, 1), jnp.float32),
        ],
    )(f_t, W_enc, b_enc.reshape(1, _M * _D), cbt2)

    idx_flat = indices.reshape(_B * _M)

    cb_pad = jnp.pad(codebook, ((0, 0), (0, 128 - _D)))
    zq_pad = _sc_gather(cb_pad, idx_flat)
    zq_flat = _depad(zq_pad)

    z_q2 = zq_flat.reshape(_B, _M * _D)
    W2p = jnp.pad(W2, ((0, 0), (0, 128 - W2.shape[1])))
    b2p = jnp.pad(b2, (0, 128 - b2.shape[0])).reshape(1, 128)

    logits_p, f_hat, vql, perp = pl.pallas_call(
        _head_kernel,
        grid=(_B // _BB_HEAD,),
        in_specs=[
            pl.BlockSpec((_BB_HEAD, _M * _D), lambda i: (i, 0)),
            pl.BlockSpec((_M * _D, _H), lambda i: (0, 0)),
            pl.BlockSpec((1, _H), lambda i: (0, 0)),
            pl.BlockSpec((_H, 128), lambda i: (0, 0)),
            pl.BlockSpec((1, 128), lambda i: (0, 0)),
            pl.BlockSpec((_M * _D, _D_IN), lambda i: (0, 0)),
            pl.BlockSpec((1, _D_IN), lambda i: (0, 0)),
            pl.BlockSpec((8, _K), lambda i: (0, 0)),
            pl.BlockSpec((1, 1), lambda i: (0, 0)),
        ],
        out_specs=[
            pl.BlockSpec((_BB_HEAD, 128), lambda i: (i, 0)),
            pl.BlockSpec((_BB_HEAD, _D_IN), lambda i: (i, 0)),
            pl.BlockSpec((1, 1), lambda i: (0, 0)),
            pl.BlockSpec((1, 1), lambda i: (0, 0)),
        ],
        out_shape=[
            jax.ShapeDtypeStruct((_B, 128), jnp.float32),
            jax.ShapeDtypeStruct((_B, _D_IN), jnp.float32),
            jax.ShapeDtypeStruct((1, 1), jnp.float32),
            jax.ShapeDtypeStruct((1, 1), jnp.float32),
        ],
    )(z_q2, W1, b1.reshape(1, _H), W2p, b2p, W_dec, b_dec.reshape(1, _D_IN),
      counts8, loss_sum)

    logits = logits_p[:, : W2.shape[1]]
    z_q = zq_flat.reshape(_B, _M, _D)
    return (logits, f_hat, z_q, indices,
            vql.reshape(()), perp.reshape(()))

# --- scband reference (transcript-rebuilt; emitter-appended) ---
"""Pipeline reference for scband-hypernet-classifier-38285338476796 (READ-ONLY COPY).

The authoritative reference and input builder live on the scoring server;
editing this copy changes nothing except your own understanding.
"""

import jax, jax.numpy as jnp
import numpy as np

B = 4096
D_IN = 1024
M = 32            # NUM_CODES_M
D = 64            # CODE_EMB_DIM
K = 1024          # codebook size
H = 64            # classifier hidden
NUM_CLASSES = 2
BETA = 0.25


def setup_inputs(seed: int = 0) -> dict:
    key = jax.random.key(seed)
    ks = jax.random.split(key, 10)
    f_t = jax.random.normal(ks[0], (B, D_IN), dtype=jnp.float32)
    W_enc = jax.random.normal(ks[1], (D_IN, M * D), dtype=jnp.float32) * (1.0 / np.sqrt(D_IN))
    b_enc = jnp.zeros((M * D,), dtype=jnp.float32)
    codebook = jax.random.normal(ks[2], (K, D), dtype=jnp.float32) * (1.0 / np.sqrt(D))
    W1 = jax.random.normal(ks[3], (M * D, H), dtype=jnp.float32) * (1.0 / np.sqrt(M * D))
    b1 = jnp.zeros((H,), dtype=jnp.float32)
    W2 = jax.random.normal(ks[4], (H, NUM_CLASSES), dtype=jnp.float32) * (1.0 / np.sqrt(H))
    b2 = jnp.zeros((NUM_CLASSES,), dtype=jnp.float32)
    W_dec = jax.random.normal(ks[5], (M * D, D_IN), dtype=jnp.float32) * (1.0 / np.sqrt(M * D))
    b_dec = jnp.zeros((D_IN,), dtype=jnp.float32)
    return {"f_t": f_t, "W_enc": W_enc, "b_enc": b_enc, "codebook": codebook,
            "W1": W1, "b1": b1, "W2": W2, "b2": b2, "W_dec": W_dec, "b_dec": b_dec}


def reference(f_t, W_enc, b_enc, codebook, W1, b1, W2, b2, W_dec, b_dec):
    Bv = f_t.shape[0]
    # Encoder: f_t -> z_e (B, M, D)
    z_e = (f_t @ W_enc + b_enc).reshape(Bv, M, D)
    # Vector quantization
    flat = z_e.reshape(-1, D)                                   # (B*M, D)
    d2 = (jnp.sum(flat * flat, axis=1, keepdims=True)
          + jnp.sum(codebook * codebook, axis=1)[None, :]
          - 2.0 * (flat @ codebook.T))                          # (B*M, K)
    idx = jnp.argmin(d2, axis=1)                                # (B*M,)
    z_q_raw = jnp.take(codebook, idx, axis=0).reshape(Bv, M, D)  # gather
    commit_loss = jnp.mean((jax.lax.stop_gradient(z_q_raw) - z_e) ** 2)
    codebook_loss = jnp.mean((z_q_raw - jax.lax.stop_gradient(z_e)) ** 2)
    vq_loss = codebook_loss + BETA * commit_loss
    # straight-through estimator
    z_q = z_e + jax.lax.stop_gradient(z_q_raw - z_e)
    flat_q = z_q.reshape(Bv, M * D)
    # Classifier head (dropout is identity in eval)
    h = jax.nn.gelu(flat_q @ W1 + b1)
    logits = h @ W2 + b2
    # Decoder reconstruction
    f_hat = flat_q @ W_dec + b_dec
    indices = idx.reshape(Bv, M)
    # diagnostics: codebook usage perplexity
    counts = jnp.bincount(idx, length=K).astype(jnp.float32)
    probs = counts / jnp.sum(counts)
    perplexity = jnp.exp(-jnp.sum(probs * jnp.log(probs + 1e-10)))
    return logits, f_hat, z_q, indices, vq_loss, perplexity

if __name__ == "__main__":
    import jax
    _d = setup_inputs()
    print(jax.jit(kernel)(*tuple(_d.values())))

</pallas_src>

<mosaic_0001>
#map = affine_map<(d0, d1) -> (0, 0)>
#map1 = affine_map<(d0, d1) -> (0)>
module attributes {stable_mosaic.version = 14 : i64} {
  func.func @k(%arg0: i32, %arg1: i32, %arg2: memref<1024x128xf32, #tpu.memory_space<hbm>>, %arg3: memref<131072xi32, #tpu.memory_space<hbm>>, %arg4: memref<131072x128xf32, #tpu.memory_space<hbm>>, %arg5: memref<256xi32, #tpu.memory_space<vmem>>, %arg6: memref<256xi32, #tpu.memory_space<vmem>>, %arg7: memref<256x128xf32, #tpu.memory_space<vmem>>, %arg8: memref<256x128xf32, #tpu.memory_space<vmem>>, %arg9: memref<!tpu.dma_semaphore, #tpu.memory_space<semaphore_mem>>, %arg10: memref<!tpu.dma_semaphore, #tpu.memory_space<semaphore_mem>>, %arg11: memref<!tpu.dma_semaphore, #tpu.memory_space<semaphore_mem>>, %arg12: memref<!tpu.dma_semaphore, #tpu.memory_space<semaphore_mem>>) attributes {dimension_semantics = [#tpu.dimension_semantics<core_parallel>, #tpu.dimension_semantics<subcore_parallel>], iteration_bounds = array<i64: 2, 16>, scalar_prefetch = 0 : i64, scratch_operands = 8 : i64, tpu.core_type = #tpu.core_type<sc_vector_subcore>, window_params = [{transform_indices = #map}, {transform_indices = #map1}, {transform_indices = #map}]} {
    %mul3A = arith.constant 2 : i32
    %mul3A_0 = arith.muli %arg1, %mul3A : i32
    %add3A = arith.addi %mul3A_0, %arg0 : i32
    %mul3A_1 = arith.constant 4096 : i32
    %mul3A_2 = arith.muli %add3A, %mul3A_1 : i32
    "tpu.region"() ({
      %run_scoped3A = tpu.sem_alloc : memref<!tpu.dma_semaphore, #tpu.memory_space<semaphore_mem>>
      %dma_start3A_287 = tpu.memref_slice %arg3[%mul3A_2] : memref<131072xi32, #tpu.memory_space<hbm>> -> memref<256xi32, #tpu.memory_space<hbm>>
      %dma_start3A_288 = tpu.memref_slice %arg3[%mul3A_2] : memref<131072xi32, #tpu.memory_space<hbm>> -> memref<256xi32, #tpu.memory_space<hbm>>
      tpu.enqueue_dma source(%dma_start3A_288 : memref<256xi32, #tpu.memory_space<hbm>>) target(%arg5 : memref<256xi32, #tpu.memory_space<vmem>>) target_semaphore(%run_scoped3A : memref<!tpu.dma_semaphore, #tpu.memory_space<semaphore_mem>>)
      %dma_wait3A_289 = tpu.memref_slice %arg3[%mul3A_2] : memref<131072xi32, #tpu.memory_space<hbm>> -> memref<256xi32, #tpu.memory_space<hbm>>
      %dma_wait3A_290 = tpu.memref_slice %arg3[%mul3A_2] : memref<131072xi32, #tpu.memory_space<hbm>> -> memref<256xi32, #tpu.memory_space<hbm>>
      tpu.wait_dma2 semaphore(%run_scoped3A : memref<!tpu.dma_semaphore, #tpu.memory_space<semaphore_mem>>) src(%dma_wait3A_290 : memref<256xi32, #tpu.memory_space<hbm>>) dst(%arg5 : memref<256xi32, #tpu.memory_space<vmem>>)
      tpu.yield
    }) : () -> ()
    %dma_start3A = arith.constant 0 : i32
    %dma_start3A_3 = arith.constant 0 : i32
    %dma_start3A_4 = tpu.memref_slice %arg2[%dma_start3A, %dma_start3A_3] : memref<1024x128xf32, #tpu.memory_space<hbm>> -> memref<1024x128xf32, #tpu.memory_space<hbm>>
    tpu.enqueue_indirect_dma source(%dma_start3A_4 : memref<1024x128xf32, #tpu.memory_space<hbm>>) target(%arg7 : memref<256x128xf32, #tpu.memory_space<vmem>>) offsets(%arg5 : memref<256xi32, #tpu.memory_space<vmem>>) semaphore(%arg9 : memref<!tpu.dma_semaphore, #tpu.memory_space<semaphore_mem>>)
    %add3A_5 = arith.constant 256 : i32
    %add3A_6 = arith.addi %mul3A_2, %add3A_5 : i32
    "tpu.region"() ({
      %run_scoped3A = tpu.sem_alloc : memref<!tpu.dma_semaphore, #tpu.memory_space<semaphore_mem>>
      %dma_start3A_287 = tpu.memref_slice %arg3[%add3A_6] : memref<131072xi32, #tpu.memory_space<hbm>> -> memref<256xi32, #tpu.memory_space<hbm>>
      %dma_start3A_288 = tpu.memref_slice %arg3[%add3A_6] : memref<131072xi32, #tpu.memory_space<hbm>> -> memref<256xi32, #tpu.memory_space<hbm>>
      tpu.enqueue_dma source(%dma_start3A_288 : memref<256xi32, #tpu.memory_space<hbm>>) target(%arg6 : memref<256xi32, #tpu.memory_space<vmem>>) target_semaphore(%run_scoped3A : memref<!tpu.dma_semaphore, #tpu.memory_space<semaphore_mem>>)
      %dma_wait3A_289 = tpu.memref_slice %arg3[%add3A_6] : memref<131072xi32, #tpu.memory_space<hbm>> -> memref<256xi32, #tpu.memory_space<hbm>>
      %dma_wait3A_290 = tpu.memref_slice %arg3[%add3A_6] : memref<131072xi32, #tpu.memory_space<hbm>> -> memref<256xi32, #tpu.memory_space<hbm>>
      tpu.wait_dma2 semaphore(%run_scoped3A : memref<!tpu.dma_semaphore, #tpu.memory_space<semaphore_mem>>) src(%dma_wait3A_290 : memref<256xi32, #tpu.memory_space<hbm>>) dst(%arg6 : memref<256xi32, #tpu.memory_space<vmem>>)
      tpu.yield
    }) : () -> ()
    %dma_start3A_7 = arith.constant 0 : i32
    %dma_start3A_8 = arith.constant 0 : i32
    %dma_start3A_9 = tpu.memref_slice %arg2[%dma_start3A_7, %dma_start3A_8] : memref<1024x128xf32, #tpu.memory_space<hbm>> -> memref<1024x128xf32, #tpu.memory_space<hbm>>
    tpu.enqueue_indirect_dma source(%dma_start3A_9 : memref<1024x128xf32, #tpu.memory_space<hbm>>) target(%arg8 : memref<256x128xf32, #tpu.memory_space<vmem>>) offsets(%arg6 : memref<256xi32, #tpu.memory_space<vmem>>) semaphore(%arg10 : memref<!tpu.dma_semaphore, #tpu.memory_space<semaphore_mem>>)
    %dma_wait3A = arith.constant 0 : i32
    %dma_wait3A_10 = arith.constant 0 : i32
    %dma_wait3A_11 = tpu.memref_slice %arg2[%dma_wait3A, %dma_wait3A_10] : memref<1024x128xf32, #tpu.memory_space<hbm>> -> memref<1024x128xf32, #tpu.memory_space<hbm>>
    tpu.wait_indirect_dma semaphore(%arg9 : memref<!tpu.dma_semaphore, #tpu.memory_space<semaphore_mem>>) src(%dma_wait3A_11 : memref<1024x128xf32, #tpu.memory_space<hbm>>) dst(%arg7 : memref<256x128xf32, #tpu.memory_space<vmem>>)
    %add3A_12 = arith.constant 0 : i32
    %add3A_13 = arith.addi %mul3A_2, %add3A_12 : i32
    %dma_start3A_14 = arith.constant 0 : i32
    %dma_start3A_15 = tpu.memref_slice %arg4[%add3A_13, %dma_start3A_14] : memref<131072x128xf32, #tpu.memory_space<hbm>> -> memref<256x128xf32, #tpu.memory_space<hbm>>
    %dma_start3A_16 = arith.constant 0 : i32
    %dma_start3A_17 = tpu.memref_slice %arg4[%add3A_13, %dma_start3A_16] : memref<131072x128xf32, #tpu.memory_space<hbm>> -> memref<256x128xf32, #tpu.memory_space<hbm>>
    tpu.enqueue_dma source(%arg7 : memref<256x128xf32, #tpu.memory_space<vmem>>) target(%dma_start3A_17 : memref<256x128xf32, #tpu.memory_space<hbm>>) target_semaphore(%arg11 : memref<!tpu.dma_semaphore, #tpu.memory_space<semaphore_mem>>)
    %dma_wait3A_18 = arith.constant 0 : i32
    %dma_wait3A_19 = tpu.memref_slice %arg4[%add3A_13, %dma_wait3A_18] : memref<131072x128xf32, #tpu.memory_space<hbm>> -> memref<256x128xf32, #tpu.memory_space<hbm>>
    %dma_wait3A_20 = arith.constant 0 : i32
    %dma_wait3A_21 = tpu.memref_slice %arg4[%add3A_13, %dma_wait3A_20] : memref<131072x128xf32, #tpu.memory_space<hbm>> -> memref<256x128xf32, #tpu.memory_space<hbm>>
    tpu.wait_dma2 semaphore(%arg11 : memref<!tpu.dma_semaphore, #tpu.memory_space<semaphore_mem>>) src(%arg7 : memref<256x128xf32, #tpu.memory_space<vmem>>) dst(%dma_wait3A_21 : memref<256x128xf32, #tpu.memory_space<hbm>>)
    %add3A_22 = arith.constant 512 : i32
    %add3A_23 = arith.addi %mul3A_2, %add3A_22 : i32
    "tpu.region"() ({
      %run_scoped3A = tpu.sem_alloc : memref<!tpu.dma_semaphore, #tpu.memory_space<semaphore_mem>>
      %dma_start3A_287 = tpu.memref_slice %arg3[%add3A_23] : memref<131072xi32, #tpu.memory_space<hbm>> -> memref<256xi32, #tpu.memory_space<hbm>>
      %dma_start3A_288 = tpu.memref_slice %arg3[%add3A_23] : memref<131072xi32, #tpu.memory_space<hbm>> -> memref<256xi32, #tpu.memory_space<hbm>>
      tpu.enqueue_dma source(%dma_start3A_288 : memref<256xi32, #tpu.memory_space<hbm>>) target(%arg5 : memref<256xi32, #tpu.memory_space<vmem>>) target_semaphore(%run_scoped3A : memref<!tpu.dma_semaphore, #tpu.memory_space<semaphore_mem>>)
      %dma_wait3A_289 = tpu.memref_slice %arg3[%add3A_23] : memref<131072xi32, #tpu.memory_space<hbm>> -> memref<256xi32, #tpu.memory_space<hbm>>
      %dma_wait3A_290 = tpu.memref_slice %arg3[%add3A_23] : memref<131072xi32, #tpu.memory_space<hbm>> -> memref<256xi32, #tpu.memory_space<hbm>>
      tpu.wait_dma2 semaphore(%run_scoped3A : memref<!tpu.dma_semaphore, #tpu.memory_space<semaphore_mem>>) src(%dma_wait3A_290 : memref<256xi32, #tpu.memory_space<hbm>>) dst(%arg5 : memref<256xi32, #tpu.memory_space<vmem>>)
      tpu.yield
    }) : () -> ()
    %dma_start3A_24 = arith.constant 0 : i32
    %dma_start3A_25 = arith.constant 0 : i32
    %dma_start3A_26 = tpu.memref_slice %arg2[%dma_start3A_24, %dma_start3A_25] : memref<1024x128xf32, #tpu.memory_space<hbm>> -> memref<1024x128xf32, #tpu.memory_space<hbm>>
    tpu.enqueue_indirect_dma source(%dma_start3A_26 : memref<1024x128xf32, #tpu.memory_space<hbm>>) target(%arg7 : memref<256x128xf32, #tpu.memory_space<vmem>>) offsets(%arg5 : memref<256xi32, #tpu.memory_space<vmem>>) semaphore(%arg9 : memref<!tpu.dma_semaphore, #tpu.memory_space<semaphore_mem>>)
    %dma_wait3A_27 = arith.constant 0 : i32
    %dma_wait3A_28 = arith.constant 0 : i32
    %dma_wait3A_29 = tpu.memref_slice %arg2[%dma_wait3A_27, %dma_wait3A_28] : memref<1024x128xf32, #tpu.memory_space<hbm>> -> memref<1024x128xf32, #tpu.memory_space<hbm>>
    tpu.wait_indirect_dma semaphore(%arg10 : memref<!tpu.dma_semaphore, #tpu.memory_space<semaphore_mem>>) src(%dma_wait3A_29 : memref<1024x128xf32, #tpu.memory_space<hbm>>) dst(%arg8 : memref<256x128xf32, #tpu.memory_space<vmem>>)
    %add3A_30 = arith.constant 256 : i32
    %add3A_31 = arith.addi %mul3A_2, %add3A_30 : i32
    %dma_start3A_32 = arith.constant 0 : i32
    %dma_start3A_33 = tpu.memref_slice %arg4[%add3A_31, %dma_start3A_32] : memref<131072x128xf32, #tpu.memory_space<hbm>> -> memref<256x128xf32, #tpu.memory_space<hbm>>
    %dma_start3A_34 = arith.constant 0 : i32
    %dma_start3A_35 = tpu.memref_slice %arg4[%add3A_31, %dma_start3A_34] : memref<131072x128xf32, #tpu.memory_space<hbm>> -> memref<256x128xf32, #tpu.memory_space<hbm>>
    tpu.enqueue_dma source(%arg8 : memref<256x128xf32, #tpu.memory_space<vmem>>) target(%dma_start3A_35 : memref<256x128xf32, #tpu.memory_space<hbm>>) target_semaphore(%arg12 : memref<!tpu.dma_semaphore, #tpu.memory_space<semaphore_mem>>)
    %dma_wait3A_36 = arith.constant 0 : i32
    %dma_wait3A_37 = tpu.memref_slice %arg4[%add3A_31, %dma_wait3A_36] : memref<131072x128xf32, #tpu.memory_space<hbm>> -> memref<256x128xf32, #tpu.memory_space<hbm>>
    %dma_wait3A_38 = arith.constant 0 : i32
    %dma_wait3A_39 = tpu.memref_slice %arg4[%add3A_31, %dma_wait3A_38] : memref<131072x128xf32, #tpu.memory_space<hbm>> -> memref<256x128xf32, #tpu.memory_space<hbm>>
    tpu.wait_dma2 semaphore(%arg12 : memref<!tpu.dma_semaphore, #tpu.memory_space<semaphore_mem>>) src(%arg8 : memref<256x128xf32, #tpu.memory_space<vmem>>) dst(%dma_wait3A_39 : memref<256x128xf32, #tpu.memory_space<hbm>>)
    %add3A_40 = arith.constant 768 : i32
    %add3A_41 = arith.addi %mul3A_2, %add3A_40 : i32
    "tpu.region"() ({
      %run_scoped3A = tpu.sem_alloc : memref<!tpu.dma_semaphore, #tpu.memory_space<semaphore_mem>>
      %dma_start3A_287 = tpu.memref_slice %arg3[%add3A_41] : memref<131072xi32, #tpu.memory_space<hbm>> -> memref<256xi32, #tpu.memory_space<hbm>>
      %dma_start3A_288 = tpu.memref_slice %arg3[%add3A_41] : memref<131072xi32, #tpu.memory_space<hbm>> -> memref<256xi32, #tpu.memory_space<hbm>>
      tpu.enqueue_dma source(%dma_start3A_288 : memref<256xi32, #tpu.memory_space<hbm>>) target(%arg6 : memref<256xi32, #tpu.memory_space<vmem>>) target_semaphore(%run_scoped3A : memref<!tpu.dma_semaphore, #tpu.memory_space<semaphore_mem>>)
      %dma_wait3A_289 = tpu.memref_slice %arg3[%add3A_41] : memref<131072xi32, #tpu.memory_space<hbm>> -> memref<256xi32, #tpu.memory_space<hbm>>
      %dma_wait3A_290 = tpu.memref_slice %arg3[%add3A_41] : memref<131072xi32, #tpu.memory_space<hbm>> -> memref<256xi32, #tpu.memory_space<hbm>>
      tpu.wait_dma2 semaphore(%run_scoped3A : memref<!tpu.dma_semaphore, #tpu.memory_space<semaphore_mem>>) src(%dma_wait3A_290 : memref<256xi32, #tpu.memory_space<hbm>>) dst(%arg6 : memref<256xi32, #tpu.memory_space<vmem>>)
      tpu.yield
    }) : () -> ()
    %dma_start3A_42 = arith.constant 0 : i32
    %dma_start3A_43 = arith.constant 0 : i32
    %dma_start3A_44 = tpu.memref_slice %arg2[%dma_start3A_42, %dma_start3A_43] : memref<1024x128xf32, #tpu.memory_space<hbm>> -> memref<1024x128xf32, #tpu.memory_space<hbm>>
    tpu.enqueue_indirect_dma source(%dma_start3A_44 : memref<1024x128xf32, #tpu.memory_space<hbm>>) target(%arg8 : memref<256x128xf32, #tpu.memory_space<vmem>>) offsets(%arg6 : memref<256xi32, #tpu.memory_space<vmem>>) semaphore(%arg10 : memref<!tpu.dma_semaphore, #tpu.memory_space<semaphore_mem>>)
    %dma_wait3A_45 = arith.constant 0 : i32
    %dma_wait3A_46 = arith.constant 0 : i32
    %dma_wait3A_47 = tpu.memref_slice %arg2[%dma_wait3A_45, %dma_wait3A_46] : memref<1024x128xf32, #tpu.memory_space<hbm>> -> memref<1024x128xf32, #tpu.memory_space<hbm>>
    tpu.wait_indirect_dma semaphore(%arg9 : memref<!tpu.dma_semaphore, #tpu.memory_space<semaphore_mem>>) src(%dma_wait3A_47 : memref<1024x128xf32, #tpu.memory_space<hbm>>) dst(%arg7 : memref<256x128xf32, #tpu.memory_space<vmem>>)
    %add3A_48 = arith.constant 512 : i32
    %add3A_49 = arith.addi %mul3A_2, %add3A_48 : i32
    %dma_start3A_50 = arith.constant 0 : i32
    %dma_start3A_51 = tpu.memref_slice %arg4[%add3A_49, %dma_start3A_50] : memref<131072x128xf32, #tpu.memory_space<hbm>> -> memref<256x128xf32, #tpu.memory_space<hbm>>
    %dma_start3A_52 = arith.constant 0 : i32
    %dma_start3A_53 = tpu.memref_slice %arg4[%add3A_49, %dma_start3A_52] : memref<131072x128xf32, #tpu.memory_space<hbm>> -> memref<256x128xf32, #tpu.memory_space<hbm>>
    tpu.enqueue_dma source(%arg7 : memref<256x128xf32, #tpu.memory_space<vmem>>) target(%dma_start3A_53 : memref<256x128xf32, #tpu.memory_space<hbm>>) target_semaphore(%arg11 : memref<!tpu.dma_semaphore, #tpu.memory_space<semaphore_mem>>)
    %dma_wait3A_54 = arith.constant 0 : i32
    %dma_wait3A_55 = tpu.memref_slice %arg4[%add3A_49, %dma_wait3A_54] : memref<131072x128xf32, #tpu.memory_space<hbm>> -> memref<256x128xf32, #tpu.memory_space<hbm>>
    %dma_wait3A_56 = arith.constant 0 : i32
    %dma_wait3A_57 = tpu.memref_slice %arg4[%add3A_49, %dma_wait3A_56] : memref<131072x128xf32, #tpu.memory_space<hbm>> -> memref<256x128xf32, #tpu.memory_space<hbm>>
    tpu.wait_dma2 semaphore(%arg11 : memref<!tpu.dma_semaphore, #tpu.memory_space<semaphore_mem>>) src(%arg7 : memref<256x128xf32, #tpu.memory_space<vmem>>) dst(%dma_wait3A_57 : memref<256x128xf32, #tpu.memory_space<hbm>>)
    %add3A_58 = arith.constant 1024 : i32
    %add3A_59 = arith.addi %mul3A_2, %add3A_58 : i32
    "tpu.region"() ({
      %run_scoped3A = tpu.sem_alloc : memref<!tpu.dma_semaphore, #tpu.memory_space<semaphore_mem>>
      %dma_start3A_287 = tpu.memref_slice %arg3[%add3A_59] : memref<131072xi32, #tpu.memory_space<hbm>> -> memref<256xi32, #tpu.memory_space<hbm>>
      %dma_start3A_288 = tpu.memref_slice %arg3[%add3A_59] : memref<131072xi32, #tpu.memory_space<hbm>> -> memref<256xi32, #tpu.memory_space<hbm>>
      tpu.enqueue_dma source(%dma_start3A_288 : memref<256xi32, #tpu.memory_space<hbm>>) target(%arg5 : memref<256xi32, #tpu.memory_space<vmem>>) target_semaphore(%run_scoped3A : memref<!tpu.dma_semaphore, #tpu.memory_space<semaphore_mem>>)
      %dma_wait3A_289 = tpu.memref_slice %arg3[%add3A_59] : memref<131072xi32, #tpu.memory_space<hbm>> -> memref<256xi32, #tpu.memory_space<hbm>>
      %dma_wait3A_290 = tpu.memref_slice %arg3[%add3A_59] : memref<131072xi32, #tpu.memory_space<hbm>> -> memref<256xi32, #tpu.memory_space<hbm>>
      tpu.wait_dma2 semaphore(%run_scoped3A : memref<!tpu.dma_semaphore, #tpu.memory_space<semaphore_mem>>) src(%dma_wait3A_290 : memref<256xi32, #tpu.memory_space<hbm>>) dst(%arg5 : memref<256xi32, #tpu.memory_space<vmem>>)
      tpu.yield
    }) : () -> ()
    %dma_start3A_60 = arith.constant 0 : i32
    %dma_start3A_61 = arith.constant 0 : i32
    %dma_start3A_62 = tpu.memref_slice %arg2[%dma_start3A_60, %dma_start3A_61] : memref<1024x128xf32, #tpu.memory_space<hbm>> -> memref<1024x128xf32, #tpu.memory_space<hbm>>
    tpu.enqueue_indirect_dma source(%dma_start3A_62 : memref<1024x128xf32, #tpu.memory_space<hbm>>) target(%arg7 : memref<256x128xf32, #tpu.memory_space<vmem>>) offsets(%arg5 : memref<256xi32, #tpu.memory_space<vmem>>) semaphore(%arg9 : memref<!tpu.dma_semaphore, #tpu.memory_space<semaphore_mem>>)
    %dma_wait3A_63 = arith.constant 0 : i32
    %dma_wait3A_64 = arith.constant 0 : i32
    %dma_wait3A_65 = tpu.memref_slice %arg2[%dma_wait3A_63, %dma_wait3A_64] : memref<1024x128xf32, #tpu.memory_space<hbm>> -> memref<1024x128xf32, #tpu.memory_space<hbm>>
    tpu.wait_indirect_dma semaphore(%arg10 : memref<!tpu.dma_semaphore, #tpu.memory_space<semaphore_mem>>) src(%dma_wait3A_65 : memref<1024x128xf32, #tpu.memory_space<hbm>>) dst(%arg8 : memref<256x128xf32, #tpu.memory_space<vmem>>)
    %add3A_66 = arith.constant 768 : i32
    %add3A_67 = arith.addi %mul3A_2, %add3A_66 : i32
    %dma_start3A_68 = arith.constant 0 : i32
    %dma_start3A_69 = tpu.memref_slice %arg4[%add3A_67, %dma_start3A_68] : memref<131072x128xf32, #tpu.memory_space<hbm>> -> memref<256x128xf32, #tpu.memory_space<hbm>>
    %dma_start3A_70 = arith.constant 0 : i32
    %dma_start3A_71 = tpu.memref_slice %arg4[%add3A_67, %dma_start3A_70] : memref<131072x128xf32, #tpu.memory_space<hbm>> -> memref<256x128xf32, #tpu.memory_space<hbm>>
    tpu.enqueue_dma source(%arg8 : memref<256x128xf32, #tpu.memory_space<vmem>>) target(%dma_start3A_71 : memref<256x128xf32, #tpu.memory_space<hbm>>) target_semaphore(%arg12 : memref<!tpu.dma_semaphore, #tpu.memory_space<semaphore_mem>>)
    %dma_wait3A_72 = arith.constant 0 : i32
    %dma_wait3A_73 = tpu.memref_slice %arg4[%add3A_67, %dma_wait3A_72] : memref<131072x128xf32, #tpu.memory_space<hbm>> -> memref<256x128xf32, #tpu.memory_space<hbm>>
    %dma_wait3A_74 = arith.constant 0 : i32
    %dma_wait3A_75 = tpu.memref_slice %arg4[%add3A_67, %dma_wait3A_74] : memref<131072x128xf32, #tpu.memory_space<hbm>> -> memref<256x128xf32, #tpu.memory_space<hbm>>
    tpu.wait_dma2 semaphore(%arg12 : memref<!tpu.dma_semaphore, #tpu.memory_space<semaphore_mem>>) src(%arg8 : memref<256x128xf32, #tpu.memory_space<vmem>>) dst(%dma_wait3A_75 : memref<256x128xf32, #tpu.memory_space<hbm>>)
    %add3A_76 = arith.constant 1280 : i32
    %add3A_77 = arith.addi %mul3A_2, %add3A_76 : i32
    "tpu.region"() ({
      %run_scoped3A = tpu.sem_alloc : memref<!tpu.dma_semaphore, #tpu.memory_space<semaphore_mem>>
      %dma_start3A_287 = tpu.memref_slice %arg3[%add3A_77] : memref<131072xi32, #tpu.memory_space<hbm>> -> memref<256xi32, #tpu.memory_space<hbm>>
      %dma_start3A_288 = tpu.memref_slice %arg3[%add3A_77] : memref<131072xi32, #tpu.memory_space<hbm>> -> memref<256xi32, #tpu.memory_space<hbm>>
      tpu.enqueue_dma source(%dma_start3A_288 : memref<256xi32, #tpu.memory_space<hbm>>) target(%arg6 : memref<256xi32, #tpu.memory_space<vmem>>) target_semaphore(%run_scoped3A : memref<!tpu.dma_semaphore, #tpu.memory_space<semaphore_mem>>)
      %dma_wait3A_289 = tpu.memref_slice %arg3[%add3A_77] : memref<131072xi32, #tpu.memory_space<hbm>> -> memref<256xi32, #tpu.memory_space<hbm>>
      %dma_wait3A_290 = tpu.memref_slice %arg3[%add3A_77] : memref<131072xi32, #tpu.memory_space<hbm>> -> memref<256xi32, #tpu.memory_space<hbm>>
      tpu.wait_dma2 semaphore(%run_scoped3A : memref<!tpu.dma_semaphore, #tpu.memory_space<semaphore_mem>>) src(%dma_wait3A_290 : memref<256xi32, #tpu.memory_space<hbm>>) dst(%arg6 : memref<256xi32, #tpu.memory_space<vmem>>)
      tpu.yield
    }) : () -> ()
    %dma_start3A_78 = arith.constant 0 : i32
    %dma_start3A_79 = arith.constant 0 : i32
    %dma_start3A_80 = tpu.memref_slice %arg2[%dma_start3A_78, %dma_start3A_79] : memref<1024x128xf32, #tpu.memory_space<hbm>> -> memref<1024x128xf32, #tpu.memory_space<hbm>>
    tpu.enqueue_indirect_dma source(%dma_start3A_80 : memref<1024x128xf32, #tpu.memory_space<hbm>>) target(%arg8 : memref<256x128xf32, #tpu.memory_space<vmem>>) offsets(%arg6 : memref<256xi32, #tpu.memory_space<vmem>>) semaphore(%arg10 : memref<!tpu.dma_semaphore, #tpu.memory_space<semaphore_mem>>)
    %dma_wait3A_81 = arith.constant 0 : i32
    %dma_wait3A_82 = arith.constant 0 : i32
    %dma_wait3A_83 = tpu.memref_slice %arg2[%dma_wait3A_81, %dma_wait3A_82] : memref<1024x128xf32, #tpu.memory_space<hbm>> -> memref<1024x128xf32, #tpu.memory_space<hbm>>
    tpu.wait_indirect_dma semaphore(%arg9 : memref<!tpu.dma_semaphore, #tpu.memory_space<semaphore_mem>>) src(%dma_wait3A_83 : memref<1024x128xf32, #tpu.memory_space<hbm>>) dst(%arg7 : memref<256x128xf32, #tpu.memory_space<vmem>>)
    %add3A_84 = arith.constant 1024 : i32
    %add3A_85 = arith.addi %mul3A_2, %add3A_84 : i32
    %dma_start3A_86 = arith.constant 0 : i32
    %dma_start3A_87 = tpu.memref_slice %arg4[%add3A_85, %dma_start3A_86] : memref<131072x128xf32, #tpu.memory_space<hbm>> -> memref<256x128xf32, #tpu.memory_space<hbm>>
    %dma_start3A_88 = arith.constant 0 : i32
    %dma_start3A_89 = tpu.memref_slice %arg4[%add3A_85, %dma_start3A_88] : memref<131072x128xf32, #tpu.memory_space<hbm>> -> memref<256x128xf32, #tpu.memory_space<hbm>>
    tpu.enqueue_dma source(%arg7 : memref<256x128xf32, #tpu.memory_space<vmem>>) target(%dma_start3A_89 : memref<256x128xf32, #tpu.memory_space<hbm>>) target_semaphore(%arg11 : memref<!tpu.dma_semaphore, #tpu.memory_space<semaphore_mem>>)
    %dma_wait3A_90 = arith.constant 0 : i32
    %dma_wait3A_91 = tpu.memref_slice %arg4[%add3A_85, %dma_wait3A_90] : memref<131072x128xf32, #tpu.memory_space<hbm>> -> memref<256x128xf32, #tpu.memory_space<hbm>>
    %dma_wait3A_92 = arith.constant 0 : i32
    %dma_wait3A_93 = tpu.memref_slice %arg4[%add3A_85, %dma_wait3A_92] : memref<131072x128xf32, #tpu.memory_space<hbm>> -> memref<256x128xf32, #tpu.memory_space<hbm>>
    tpu.wait_dma2 semaphore(%arg11 : memref<!tpu.dma_semaphore, #tpu.memory_space<semaphore_mem>>) src(%arg7 : memref<256x128xf32, #tpu.memory_space<vmem>>) dst(%dma_wait3A_93 : memref<256x128xf32, #tpu.memory_space<hbm>>)
    %add3A_94 = arith.constant 1536 : i32
    %add3A_95 = arith.addi %mul3A_2, %add3A_94 : i32
    "tpu.region"() ({
      %run_scoped3A = tpu.sem_alloc : memref<!tpu.dma_semaphore, #tpu.memory_space<semaphore_mem>>
      %dma_start3A_287 = tpu.memref_slice %arg3[%add3A_95] : memref<131072xi32, #tpu.memory_space<hbm>> -> memref<256xi32, #tpu.memory_space<hbm>>
      %dma_start3A_288 = tpu.memref_slice %arg3[%add3A_95] : memref<131072xi32, #tpu.memory_space<hbm>> -> memref<256xi32, #tpu.memory_space<hbm>>
      tpu.enqueue_dma source(%dma_start3A_288 : memref<256xi32, #tpu.memory_space<hbm>>) target(%arg5 : memref<256xi32, #tpu.memory_space<vmem>>) target_semaphore(%run_scoped3A : memref<!tpu.dma_semaphore, #tpu.memory_space<semaphore_mem>>)
      %dma_wait3A_289 = tpu.memref_slice %arg3[%add3A_95] : memref<131072xi32, #tpu.memory_space<hbm>> -> memref<256xi32, #tpu.memory_space<hbm>>
      %dma_wait3A_290 = tpu.memref_slice %arg3[%add3A_95] : memref<131072xi32, #tpu.memory_space<hbm>> -> memref<256xi32, #tpu.memory_space<hbm>>
      tpu.wait_dma2 semaphore(%run_scoped3A : memref<!tpu.dma_semaphore, #tpu.memory_space<semaphore_mem>>) src(%dma_wait3A_290 : memref<256xi32, #tpu.memory_space<hbm>>) dst(%arg5 : memref<256xi32, #tpu.memory_space<vmem>>)
      tpu.yield
    }) : () -> ()
    %dma_start3A_96 = arith.constant 0 : i32
    %dma_start3A_97 = arith.constant 0 : i32
    %dma_start3A_98 = tpu.memref_slice %arg2[%dma_start3A_96, %dma_start3A_97] : memref<1024x128xf32, #tpu.memory_space<hbm>> -> memref<1024x128xf32, #tpu.memory_space<hbm>>
    tpu.enqueue_indirect_dma source(%dma_start3A_98 : memref<1024x128xf32, #tpu.memory_space<hbm>>) target(%arg7 : memref<256x128xf32, #tpu.memory_space<vmem>>) offsets(%arg5 : memref<256xi32, #tpu.memory_space<vmem>>) semaphore(%arg9 : memref<!tpu.dma_semaphore, #tpu.memory_space<semaphore_mem>>)
    %dma_wait3A_99 = arith.constant 0 : i32
    %dma_wait3A_100 = arith.constant 0 : i32
    %dma_wait3A_101 = tpu.memref_slice %arg2[%dma_wait3A_99, %dma_wait3A_100] : memref<1024x128xf32, #tpu.memory_space<hbm>> -> memref<1024x128xf32, #tpu.memory_space<hbm>>
    tpu.wait_indirect_dma semaphore(%arg10 : memref<!tpu.dma_semaphore, #tpu.memory_space<semaphore_mem>>) src(%dma_wait3A_101 : memref<1024x128xf32, #tpu.memory_space<hbm>>) dst(%arg8 : memref<256x128xf32, #tpu.memory_space<vmem>>)
    %add3A_102 = arith.constant 1280 : i32
    %add3A_103 = arith.addi %mul3A_2, %add3A_102 : i32
    %dma_start3A_104 = arith.constant 0 : i32
    %dma_start3A_105 = tpu.memref_slice %arg4[%add3A_103, %dma_start3A_104] : memref<131072x128xf32, #tpu.memory_space<hbm>> -> memref<256x128xf32, #tpu.memory_space<hbm>>
    %dma_start3A_106 = arith.constant 0 : i32
    %dma_start3A_107 = tpu.memref_slice %arg4[%add3A_103, %dma_start3A_106] : memref<131072x128xf32, #tpu.memory_space<hbm>> -> memref<256x128xf32, #tpu.memory_space<hbm>>
    tpu.enqueue_dma source(%arg8 : memref<256x128xf32, #tpu.memory_space<vmem>>) target(%dma_start3A_107 : memref<256x128xf32, #tpu.memory_space<hbm>>) target_semaphore(%arg12 : memref<!tpu.dma_semaphore, #tpu.memory_space<semaphore_mem>>)
    %dma_wait3A_108 = arith.constant 0 : i32
    %dma_wait3A_109 = tpu.memref_slice %arg4[%add3A_103, %dma_wait3A_108] : memref<131072x128xf32, #tpu.memory_space<hbm>> -> memref<256x128xf32, #tpu.memory_space<hbm>>
    %dma_wait3A_110 = arith.constant 0 : i32
    %dma_wait3A_111 = tpu.memref_slice %arg4[%add3A_103, %dma_wait3A_110] : memref<131072x128xf32, #tpu.memory_space<hbm>> -> memref<256x128xf32, #tpu.memory_space<hbm>>
    tpu.wait_dma2 semaphore(%arg12 : memref<!tpu.dma_semaphore, #tpu.memory_space<semaphore_mem>>) src(%arg8 : memref<256x128xf32, #tpu.memory_space<vmem>>) dst(%dma_wait3A_111 : memref<256x128xf32, #tpu.memory_space<hbm>>)
    %add3A_112 = arith.constant 1792 : i32
    %add3A_113 = arith.addi %mul3A_2, %add3A_112 : i32
    "tpu.region"() ({
      %run_scoped3A = tpu.sem_alloc : memref<!tpu.dma_semaphore, #tpu.memory_space<semaphore_mem>>
      %dma_start3A_287 = tpu.memref_slice %arg3[%add3A_113] : memref<131072xi32, #tpu.memory_space<hbm>> -> memref<256xi32, #tpu.memory_space<hbm>>
      %dma_start3A_288 = tpu.memref_slice %arg3[%add3A_113] : memref<131072xi32, #tpu.memory_space<hbm>> -> memref<256xi32, #tpu.memory_space<hbm>>
      tpu.enqueue_dma source(%dma_start3A_288 : memref<256xi32, #tpu.memory_space<hbm>>) target(%arg6 : memref<256xi32, #tpu.memory_space<vmem>>) target_semaphore(%run_scoped3A : memref<!tpu.dma_semaphore, #tpu.memory_space<semaphore_mem>>)
      %dma_wait3A_289 = tpu.memref_slice %arg3[%add3A_113] : memref<131072xi32, #tpu.memory_space<hbm>> -> memref<256xi32, #tpu.memory_space<hbm>>
      %dma_wait3A_290 = tpu.memref_slice %arg3[%add3A_113] : memref<131072xi32, #tpu.memory_space<hbm>> -> memref<256xi32, #tpu.memory_space<hbm>>
      tpu.wait_dma2 semaphore(%run_scoped3A : memref<!tpu.dma_semaphore, #tpu.memory_space<semaphore_mem>>) src(%dma_wait3A_290 : memref<256xi32, #tpu.memory_space<hbm>>) dst(%arg6 : memref<256xi32, #tpu.memory_space<vmem>>)
      tpu.yield
    }) : () -> ()
    %dma_start3A_114 = arith.constant 0 : i32
    %dma_start3A_115 = arith.constant 0 : i32
    %dma_start3A_116 = tpu.memref_slice %arg2[%dma_start3A_114, %dma_start3A_115] : memref<1024x128xf32, #tpu.memory_space<hbm>> -> memref<1024x128xf32, #tpu.memory_space<hbm>>
    tpu.enqueue_indirect_dma source(%dma_start3A_116 : memref<1024x128xf32, #tpu.memory_space<hbm>>) target(%arg8 : memref<256x128xf32, #tpu.memory_space<vmem>>) offsets(%arg6 : memref<256xi32, #tpu.memory_space<vmem>>) semaphore(%arg10 : memref<!tpu.dma_semaphore, #tpu.memory_space<semaphore_mem>>)
    %dma_wait3A_117 = arith.constant 0 : i32
    %dma_wait3A_118 = arith.constant 0 : i32
    %dma_wait3A_119 = tpu.memref_slice %arg2[%dma_wait3A_117, %dma_wait3A_118] : memref<1024x128xf32, #tpu.memory_space<hbm>> -> memref<1024x128xf32, #tpu.memory_space<hbm>>
    tpu.wait_indirect_dma semaphore(%arg9 : memref<!tpu.dma_semaphore, #tpu.memory_space<semaphore_mem>>) src(%dma_wait3A_119 : memref<1024x128xf32, #tpu.memory_space<hbm>>) dst(%arg7 : memref<256x128xf32, #tpu.memory_space<vmem>>)
    %add3A_120 = arith.constant 1536 : i32
    %add3A_121 = arith.addi %mul3A_2, %add3A_120 : i32
    %dma_start3A_122 = arith.constant 0 : i32
    %dma_start3A_123 = tpu.memref_slice %arg4[%add3A_121, %dma_start3A_122] : memref<131072x128xf32, #tpu.memory_space<hbm>> -> memref<256x128xf32, #tpu.memory_space<hbm>>
    %dma_start3A_124 = arith.constant 0 : i32
    %dma_start3A_125 = tpu.memref_slice %arg4[%add3A_121, %dma_start3A_124] : memref<131072x128xf32, #tpu.memory_space<hbm>> -> memref<256x128xf32, #tpu.memory_space<hbm>>
    tpu.enqueue_dma source(%arg7 : memref<256x128xf32, #tpu.memory_space<vmem>>) target(%dma_start3A_125 : memref<256x128xf32, #tpu.memory_space<hbm>>) target_semaphore(%arg11 : memref<!tpu.dma_semaphore, #tpu.memory_space<semaphore_mem>>)
    %dma_wait3A_126 = arith.constant 0 : i32
    %dma_wait3A_127 = tpu.memref_slice %arg4[%add3A_121, %dma_wait3A_126] : memref<131072x128xf32, #tpu.memory_space<hbm>> -> memref<256x128xf32, #tpu.memory_space<hbm>>
    %dma_wait3A_128 = arith.constant 0 : i32
    %dma_wait3A_129 = tpu.memref_slice %arg4[%add3A_121, %dma_wait3A_128] : memref<131072x128xf32, #tpu.memory_space<hbm>> -> memref<256x128xf32, #tpu.memory_space<hbm>>
    tpu.wait_dma2 semaphore(%arg11 : memref<!tpu.dma_semaphore, #tpu.memory_space<semaphore_mem>>) src(%arg7 : memref<256x128xf32, #tpu.memory_space<vmem>>) dst(%dma_wait3A_129 : memref<256x128xf32, #tpu.memory_space<hbm>>)
    %add3A_130 = arith.constant 2048 : i32
    %add3A_131 = arith.addi %mul3A_2, %add3A_130 : i32
    "tpu.region"() ({
      %run_scoped3A = tpu.sem_alloc : memref<!tpu.dma_semaphore, #tpu.memory_space<semaphore_mem>>
      %dma_start3A_287 = tpu.memref_slice %arg3[%add3A_131] : memref<131072xi32, #tpu.memory_space<hbm>> -> memref<256xi32, #tpu.memory_space<hbm>>
      %dma_start3A_288 = tpu.memref_slice %arg3[%add3A_131] : memref<131072xi32, #tpu.memory_space<hbm>> -> memref<256xi32, #tpu.memory_space<hbm>>
      tpu.enqueue_dma source(%dma_start3A_288 : memref<256xi32, #tpu.memory_space<hbm>>) target(%arg5 : memref<256xi32, #tpu.memory_space<vmem>>) target_semaphore(%run_scoped3A : memref<!tpu.dma_semaphore, #tpu.memory_space<semaphore_mem>>)
      %dma_wait3A_289 = tpu.memref_slice %arg3[%add3A_131] : memref<131072xi32, #tpu.memory_space<hbm>> -> memref<256xi32, #tpu.memory_space<hbm>>
      %dma_wait3A_290 = tpu.memref_slice %arg3[%add3A_131] : memref<131072xi32, #tpu.memory_space<hbm>> -> memref<256xi32, #tpu.memory_space<hbm>>
      tpu.wait_dma2 semaphore(%run_scoped3A : memref<!tpu.dma_semaphore, #tpu.memory_space<semaphore_mem>>) src(%dma_wait3A_290 : memref<256xi32, #tpu.memory_space<hbm>>) dst(%arg5 : memref<256xi32, #tpu.memory_space<vmem>>)
      tpu.yield
    }) : () -> ()
    %dma_start3A_132 = arith.constant 0 : i32
    %dma_start3A_133 = arith.constant 0 : i32
    %dma_start3A_134 = tpu.memref_slice %arg2[%dma_start3A_132, %dma_start3A_133] : memref<1024x128xf32, #tpu.memory_space<hbm>> -> memref<1024x128xf32, #tpu.memory_space<hbm>>
    tpu.enqueue_indirect_dma source(%dma_start3A_134 : memref<1024x128xf32, #tpu.memory_space<hbm>>) target(%arg7 : memref<256x128xf32, #tpu.memory_space<vmem>>) offsets(%arg5 : memref<256xi32, #tpu.memory_space<vmem>>) semaphore(%arg9 : memref<!tpu.dma_semaphore, #tpu.memory_space<semaphore_mem>>)
    %dma_wait3A_135 = arith.constant 0 : i32
    %dma_wait3A_136 = arith.constant 0 : i32
    %dma_wait3A_137 = tpu.memref_slice %arg2[%dma_wait3A_135, %dma_wait3A_136] : memref<1024x128xf32, #tpu.memory_space<hbm>> -> memref<1024x128xf32, #tpu.memory_space<hbm>>
    tpu.wait_indirect_dma semaphore(%arg10 : memref<!tpu.dma_semaphore, #tpu.memory_space<semaphore_mem>>) src(%dma_wait3A_137 : memref<1024x128xf32, #tpu.memory_space<hbm>>) dst(%arg8 : memref<256x128xf32, #tpu.memory_space<vmem>>)
    %add3A_138 = arith.constant 1792 : i32
    %add3A_139 = arith.addi %mul3A_2, %add3A_138 : i32
    %dma_start3A_140 = arith.constant 0 : i32
    %dma_start3A_141 = tpu.memref_slice %arg4[%add3A_139, %dma_start3A_140] : memref<131072x128xf32, #tpu.memory_space<hbm>> -> memref<256x128xf32, #tpu.memory_space<hbm>>
    %dma_start3A_142 = arith.constant 0 : i32
    %dma_start3A_143 = tpu.memref_slice %arg4[%add3A_139, %dma_start3A_142] : memref<131072x128xf32, #tpu.memory_space<hbm>> -> memref<256x128xf32, #tpu.memory_space<hbm>>
    tpu.enqueue_dma source(%arg8 : memref<256x128xf32, #tpu.memory_space<vmem>>) target(%dma_start3A_143 : memref<256x128xf32, #tpu.memory_space<hbm>>) target_semaphore(%arg12 : memref<!tpu.dma_semaphore, #tpu.memory_space<semaphore_mem>>)
    %dma_wait3A_144 = arith.constant 0 : i32
    %dma_wait3A_145 = tpu.memref_slice %arg4[%add3A_139, %dma_wait3A_144] : memref<131072x128xf32, #tpu.memory_space<hbm>> -> memref<256x128xf32, #tpu.memory_space<hbm>>
    %dma_wait3A_146 = arith.constant 0 : i32
    %dma_wait3A_147 = tpu.memref_slice %arg4[%add3A_139, %dma_wait3A_146] : memref<131072x128xf32, #tpu.memory_space<hbm>> -> memref<256x128xf32, #tpu.memory_space<hbm>>
    tpu.wait_dma2 semaphore(%arg12 : memref<!tpu.dma_semaphore, #tpu.memory_space<semaphore_mem>>) src(%arg8 : memref<256x128xf32, #tpu.memory_space<vmem>>) dst(%dma_wait3A_147 : memref<256x128xf32, #tpu.memory_space<hbm>>)
    %add3A_148 = arith.constant 2304 : i32
    %add3A_149 = arith.addi %mul3A_2, %add3A_148 : i32
    "tpu.region"() ({
      %run_scoped3A = tpu.sem_alloc : memref<!tpu.dma_semaphore, #tpu.memory_space<semaphore_mem>>
      %dma_start3A_287 = tpu.memref_slice %arg3[%add3A_149] : memref<131072xi32, #tpu.memory_space<hbm>> -> memref<256xi32, #tpu.memory_space<hbm>>
      %dma_start3A_288 = tpu.memref_slice %arg3[%add3A_149] : memref<131072xi32, #tpu.memory_space<hbm>> -> memref<256xi32, #tpu.memory_space<hbm>>
      tpu.enqueue_dma source(%dma_start3A_288 : memref<256xi32, #tpu.memory_space<hbm>>) target(%arg6 : memref<256xi32, #tpu.memory_space<vmem>>) target_semaphore(%run_scoped3A : memref<!tpu.dma_semaphore, #tpu.memory_space<semaphore_mem>>)
      %dma_wait3A_289 = tpu.memref_slice %arg3[%add3A_149] : memref<131072xi32, #tpu.memory_space<hbm>> -> memref<256xi32, #tpu.memory_space<hbm>>
      %dma_wait3A_290 = tpu.memref_slice %arg3[%add3A_149] : memref<131072xi32, #tpu.memory_space<hbm>> -> memref<256xi32, #tpu.memory_space<hbm>>
      tpu.wait_dma2 semaphore(%run_scoped3A : memref<!tpu.dma_semaphore, #tpu.memory_space<semaphore_mem>>) src(%dma_wait3A_290 : memref<256xi32, #tpu.memory_space<hbm>>) dst(%arg6 : memref<256xi32, #tpu.memory_space<vmem>>)
      tpu.yield
    }) : () -> ()
    %dma_start3A_150 = arith.constant 0 : i32
    %dma_start3A_151 = arith.constant 0 : i32
    %dma_start3A_152 = tpu.memref_slice %arg2[%dma_start3A_150, %dma_start3A_151] : memref<1024x128xf32, #tpu.memory_space<hbm>> -> memref<1024x128xf32, #tpu.memory_space<hbm>>
    tpu.enqueue_indirect_dma source(%dma_start3A_152 : memref<1024x128xf32, #tpu.memory_space<hbm>>) target(%arg8 : memref<256x128xf32, #tpu.memory_space<vmem>>) offsets(%arg6 : memref<256xi32, #tpu.memory_space<vmem>>) semaphore(%arg10 : memref<!tpu.dma_semaphore, #tpu.memory_space<semaphore_mem>>)
    %dma_wait3A_153 = arith.constant 0 : i32
    %dma_wait3A_154 = arith.constant 0 : i32
    %dma_wait3A_155 = tpu.memref_slice %arg2[%dma_wait3A_153, %dma_wait3A_154] : memref<1024x128xf32, #tpu.memory_space<hbm>> -> memref<1024x128xf32, #tpu.memory_space<hbm>>
    tpu.wait_indirect_dma semaphore(%arg9 : memref<!tpu.dma_semaphore, #tpu.memory_space<semaphore_mem>>) src(%dma_wait3A_155 : memref<1024x128xf32, #tpu.memory_space<hbm>>) dst(%arg7 : memref<256x128xf32, #tpu.memory_space<vmem>>)
    %add3A_156 = arith.constant 2048 : i32
    %add3A_157 = arith.addi %mul3A_2, %add3A_156 : i32
    %dma_start3A_158 = arith.constant 0 : i32
    %dma_start3A_159 = tpu.memref_slice %arg4[%add3A_157, %dma_start3A_158] : memref<131072x128xf32, #tpu.memory_space<hbm>> -> memref<256x128xf32, #tpu.memory_space<hbm>>
    %dma_start3A_160 = arith.constant 0 : i32
    %dma_start3A_161 = tpu.memref_slice %arg4[%add3A_157, %dma_start3A_160] : memref<131072x128xf32, #tpu.memory_space<hbm>> -> memref<256x128xf32, #tpu.memory_space<hbm>>
    tpu.enqueue_dma source(%arg7 : memref<256x128xf32, #tpu.memory_space<vmem>>) target(%dma_start3A_161 : memref<256x128xf32, #tpu.memory_space<hbm>>) target_semaphore(%arg11 : memref<!tpu.dma_semaphore, #tpu.memory_space<semaphore_mem>>)
    %dma_wait3A_162 = arith.constant 0 : i32
    %dma_wait3A_163 = tpu.memref_slice %arg4[%add3A_157, %dma_wait3A_162] : memref<131072x128xf32, #tpu.memory_space<hbm>> -> memref<256x128xf32, #tpu.memory_space<hbm>>
    %dma_wait3A_164 = arith.constant 0 : i32
    %dma_wait3A_165 = tpu.memref_slice %arg4[%add3A_157, %dma_wait3A_164] : memref<131072x128xf32, #tpu.memory_space<hbm>> -> memref<256x128xf32, #tpu.memory_space<hbm>>
    tpu.wait_dma2 semaphore(%arg11 : memref<!tpu.dma_semaphore, #tpu.memory_space<semaphore_mem>>) src(%arg7 : memref<256x128xf32, #tpu.memory_space<vmem>>) dst(%dma_wait3A_165 : memref<256x128xf32, #tpu.memory_space<hbm>>)
    %add3A_166 = arith.constant 2560 : i32
    %add3A_167 = arith.addi %mul3A_2, %add3A_166 : i32
    "tpu.region"() ({
      %run_scoped3A = tpu.sem_alloc : memref<!tpu.dma_semaphore, #tpu.memory_space<semaphore_mem>>
      %dma_start3A_287 = tpu.memref_slice %arg3[%add3A_167] : memref<131072xi32, #tpu.memory_space<hbm>> -> memref<256xi32, #tpu.memory_space<hbm>>
      %dma_start3A_288 = tpu.memref_slice %arg3[%add3A_167] : memref<131072xi32, #tpu.memory_space<hbm>> -> memref<256xi32, #tpu.memory_space<hbm>>
      tpu.enqueue_dma source(%dma_start3A_288 : memref<256xi32, #tpu.memory_space<hbm>>) target(%arg5 : memref<256xi32, #tpu.memory_space<vmem>>) target_semaphore(%run_scoped3A : memref<!tpu.dma_semaphore, #tpu.memory_space<semaphore_mem>>)
      %dma_wait3A_289 = tpu.memref_slice %arg3[%add3A_167] : memref<131072xi32, #tpu.memory_space<hbm>> -> memref<256xi32, #tpu.memory_space<hbm>>
      %dma_wait3A_290 = tpu.memref_slice %arg3[%add3A_167] : memref<131072xi32, #tpu.memory_space<hbm>> -> memref<256xi32, #tpu.memory_space<hbm>>
      tpu.wait_dma2 semaphore(%run_scoped3A : memref<!tpu.dma_semaphore, #tpu.memory_space<semaphore_mem>>) src(%dma_wait3A_290 : memref<256xi32, #tpu.memory_space<hbm>>) dst(%arg5 : memref<256xi32, #tpu.memory_space<vmem>>)
      tpu.yield
    }) : () -> ()
    %dma_start3A_168 = arith.constant 0 : i32
    %dma_start3A_169 = arith.constant 0 : i32
    %dma_start3A_170 = tpu.memref_slice %arg2[%dma_start3A_168, %dma_start3A_169] : memref<1024x128xf32, #tpu.memory_space<hbm>> -> memref<1024x128xf32, #tpu.memory_space<hbm>>
    tpu.enqueue_indirect_dma source(%dma_start3A_170 : memref<1024x128xf32, #tpu.memory_space<hbm>>) target(%arg7 : memref<256x128xf32, #tpu.memory_space<vmem>>) offsets(%arg5 : memref<256xi32, #tpu.memory_space<vmem>>) semaphore(%arg9 : memref<!tpu.dma_semaphore, #tpu.memory_space<semaphore_mem>>)
    %dma_wait3A_171 = arith.constant 0 : i32
    %dma_wait3A_172 = arith.constant 0 : i32
    %dma_wait3A_173 = tpu.memref_slice %arg2[%dma_wait3A_171, %dma_wait3A_172] : memref<1024x128xf32, #tpu.memory_space<hbm>> -> memref<1024x128xf32, #tpu.memory_space<hbm>>
    tpu.wait_indirect_dma semaphore(%arg10 : memref<!tpu.dma_semaphore, #tpu.memory_space<semaphore_mem>>) src(%dma_wait3A_173 : memref<1024x128xf32, #tpu.memory_space<hbm>>) dst(%arg8 : memref<256x128xf32, #tpu.memory_space<vmem>>)
    %add3A_174 = arith.constant 2304 : i32
    %add3A_175 = arith.addi %mul3A_2, %add3A_174 : i32
    %dma_start3A_176 = arith.constant 0 : i32
    %dma_start3A_177 = tpu.memref_slice %arg4[%add3A_175, %dma_start3A_176] : memref<131072x128xf32, #tpu.memory_space<hbm>> -> memref<256x128xf32, #tpu.memory_space<hbm>>
    %dma_start3A_178 = arith.constant 0 : i32
    %dma_start3A_179 = tpu.memref_slice %arg4[%add3A_175, %dma_start3A_178] : memref<131072x128xf32, #tpu.memory_space<hbm>> -> memref<256x128xf32, #tpu.memory_space<hbm>>
    tpu.enqueue_dma source(%arg8 : memref<256x128xf32, #tpu.memory_space<vmem>>) target(%dma_start3A_179 : memref<256x128xf32, #tpu.memory_space<hbm>>) target_semaphore(%arg12 : memref<!tpu.dma_semaphore, #tpu.memory_space<semaphore_mem>>)
    %dma_wait3A_180 = arith.constant 0 : i32
    %dma_wait3A_181 = tpu.memref_slice %arg4[%add3A_175, %dma_wait3A_180] : memref<131072x128xf32, #tpu.memory_space<hbm>> -> memref<256x128xf32, #tpu.memory_space<hbm>>
    %dma_wait3A_182 = arith.constant 0 : i32
    %dma_wait3A_183 = tpu.memref_slice %arg4[%add3A_175, %dma_wait3A_182] : memref<131072x128xf32, #tpu.memory_space<hbm>> -> memref<256x128xf32, #tpu.memory_space<hbm>>
    tpu.wait_dma2 semaphore(%arg12 : memref<!tpu.dma_semaphore, #tpu.memory_space<semaphore_mem>>) src(%arg8 : memref<256x128xf32, #tpu.memory_space<vmem>>) dst(%dma_wait3A_183 : memref<256x128xf32, #tpu.memory_space<hbm>>)
    %add3A_184 = arith.constant 2816 : i32
    %add3A_185 = arith.addi %mul3A_2, %add3A_184 : i32
    "tpu.region"() ({
      %run_scoped3A = tpu.sem_alloc : memref<!tpu.dma_semaphore, #tpu.memory_space<semaphore_mem>>
      %dma_start3A_287 = tpu.memref_slice %arg3[%add3A_185] : memref<131072xi32, #tpu.memory_space<hbm>> -> memref<256xi32, #tpu.memory_space<hbm>>
      %dma_start3A_288 = tpu.memref_slice %arg3[%add3A_185] : memref<131072xi32, #tpu.memory_space<hbm>> -> memref<256xi32, #tpu.memory_space<hbm>>
      tpu.enqueue_dma source(%dma_start3A_288 : memref<256xi32, #tpu.memory_space<hbm>>) target(%arg6 : memref<256xi32, #tpu.memory_space<vmem>>) target_semaphore(%run_scoped3A : memref<!tpu.dma_semaphore, #tpu.memory_space<semaphore_mem>>)
      %dma_wait3A_289 = tpu.memref_slice %arg3[%add3A_185] : memref<131072xi32, #tpu.memory_space<hbm>> -> memref<256xi32, #tpu.memory_space<hbm>>
      %dma_wait3A_290 = tpu.memref_slice %arg3[%add3A_185] : memref<131072xi32, #tpu.memory_space<hbm>> -> memref<256xi32, #tpu.memory_space<hbm>>
      tpu.wait_dma2 semaphore(%run_scoped3A : memref<!tpu.dma_semaphore, #tpu.memory_space<semaphore_mem>>) src(%dma_wait3A_290 : memref<256xi32, #tpu.memory_space<hbm>>) dst(%arg6 : memref<256xi32, #tpu.memory_space<vmem>>)
      tpu.yield
    }) : () -> ()
    %dma_start3A_186 = arith.constant 0 : i32
    %dma_start3A_187 = arith.constant 0 : i32
    %dma_start3A_188 = tpu.memref_slice %arg2[%dma_start3A_186, %dma_start3A_187] : memref<1024x128xf32, #tpu.memory_space<hbm>> -> memref<1024x128xf32, #tpu.memory_space<hbm>>
    tpu.enqueue_indirect_dma source(%dma_start3A_188 : memref<1024x128xf32, #tpu.memory_space<hbm>>) target(%arg8 : memref<256x128xf32, #tpu.memory_space<vmem>>) offsets(%arg6 : memref<256xi32, #tpu.memory_space<vmem>>) semaphore(%arg10 : memref<!tpu.dma_semaphore, #tpu.memory_space<semaphore_mem>>)
    %dma_wait3A_189 = arith.constant 0 : i32
    %dma_wait3A_190 = arith.constant 0 : i32
    %dma_wait3A_191 = tpu.memref_slice %arg2[%dma_wait3A_189, %dma_wait3A_190] : memref<1024x128xf32, #tpu.memory_space<hbm>> -> memref<1024x128xf32, #tpu.memory_space<hbm>>
    tpu.wait_indirect_dma semaphore(%arg9 : memref<!tpu.dma_semaphore, #tpu.memory_space<semaphore_mem>>) src(%dma_wait3A_191 : memref<1024x128xf32, #tpu.memory_space<hbm>>) dst(%arg7 : memref<256x128xf32, #tpu.memory_space<vmem>>)
    %add3A_192 = arith.constant 2560 : i32
    %add3A_193 = arith.addi %mul3A_2, %add3A_192 : i32
    %dma_start3A_194 = arith.constant 0 : i32
    %dma_start3A_195 = tpu.memref_slice %arg4[%add3A_193, %dma_start3A_194] : memref<131072x128xf32, #tpu.memory_space<hbm>> -> memref<256x128xf32, #tpu.memory_space<hbm>>
    %dma_start3A_196 = arith.constant 0 : i32
    %dma_start3A_197 = tpu.memref_slice %arg4[%add3A_193, %dma_start3A_196] : memref<131072x128xf32, #tpu.memory_space<hbm>> -> memref<256x128xf32, #tpu.memory_space<hbm>>
    tpu.enqueue_dma source(%arg7 : memref<256x128xf32, #tpu.memory_space<vmem>>) target(%dma_start3A_197 : memref<256x128xf32, #tpu.memory_space<hbm>>) target_semaphore(%arg11 : memref<!tpu.dma_semaphore, #tpu.memory_space<semaphore_mem>>)
    %dma_wait3A_198 = arith.constant 0 : i32
    %dma_wait3A_199 = tpu.memref_slice %arg4[%add3A_193, %dma_wait3A_198] : memref<131072x128xf32, #tpu.memory_space<hbm>> -> memref<256x128xf32, #tpu.memory_space<hbm>>
    %dma_wait3A_200 = arith.constant 0 : i32
    %dma_wait3A_201 = tpu.memref_slice %arg4[%add3A_193, %dma_wait3A_200] : memref<131072x128xf32, #tpu.memory_space<hbm>> -> memref<256x128xf32, #tpu.memory_space<hbm>>
    tpu.wait_dma2 semaphore(%arg11 : memref<!tpu.dma_semaphore, #tpu.memory_space<semaphore_mem>>) src(%arg7 : memref<256x128xf32, #tpu.memory_space<vmem>>) dst(%dma_wait3A_201 : memref<256x128xf32, #tpu.memory_space<hbm>>)
    %add3A_202 = arith.constant 3072 : i32
    %add3A_203 = arith.addi %mul3A_2, %add3A_202 : i32
    "tpu.region"() ({
      %run_scoped3A = tpu.sem_alloc : memref<!tpu.dma_semaphore, #tpu.memory_space<semaphore_mem>>
      %dma_start3A_287 = tpu.memref_slice %arg3[%add3A_203] : memref<131072xi32, #tpu.memory_space<hbm>> -> memref<256xi32, #tpu.memory_space<hbm>>
      %dma_start3A_288 = tpu.memref_slice %arg3[%add3A_203] : memref<131072xi32, #tpu.memory_space<hbm>> -> memref<256xi32, #tpu.memory_space<hbm>>
      tpu.enqueue_dma source(%dma_start3A_288 : memref<256xi32, #tpu.memory_space<hbm>>) target(%arg5 : memref<256xi32, #tpu.memory_space<vmem>>) target_semaphore(%run_scoped3A : memref<!tpu.dma_semaphore, #tpu.memory_space<semaphore_mem>>)
      %dma_wait3A_289 = tpu.memref_slice %arg3[%add3A_203] : memref<131072xi32, #tpu.memory_space<hbm>> -> memref<256xi32, #tpu.memory_space<hbm>>
      %dma_wait3A_290 = tpu.memref_slice %arg3[%add3A_203] : memref<131072xi32, #tpu.memory_space<hbm>> -> memref<256xi32, #tpu.memory_space<hbm>>
      tpu.wait_dma2 semaphore(%run_scoped3A : memref<!tpu.dma_semaphore, #tpu.memory_space<semaphore_mem>>) src(%dma_wait3A_290 : memref<256xi32, #tpu.memory_space<hbm>>) dst(%arg5 : memref<256xi32, #tpu.memory_space<vmem>>)
      tpu.yield
    }) : () -> ()
    %dma_start3A_204 = arith.constant 0 : i32
    %dma_start3A_205 = arith.constant 0 : i32
    %dma_start3A_206 = tpu.memref_slice %arg2[%dma_start3A_204, %dma_start3A_205] : memref<1024x128xf32, #tpu.memory_space<hbm>> -> memref<1024x128xf32, #tpu.memory_space<hbm>>
    tpu.enqueue_indirect_dma source(%dma_start3A_206 : memref<1024x128xf32, #tpu.memory_space<hbm>>) target(%arg7 : memref<256x128xf32, #tpu.memory_space<vmem>>) offsets(%arg5 : memref<256xi32, #tpu.memory_space<vmem>>) semaphore(%arg9 : memref<!tpu.dma_semaphore, #tpu.memory_space<semaphore_mem>>)
    %dma_wait3A_207 = arith.constant 0 : i32
    %dma_wait3A_208 = arith.constant 0 : i32
    %dma_wait3A_209 = tpu.memref_slice %arg2[%dma_wait3A_207, %dma_wait3A_208] : memref<1024x128xf32, #tpu.memory_space<hbm>> -> memref<1024x128xf32, #tpu.memory_space<hbm>>
    tpu.wait_indirect_dma semaphore(%arg10 : memref<!tpu.dma_semaphore, #tpu.memory_space<semaphore_mem>>) src(%dma_wait3A_209 : memref<1024x128xf32, #tpu.memory_space<hbm>>) dst(%arg8 : memref<256x128xf32, #tpu.memory_space<vmem>>)
    %add3A_210 = arith.constant 2816 : i32
    %add3A_211 = arith.addi %mul3A_2, %add3A_210 : i32
    %dma_start3A_212 = arith.constant 0 : i32
    %dma_start3A_213 = tpu.memref_slice %arg4[%add3A_211, %dma_start3A_212] : memref<131072x128xf32, #tpu.memory_space<hbm>> -> memref<256x128xf32, #tpu.memory_space<hbm>>
    %dma_start3A_214 = arith.constant 0 : i32
    %dma_start3A_215 = tpu.memref_slice %arg4[%add3A_211, %dma_start3A_214] : memref<131072x128xf32, #tpu.memory_space<hbm>> -> memref<256x128xf32, #tpu.memory_space<hbm>>
    tpu.enqueue_dma source(%arg8 : memref<256x128xf32, #tpu.memory_space<vmem>>) target(%dma_start3A_215 : memref<256x128xf32, #tpu.memory_space<hbm>>) target_semaphore(%arg12 : memref<!tpu.dma_semaphore, #tpu.memory_space<semaphore_mem>>)
    %dma_wait3A_216 = arith.constant 0 : i32
    %dma_wait3A_217 = tpu.memref_slice %arg4[%add3A_211, %dma_wait3A_216] : memref<131072x128xf32, #tpu.memory_space<hbm>> -> memref<256x128xf32, #tpu.memory_space<hbm>>
    %dma_wait3A_218 = arith.constant 0 : i32
    %dma_wait3A_219 = tpu.memref_slice %arg4[%add3A_211, %dma_wait3A_218] : memref<131072x128xf32, #tpu.memory_space<hbm>> -> memref<256x128xf32, #tpu.memory_space<hbm>>
    tpu.wait_dma2 semaphore(%arg12 : memref<!tpu.dma_semaphore, #tpu.memory_space<semaphore_mem>>) src(%arg8 : memref<256x128xf32, #tpu.memory_space<vmem>>) dst(%dma_wait3A_219 : memref<256x128xf32, #tpu.memory_space<hbm>>)
    %add3A_220 = arith.constant 3328 : i32
    %add3A_221 = arith.addi %mul3A_2, %add3A_220 : i32
    "tpu.region"() ({
      %run_scoped3A = tpu.sem_alloc : memref<!tpu.dma_semaphore, #tpu.memory_space<semaphore_mem>>
      %dma_start3A_287 = tpu.memref_slice %arg3[%add3A_221] : memref<131072xi32, #tpu.memory_space<hbm>> -> memref<256xi32, #tpu.memory_space<hbm>>
      %dma_start3A_288 = tpu.memref_slice %arg3[%add3A_221] : memref<131072xi32, #tpu.memory_space<hbm>> -> memref<256xi32, #tpu.memory_space<hbm>>
      tpu.enqueue_dma source(%dma_start3A_288 : memref<256xi32, #tpu.memory_space<hbm>>) target(%arg6 : memref<256xi32, #tpu.memory_space<vmem>>) target_semaphore(%run_scoped3A : memref<!tpu.dma_semaphore, #tpu.memory_space<semaphore_mem>>)
      %dma_wait3A_289 = tpu.memref_slice %arg3[%add3A_221] : memref<131072xi32, #tpu.memory_space<hbm>> -> memref<256xi32, #tpu.memory_space<hbm>>
      %dma_wait3A_290 = tpu.memref_slice %arg3[%add3A_221] : memref<131072xi32, #tpu.memory_space<hbm>> -> memref<256xi32, #tpu.memory_space<hbm>>
      tpu.wait_dma2 semaphore(%run_scoped3A : memref<!tpu.dma_semaphore, #tpu.memory_space<semaphore_mem>>) src(%dma_wait3A_290 : memref<256xi32, #tpu.memory_space<hbm>>) dst(%arg6 : memref<256xi32, #tpu.memory_space<vmem>>)
      tpu.yield
    }) : () -> ()
    %dma_start3A_222 = arith.constant 0 : i32
    %dma_start3A_223 = arith.constant 0 : i32
    %dma_start3A_224 = tpu.memref_slice %arg2[%dma_start3A_222, %dma_start3A_223] : memref<1024x128xf32, #tpu.memory_space<hbm>> -> memref<1024x128xf32, #tpu.memory_space<hbm>>
    tpu.enqueue_indirect_dma source(%dma_start3A_224 : memref<1024x128xf32, #tpu.memory_space<hbm>>) target(%arg8 : memref<256x128xf32, #tpu.memory_space<vmem>>) offsets(%arg6 : memref<256xi32, #tpu.memory_space<vmem>>) semaphore(%arg10 : memref<!tpu.dma_semaphore, #tpu.memory_space<semaphore_mem>>)
    %dma_wait3A_225 = arith.constant 0 : i32
    %dma_wait3A_226 = arith.constant 0 : i32
    %dma_wait3A_227 = tpu.memref_slice %arg2[%dma_wait3A_225, %dma_wait3A_226] : memref<1024x128xf32, #tpu.memory_space<hbm>> -> memref<1024x128xf32, #tpu.memory_space<hbm>>
    tpu.wait_indirect_dma semaphore(%arg9 : memref<!tpu.dma_semaphore, #tpu.memory_space<semaphore_mem>>) src(%dma_wait3A_227 : memref<1024x128xf32, #tpu.memory_space<hbm>>) dst(%arg7 : memref<256x128xf32, #tpu.memory_space<vmem>>)
    %add3A_228 = arith.constant 3072 : i32
    %add3A_229 = arith.addi %mul3A_2, %add3A_228 : i32
    %dma_start3A_230 = arith.constant 0 : i32
    %dma_start3A_231 = tpu.memref_slice %arg4[%add3A_229, %dma_start3A_230] : memref<131072x128xf32, #tpu.memory_space<hbm>> -> memref<256x128xf32, #tpu.memory_space<hbm>>
    %dma_start3A_232 = arith.constant 0 : i32
    %dma_start3A_233 = tpu.memref_slice %arg4[%add3A_229, %dma_start3A_232] : memref<131072x128xf32, #tpu.memory_space<hbm>> -> memref<256x128xf32, #tpu.memory_space<hbm>>
    tpu.enqueue_dma source(%arg7 : memref<256x128xf32, #tpu.memory_space<vmem>>) target(%dma_start3A_233 : memref<256x128xf32, #tpu.memory_space<hbm>>) target_semaphore(%arg11 : memref<!tpu.dma_semaphore, #tpu.memory_space<semaphore_mem>>)
    %dma_wait3A_234 = arith.constant 0 : i32
    %dma_wait3A_235 = tpu.memref_slice %arg4[%add3A_229, %dma_wait3A_234] : memref<131072x128xf32, #tpu.memory_space<hbm>> -> memref<256x128xf32, #tpu.memory_space<hbm>>
    %dma_wait3A_236 = arith.constant 0 : i32
    %dma_wait3A_237 = tpu.memref_slice %arg4[%add3A_229, %dma_wait3A_236] : memref<131072x128xf32, #tpu.memory_space<hbm>> -> memref<256x128xf32, #tpu.memory_space<hbm>>
    tpu.wait_dma2 semaphore(%arg11 : memref<!tpu.dma_semaphore, #tpu.memory_space<semaphore_mem>>) src(%arg7 : memref<256x128xf32, #tpu.memory_space<vmem>>) dst(%dma_wait3A_237 : memref<256x128xf32, #tpu.memory_space<hbm>>)
    %add3A_238 = arith.constant 3584 : i32
    %add3A_239 = arith.addi %mul3A_2, %add3A_238 : i32
    "tpu.region"() ({
      %run_scoped3A = tpu.sem_alloc : memref<!tpu.dma_semaphore, #tpu.memory_space<semaphore_mem>>
      %dma_start3A_287 = tpu.memref_slice %arg3[%add3A_239] : memref<131072xi32, #tpu.memory_space<hbm>> -> memref<256xi32, #tpu.memory_space<hbm>>
      %dma_start3A_288 = tpu.memref_slice %arg3[%add3A_239] : memref<131072xi32, #tpu.memory_space<hbm>> -> memref<256xi32, #tpu.memory_space<hbm>>
      tpu.enqueue_dma source(%dma_start3A_288 : memref<256xi32, #tpu.memory_space<hbm>>) target(%arg5 : memref<256xi32, #tpu.memory_space<vmem>>) target_semaphore(%run_scoped3A : memref<!tpu.dma_semaphore, #tpu.memory_space<semaphore_mem>>)
      %dma_wait3A_289 = tpu.memref_slice %arg3[%add3A_239] : memref<131072xi32, #tpu.memory_space<hbm>> -> memref<256xi32, #tpu.memory_space<hbm>>
      %dma_wait3A_290 = tpu.memref_slice %arg3[%add3A_239] : memref<131072xi32, #tpu.memory_space<hbm>> -> memref<256xi32, #tpu.memory_space<hbm>>
      tpu.wait_dma2 semaphore(%run_scoped3A : memref<!tpu.dma_semaphore, #tpu.memory_space<semaphore_mem>>) src(%dma_wait3A_290 : memref<256xi32, #tpu.memory_space<hbm>>) dst(%arg5 : memref<256xi32, #tpu.memory_space<vmem>>)
      tpu.yield
    }) : () -> ()
    %dma_start3A_240 = arith.constant 0 : i32
    %dma_start3A_241 = arith.constant 0 : i32
    %dma_start3A_242 = tpu.memref_slice %arg2[%dma_start3A_240, %dma_start3A_241] : memref<1024x128xf32, #tpu.memory_space<hbm>> -> memref<1024x128xf32, #tpu.memory_space<hbm>>
    tpu.enqueue_indirect_dma source(%dma_start3A_242 : memref<1024x128xf32, #tpu.memory_space<hbm>>) target(%arg7 : memref<256x128xf32, #tpu.memory_space<vmem>>) offsets(%arg5 : memref<256xi32, #tpu.memory_space<vmem>>) semaphore(%arg9 : memref<!tpu.dma_semaphore, #tpu.memory_space<semaphore_mem>>)
    %dma_wait3A_243 = arith.constant 0 : i32
    %dma_wait3A_244 = arith.constant 0 : i32
    %dma_wait3A_245 = tpu.memref_slice %arg2[%dma_wait3A_243, %dma_wait3A_244] : memref<1024x128xf32, #tpu.memory_space<hbm>> -> memref<1024x128xf32, #tpu.memory_space<hbm>>
    tpu.wait_indirect_dma semaphore(%arg10 : memref<!tpu.dma_semaphore, #tpu.memory_space<semaphore_mem>>) src(%dma_wait3A_245 : memref<1024x128xf32, #tpu.memory_space<hbm>>) dst(%arg8 : memref<256x128xf32, #tpu.memory_space<vmem>>)
    %add3A_246 = arith.constant 3328 : i32
    %add3A_247 = arith.addi %mul3A_2, %add3A_246 : i32
    %dma_start3A_248 = arith.constant 0 : i32
    %dma_start3A_249 = tpu.memref_slice %arg4[%add3A_247, %dma_start3A_248] : memref<131072x128xf32, #tpu.memory_space<hbm>> -> memref<256x128xf32, #tpu.memory_space<hbm>>
    %dma_start3A_250 = arith.constant 0 : i32
    %dma_start3A_251 = tpu.memref_slice %arg4[%add3A_247, %dma_start3A_250] : memref<131072x128xf32, #tpu.memory_space<hbm>> -> memref<256x128xf32, #tpu.memory_space<hbm>>
    tpu.enqueue_dma source(%arg8 : memref<256x128xf32, #tpu.memory_space<vmem>>) target(%dma_start3A_251 : memref<256x128xf32, #tpu.memory_space<hbm>>) target_semaphore(%arg12 : memref<!tpu.dma_semaphore, #tpu.memory_space<semaphore_mem>>)
    %dma_wait3A_252 = arith.constant 0 : i32
    %dma_wait3A_253 = tpu.memref_slice %arg4[%add3A_247, %dma_wait3A_252] : memref<131072x128xf32, #tpu.memory_space<hbm>> -> memref<256x128xf32, #tpu.memory_space<hbm>>
    %dma_wait3A_254 = arith.constant 0 : i32
    %dma_wait3A_255 = tpu.memref_slice %arg4[%add3A_247, %dma_wait3A_254] : memref<131072x128xf32, #tpu.memory_space<hbm>> -> memref<256x128xf32, #tpu.memory_space<hbm>>
    tpu.wait_dma2 semaphore(%arg12 : memref<!tpu.dma_semaphore, #tpu.memory_space<semaphore_mem>>) src(%arg8 : memref<256x128xf32, #tpu.memory_space<vmem>>) dst(%dma_wait3A_255 : memref<256x128xf32, #tpu.memory_space<hbm>>)
    %add3A_256 = arith.constant 3840 : i32
    %add3A_257 = arith.addi %mul3A_2, %add3A_256 : i32
    "tpu.region"() ({
      %run_scoped3A = tpu.sem_alloc : memref<!tpu.dma_semaphore, #tpu.memory_space<semaphore_mem>>
      %dma_start3A_287 = tpu.memref_slice %arg3[%add3A_257] : memref<131072xi32, #tpu.memory_space<hbm>> -> memref<256xi32, #tpu.memory_space<hbm>>
      %dma_start3A_288 = tpu.memref_slice %arg3[%add3A_257] : memref<131072xi32, #tpu.memory_space<hbm>> -> memref<256xi32, #tpu.memory_space<hbm>>
      tpu.enqueue_dma source(%dma_start3A_288 : memref<256xi32, #tpu.memory_space<hbm>>) target(%arg6 : memref<256xi32, #tpu.memory_space<vmem>>) target_semaphore(%run_scoped3A : memref<!tpu.dma_semaphore, #tpu.memory_space<semaphore_mem>>)
      %dma_wait3A_289 = tpu.memref_slice %arg3[%add3A_257] : memref<131072xi32, #tpu.memory_space<hbm>> -> memref<256xi32, #tpu.memory_space<hbm>>
      %dma_wait3A_290 = tpu.memref_slice %arg3[%add3A_257] : memref<131072xi32, #tpu.memory_space<hbm>> -> memref<256xi32, #tpu.memory_space<hbm>>
      tpu.wait_dma2 semaphore(%run_scoped3A : memref<!tpu.dma_semaphore, #tpu.memory_space<semaphore_mem>>) src(%dma_wait3A_290 : memref<256xi32, #tpu.memory_space<hbm>>) dst(%arg6 : memref<256xi32, #tpu.memory_space<vmem>>)
      tpu.yield
    }) : () -> ()
    %dma_start3A_258 = arith.constant 0 : i32
    %dma_start3A_259 = arith.constant 0 : i32
    %dma_start3A_260 = tpu.memref_slice %arg2[%dma_start3A_258, %dma_start3A_259] : memref<1024x128xf32, #tpu.memory_space<hbm>> -> memref<1024x128xf32, #tpu.memory_space<hbm>>
    tpu.enqueue_indirect_dma source(%dma_start3A_260 : memref<1024x128xf32, #tpu.memory_space<hbm>>) target(%arg8 : memref<256x128xf32, #tpu.memory_space<vmem>>) offsets(%arg6 : memref<256xi32, #tpu.memory_space<vmem>>) semaphore(%arg10 : memref<!tpu.dma_semaphore, #tpu.memory_space<semaphore_mem>>)
    %dma_wait3A_261 = arith.constant 0 : i32
    %dma_wait3A_262 = arith.constant 0 : i32
    %dma_wait3A_263 = tpu.memref_slice %arg2[%dma_wait3A_261, %dma_wait3A_262] : memref<1024x128xf32, #tpu.memory_space<hbm>> -> memref<1024x128xf32, #tpu.memory_space<hbm>>
    tpu.wait_indirect_dma semaphore(%arg9 : memref<!tpu.dma_semaphore, #tpu.memory_space<semaphore_mem>>) src(%dma_wait3A_263 : memref<1024x128xf32, #tpu.memory_space<hbm>>) dst(%arg7 : memref<256x128xf32, #tpu.memory_space<vmem>>)
    %add3A_264 = arith.constant 3584 : i32
    %add3A_265 = arith.addi %mul3A_2, %add3A_264 : i32
    %dma_start3A_266 = arith.constant 0 : i32
    %dma_start3A_267 = tpu.memref_slice %arg4[%add3A_265, %dma_start3A_266] : memref<131072x128xf32, #tpu.memory_space<hbm>> -> memref<256x128xf32, #tpu.memory_space<hbm>>
    %dma_start3A_268 = arith.constant 0 : i32
    %dma_start3A_269 = tpu.memref_slice %arg4[%add3A_265, %dma_start3A_268] : memref<131072x128xf32, #tpu.memory_space<hbm>> -> memref<256x128xf32, #tpu.memory_space<hbm>>
    tpu.enqueue_dma source(%arg7 : memref<256x128xf32, #tpu.memory_space<vmem>>) target(%dma_start3A_269 : memref<256x128xf32, #tpu.memory_space<hbm>>) target_semaphore(%arg11 : memref<!tpu.dma_semaphore, #tpu.memory_space<semaphore_mem>>)
    %dma_wait3A_270 = arith.constant 0 : i32
    %dma_wait3A_271 = arith.constant 0 : i32
    %dma_wait3A_272 = tpu.memref_slice %arg2[%dma_wait3A_270, %dma_wait3A_271] : memref<1024x128xf32, #tpu.memory_space<hbm>> -> memref<1024x128xf32, #tpu.memory_space<hbm>>
    tpu.wait_indirect_dma semaphore(%arg10 : memref<!tpu.dma_semaphore, #tpu.memory_space<semaphore_mem>>) src(%dma_wait3A_272 : memref<1024x128xf32, #tpu.memory_space<hbm>>) dst(%arg8 : memref<256x128xf32, #tpu.memory_space<vmem>>)
    %add3A_273 = arith.constant 3840 : i32
    %add3A_274 = arith.addi %mul3A_2, %add3A_273 : i32
    %dma_start3A_275 = arith.constant 0 : i32
    %dma_start3A_276 = tpu.memref_slice %arg4[%add3A_274, %dma_start3A_275] : memref<131072x128xf32, #tpu.memory_space<hbm>> -> memref<256x128xf32, #tpu.memory_space<hbm>>
    %dma_start3A_277 = arith.constant 0 : i32
    %dma_start3A_278 = tpu.memref_slice %arg4[%add3A_274, %dma_start3A_277] : memref<131072x128xf32, #tpu.memory_space<hbm>> -> memref<256x128xf32, #tpu.memory_space<hbm>>
    tpu.enqueue_dma source(%arg8 : memref<256x128xf32, #tpu.memory_space<vmem>>) target(%dma_start3A_278 : memref<256x128xf32, #tpu.memory_space<hbm>>) target_semaphore(%arg12 : memref<!tpu.dma_semaphore, #tpu.memory_space<semaphore_mem>>)
    %dma_wait3A_279 = arith.constant 0 : i32
    %dma_wait3A_280 = tpu.memref_slice %arg4[%add3A_265, %dma_wait3A_279] : memref<131072x128xf32, #tpu.memory_space<hbm>> -> memref<256x128xf32, #tpu.memory_space<hbm>>
    %dma_wait3A_281 = arith.constant 0 : i32
    %dma_wait3A_282 = tpu.memref_slice %arg4[%add3A_265, %dma_wait3A_281] : memref<131072x128xf32, #tpu.memory_space<hbm>> -> memref<256x128xf32, #tpu.memory_space<hbm>>
    tpu.wait_dma2 semaphore(%arg11 : memref<!tpu.dma_semaphore, #tpu.memory_space<semaphore_mem>>) src(%arg7 : memref<256x128xf32, #tpu.memory_space<vmem>>) dst(%dma_wait3A_282 : memref<256x128xf32, #tpu.memory_space<hbm>>)
    %dma_wait3A_283 = arith.constant 0 : i32
    %dma_wait3A_284 = tpu.memref_slice %arg4[%add3A_274, %dma_wait3A_283] : memref<131072x128xf32, #tpu.memory_space<hbm>> -> memref<256x128xf32, #tpu.memory_space<hbm>>
    %dma_wait3A_285 = arith.constant 0 : i32
    %dma_wait3A_286 = tpu.memref_slice %arg4[%add3A_274, %dma_wait3A_285] : memref<131072x128xf32, #tpu.memory_space<hbm>> -> memref<256x128xf32, #tpu.memory_space<hbm>>
    tpu.wait_dma2 semaphore(%arg12 : memref<!tpu.dma_semaphore, #tpu.memory_space<semaphore_mem>>) src(%arg8 : memref<256x128xf32, #tpu.memory_space<vmem>>) dst(%dma_wait3A_286 : memref<256x128xf32, #tpu.memory_space<hbm>>)
    return
  }
}

module attributes {stable_mosaic.version = 14 : i64} {
  func.func @_encvq_kernel(%arg0: i32, %arg1: memref<256x1024xf32, #tpu.memory_space<vmem>>, %arg2: memref<1024x2048xf32, #tpu.memory_space<vmem>>, %arg3: memref<1x2048xf32, #tpu.memory_space<vmem>>, %arg4: memref<128x2048xf32, #tpu.memory_space<vmem>>, %arg5: memref<256x32xi32, #tpu.memory_space<vmem>>, %arg6: memref<8x1024xf32, #tpu.memory_space<vmem>>, %arg7: memref<1x1xf32, #tpu.memory_space<vmem>>) attributes {dimension_semantics = [#tpu.dimension_semantics<arbitrary>], iteration_bounds = array<i64: 16>, scalar_prefetch = 0 : i64, scratch_operands = 0 : i64, tpu.core_type = #tpu.core_type<tc>, window_params = [{transform_indices = @transform_0, window_bounds = array<i64: 256, 1024>}, {pipeline_mode = #tpu.pipeline_mode<synchronous>, transform_indices = @transform_1, window_bounds = array<i64: 1024, 2048>}, {pipeline_mode = #tpu.pipeline_mode<synchronous>, transform_indices = @transform_2, window_bounds = array<i64: 1, 2048>}, {pipeline_mode = #tpu.pipeline_mode<synchronous>, transform_indices = @transform_3, window_bounds = array<i64: 128, 2048>}, {transform_indices = @transform_4, window_bounds = array<i64: 256, 32>}, {pipeline_mode = #tpu.pipeline_mode<synchronous>, transform_indices = @transform_5, window_bounds = array<i64: 8, 1024>}, {pipeline_mode = #tpu.pipeline_mode<synchronous>, transform_indices = @transform_6, window_bounds = array<i64: 1, 1>}]} {
    %get3A = arith.constant 0 : index
    %get3A_0 = arith.constant 0 : index
    %get3A_1 = vector.load %arg1[%get3A, %get3A_0] : memref<256x1024xf32, #tpu.memory_space<vmem>>, vector<256x1024xf32>
    %get3A_2 = arith.constant 0 : index
    %get3A_3 = arith.constant 0 : index
    %get3A_4 = vector.load %arg2[%get3A_2, %get3A_3] : memref<1024x2048xf32, #tpu.memory_space<vmem>>, vector<1024x2048xf32>
    %dot_general3A = arith.constant dense<0.000000e+00> : vector<256x2048xf32>
    %dot_general3A_5 = tpu.matmul %get3A_1, %get3A_4, %dot_general3A {dimension_numbers = #tpu.dot_dimension_numbers<[1], [0], [0], [1], [0, 0, 1, 1], [], []>, transpose_lhs_hint = false} : vector<256x1024xf32>, vector<1024x2048xf32>, vector<256x2048xf32> -> vector<256x2048xf32>
    %get3A_6 = arith.constant 0 : index
    %get3A_7 = arith.constant 0 : index
    %get3A_8 = vector.load %arg3[%get3A_6, %get3A_7] : memref<1x2048xf32, #tpu.memory_space<vmem>>, vector<1x2048xf32>
    %add3A = vector.broadcast %get3A_8 : vector<1x2048xf32> to vector<256x2048xf32>
    %add3A_9 = arith.addf %dot_general3A_5, %add3A : vector<256x2048xf32>
    %get3A_10 = arith.constant 0 : index
    %get3A_11 = arith.constant 0 : index
    %get3A_12 = vector.load %arg4[%get3A_10, %get3A_11] : memref<128x2048xf32, #tpu.memory_space<vmem>>, vector<128x2048xf32>
    %mul3A = arith.mulf %get3A_12, %get3A_12 : vector<128x2048xf32>
    %reduce_sum3A = arith.constant dense<0.000000e+00> : vector<2048xf32>
    %reduce_sum3A_13 = vector.multi_reduction <add>, %mul3A, %reduce_sum3A [0] : vector<128x2048xf32> to vector<2048xf32>
    %broadcast_in_dim3A = vector.shape_cast %reduce_sum3A_13 : vector<2048xf32> to vector<1x2048xf32>
    %iota3A = tpu.iota {dimensions = array<i32: 1>} : vector<256x1024xi32>
    %convert_element_type3A = arith.sitofp %iota3A : vector<256x1024xi32> to vector<256x1024xf32>
    %broadcast_in_dim3A_14 = arith.constant 0.000000e+00 : f32
    %broadcast_in_dim3A_15 = vector.broadcast %broadcast_in_dim3A_14 : f32 to vector<1x1024xf32>
    %broadcast_in_dim3A_16 = arith.constant 0.000000e+00 : f32
    %broadcast_in_dim3A_17 = vector.broadcast %broadcast_in_dim3A_16 : f32 to vector<1x1xf32>
    %slice3A = vector.extract_strided_slice %add3A_9 {offsets = [0, 0], sizes = [256, 128], strides = [1, 1]} : vector<256x2048xf32> to vector<256x128xf32>
    %dot_general3A_18 = arith.constant dense<0.000000e+00> : vector<256x2048xf32>
    %dot_general3A_19 = tpu.matmul %slice3A, %get3A_12, %dot_general3A_18 {dimension_numbers = #tpu.dot_dimension_numbers<[1], [0], [0], [1], [0, 0, 1, 1], [], []>, transpose_lhs_hint = false} : vector<256x128xf32>, vector<128x2048xf32>, vector<256x2048xf32> -> vector<256x2048xf32>
    %mul3A_20 = arith.constant 2.000000e+00 : f32
    %mul3A_21 = vector.broadcast %mul3A_20 : f32 to vector<256x2048xf32>
    %mul3A_22 = arith.mulf %mul3A_21, %dot_general3A_19 : vector<256x2048xf32>
    %sub3A = vector.broadcast %broadcast_in_dim3A : vector<1x2048xf32> to vector<256x2048xf32>
    %sub3A_23 = arith.subf %sub3A, %mul3A_22 : vector<256x2048xf32>
    %slice3A_24 = vector.extract_strided_slice %sub3A_23 {offsets = [0, 0], sizes = [256, 1024], strides = [1, 1]} : vector<256x2048xf32> to vector<256x1024xf32>
    %reduce_min3A = arith.constant dense<0x7F800000> : vector<256xf32>
    %reduce_min3A_25 = vector.multi_reduction <minimumf>, %slice3A_24, %reduce_min3A [1] : vector<256x1024xf32> to vector<256xf32>
    %broadcast_in_dim3A_26 = vector.shape_cast %reduce_min3A_25 : vector<256xf32> to vector<256x1xf32>
    %eq3A = vector.broadcast %broadcast_in_dim3A_26 : vector<256x1xf32> to vector<256x1024xf32>
    %eq3A_27 = arith.cmpf oeq, %slice3A_24, %eq3A : vector<256x1024xf32>
    %jit3A = arith.constant 1.024000e+03 : f32
    %broadcast_in_dim3A_28 = vector.broadcast %jit3A : f32 to vector<256x1024xf32>
    %select_n3A = arith.select %eq3A_27, %convert_element_type3A, %broadcast_in_dim3A_28 : vector<256x1024xi1>, vector<256x1024xf32>
    %reduce_min3A_29 = arith.constant dense<0x7F800000> : vector<256xf32>
    %reduce_min3A_30 = vector.multi_reduction <minimumf>, %select_n3A, %reduce_min3A_29 [1] : vector<256x1024xf32> to vector<256xf32>
    %broadcast_in_dim3A_31 = vector.shape_cast %reduce_min3A_30 : vector<256xf32> to vector<256x1xf32>
    %eq3A_32 = vector.broadcast %broadcast_in_dim3A_31 : vector<256x1xf32> to vector<256x1024xf32>
    %eq3A_33 = arith.cmpf oeq, %select_n3A, %eq3A_32 : vector<256x1024xf32>
    %convert_element_type3A_34 = arith.extui %eq3A_33 : vector<256x1024xi1> to vector<256x1024xi32>
    %convert_element_type3A_35 = arith.sitofp %convert_element_type3A_34 : vector<256x1024xi32> to vector<256x1024xf32>
    %reduce_sum3A_36 = arith.constant dense<0.000000e+00> : vector<1024xf32>
    %reduce_sum3A_37 = vector.multi_reduction <add>, %convert_element_type3A_35, %reduce_sum3A_36 [0] : vector<256x1024xf32> to vector<1024xf32>
    %broadcast_in_dim3A_38 = vector.shape_cast %reduce_sum3A_37 : vector<1024xf32> to vector<1x1024xf32>
    %add3A_39 = arith.addf %broadcast_in_dim3A_15, %broadcast_in_dim3A_38 : vector<1x1024xf32>
    %reduce_sum3A_40 = arith.constant dense<0.000000e+00> : vector<1xf32>
    %reduce_sum3A_41 = vector.multi_reduction <add>, %broadcast_in_dim3A_26, %reduce_sum3A_40 [0] : vector<256x1xf32> to vector<1xf32>
    %broadcast_in_dim3A_42 = vector.shape_cast %reduce_sum3A_41 : vector<1xf32> to vector<1x1xf32>
    %add3A_43 = arith.addf %broadcast_in_dim3A_17, %broadcast_in_dim3A_42 : vector<1x1xf32>
    %slice3A_44 = vector.extract_strided_slice %sub3A_23 {offsets = [0, 1024], sizes = [256, 1024], strides = [1, 1]} : vector<256x2048xf32> to vector<256x1024xf32>
    %reduce_min3A_45 = arith.constant dense<0x7F800000> : vector<256xf32>
    %reduce_min3A_46 = vector.multi_reduction <minimumf>, %slice3A_44, %reduce_min3A_45 [1] : vector<256x1024xf32> to vector<256xf32>
    %broadcast_in_dim3A_47 = vector.shape_cast %reduce_min3A_46 : vector<256xf32> to vector<256x1xf32>
    %eq3A_48 = vector.broadcast %broadcast_in_dim3A_47 : vector<256x1xf32> to vector<256x1024xf32>
    %eq3A_49 = arith.cmpf oeq, %slice3A_44, %eq3A_48 : vector<256x1024xf32>
    %jit3A_50 = arith.constant 1.024000e+03 : f32
    %broadcast_in_dim3A_51 = vector.broadcast %jit3A_50 : f32 to vector<256x1024xf32>
    %select_n3A_52 = arith.select %eq3A_49, %convert_element_type3A, %broadcast_in_dim3A_51 : vector<256x1024xi1>, vector<256x1024xf32>
    %reduce_min3A_53 = arith.constant dense<0x7F800000> : vector<256xf32>
    %reduce_min3A_54 = vector.multi_reduction <minimumf>, %select_n3A_52, %reduce_min3A_53 [1] : vector<256x1024xf32> to vector<256xf32>
    %broadcast_in_dim3A_55 = vector.shape_cast %reduce_min3A_54 : vector<256xf32> to vector<256x1xf32>
    %eq3A_56 = vector.broadcast %broadcast_in_dim3A_55 : vector<256x1xf32> to vector<256x1024xf32>
    %eq3A_57 = arith.cmpf oeq, %select_n3A_52, %eq3A_56 : vector<256x1024xf32>
    %convert_element_type3A_58 = arith.extui %eq3A_57 : vector<256x1024xi1> to vector<256x1024xi32>
    %convert_element_type3A_59 = arith.sitofp %convert_element_type3A_58 : vector<256x1024xi32> to vector<256x1024xf32>
    %reduce_sum3A_60 = arith.constant dense<0.000000e+00> : vector<1024xf32>
    %reduce_sum3A_61 = vector.multi_reduction <add>, %convert_element_type3A_59, %reduce_sum3A_60 [0] : vector<256x1024xf32> to vector<1024xf32>
    %broadcast_in_dim3A_62 = vector.shape_cast %reduce_sum3A_61 : vector<1024xf32> to vector<1x1024xf32>
    %add3A_63 = arith.addf %add3A_39, %broadcast_in_dim3A_62 : vector<1x1024xf32>
    %reduce_sum3A_64 = arith.constant dense<0.000000e+00> : vector<1xf32>
    %reduce_sum3A_65 = vector.multi_reduction <add>, %broadcast_in_dim3A_47, %reduce_sum3A_64 [0] : vector<256x1xf32> to vector<1xf32>
    %broadcast_in_dim3A_66 = vector.shape_cast %reduce_sum3A_65 : vector<1xf32> to vector<1x1xf32>
    %add3A_67 = arith.addf %add3A_43, %broadcast_in_dim3A_66 : vector<1x1xf32>
    %slice3A_68 = vector.extract_strided_slice %add3A_9 {offsets = [0, 128], sizes = [256, 128], strides = [1, 1]} : vector<256x2048xf32> to vector<256x128xf32>
    %dot_general3A_69 = arith.constant dense<0.000000e+00> : vector<256x2048xf32>
    %dot_general3A_70 = tpu.matmul %slice3A_68, %get3A_12, %dot_general3A_69 {dimension_numbers = #tpu.dot_dimension_numbers<[1], [0], [0], [1], [0, 0, 1, 1], [], []>, transpose_lhs_hint = false} : vector<256x128xf32>, vector<128x2048xf32>, vector<256x2048xf32> -> vector<256x2048xf32>
    %mul3A_71 = arith.constant 2.000000e+00 : f32
    %mul3A_72 = vector.broadcast %mul3A_71 : f32 to vector<256x2048xf32>
    %mul3A_73 = arith.mulf %mul3A_72, %dot_general3A_70 : vector<256x2048xf32>
    %sub3A_74 = vector.broadcast %broadcast_in_dim3A : vector<1x2048xf32> to vector<256x2048xf32>
    %sub3A_75 = arith.subf %sub3A_74, %mul3A_73 : vector<256x2048xf32>
    %slice3A_76 = vector.extract_strided_slice %sub3A_75 {offsets = [0, 0], sizes = [256, 1024], strides = [1, 1]} : vector<256x2048xf32> to vector<256x1024xf32>
    %reduce_min3A_77 = arith.constant dense<0x7F800000> : vector<256xf32>
    %reduce_min3A_78 = vector.multi_reduction <minimumf>, %slice3A_76, %reduce_min3A_77 [1] : vector<256x1024xf32> to vector<256xf32>
    %broadcast_in_dim3A_79 = vector.shape_cast %reduce_min3A_78 : vector<256xf32> to vector<256x1xf32>
    %eq3A_80 = vector.broadcast %broadcast_in_dim3A_79 : vector<256x1xf32> to vector<256x1024xf32>
    %eq3A_81 = arith.cmpf oeq, %slice3A_76, %eq3A_80 : vector<256x1024xf32>
    %jit3A_82 = arith.constant 1.024000e+03 : f32
    %broadcast_in_dim3A_83 = vector.broadcast %jit3A_82 : f32 to vector<256x1024xf32>
    %select_n3A_84 = arith.select %eq3A_81, %convert_element_type3A, %broadcast_in_dim3A_83 : vector<256x1024xi1>, vector<256x1024xf32>
    %reduce_min3A_85 = arith.constant dense<0x7F800000> : vector<256xf32>
    %reduce_min3A_86 = vector.multi_reduction <minimumf>, %select_n3A_84, %reduce_min3A_85 [1] : vector<256x1024xf32> to vector<256xf32>
    %broadcast_in_dim3A_87 = vector.shape_cast %reduce_min3A_86 : vector<256xf32> to vector<256x1xf32>
    %eq3A_88 = vector.broadcast %broadcast_in_dim3A_87 : vector<256x1xf32> to vector<256x1024xf32>
    %eq3A_89 = arith.cmpf oeq, %select_n3A_84, %eq3A_88 : vector<256x1024xf32>
    %convert_element_type3A_90 = arith.extui %eq3A_89 : vector<256x1024xi1> to vector<256x1024xi32>
    %convert_element_type3A_91 = arith.sitofp %convert_element_type3A_90 : vector<256x1024xi32> to vector<256x1024xf32>
    %reduce_sum3A_92 = arith.constant dense<0.000000e+00> : vector<1024xf32>
    %reduce_sum3A_93 = vector.multi_reduction <add>, %convert_element_type3A_91, %reduce_sum3A_92 [0] : vector<256x1024xf32> to vector<1024xf32>
    %broadcast_in_dim3A_94 = vector.shape_cast %reduce_sum3A_93 : vector<1024xf32> to vector<1x1024xf32>
    %add3A_95 = arith.addf %add3A_63, %broadcast_in_dim3A_94 : vector<1x1024xf32>
    %reduce_sum3A_96 = arith.constant dense<0.000000e+00> : vector<1xf32>
    %reduce_sum3A_97 = vector.multi_reduction <add>, %broadcast_in_dim3A_79, %reduce_sum3A_96 [0] : vector<256x1xf32> to vector<1xf32>
    %broadcast_in_dim3A_98 = vector.shape_cast %reduce_sum3A_97 : vector<1xf32> to vector<1x1xf32>
    %add3A_99 = arith.addf %add3A_67, %broadcast_in_dim3A_98 : vector<1x1xf32>
    %slice3A_100 = vector.extract_strided_slice %sub3A_75 {offsets = [0, 1024], sizes = [256, 1024], strides = [1, 1]} : vector<256x2048xf32> to vector<256x1024xf32>
    %reduce_min3A_101 = arith.constant dense<0x7F800000> : vector<256xf32>
    %reduce_min3A_102 = vector.multi_reduction <minimumf>, %slice3A_100, %reduce_min3A_101 [1] : vector<256x1024xf32> to vector<256xf32>
    %broadcast_in_dim3A_103 = vector.shape_cast %reduce_min3A_102 : vector<256xf32> to vector<256x1xf32>
    %eq3A_104 = vector.broadcast %broadcast_in_dim3A_103 : vector<256x1xf32> to vector<256x1024xf32>
    %eq3A_105 = arith.cmpf oeq, %slice3A_100, %eq3A_104 : vector<256x1024xf32>
    %jit3A_106 = arith.constant 1.024000e+03 : f32
    %broadcast_in_dim3A_107 = vector.broadcast %jit3A_106 : f32 to vector<256x1024xf32>
    %select_n3A_108 = arith.select %eq3A_105, %convert_element_type3A, %broadcast_in_dim3A_107 : vector<256x1024xi1>, vector<256x1024xf32>
    %reduce_min3A_109 = arith.constant dense<0x7F800000> : vector<256xf32>
    %reduce_min3A_110 = vector.multi_reduction <minimumf>, %select_n3A_108, %reduce_min3A_109 [1] : vector<256x1024xf32> to vector<256xf32>
    %broadcast_in_dim3A_111 = vector.shape_cast %reduce_min3A_110 : vector<256xf32> to vector<256x1xf32>
    %eq3A_112 = vector.broadcast %broadcast_in_dim3A_111 : vector<256x1xf32> to vector<256x1024xf32>
    %eq3A_113 = arith.cmpf oeq, %select_n3A_108, %eq3A_112 : vector<256x1024xf32>
    %convert_element_type3A_114 = arith.extui %eq3A_113 : vector<256x1024xi1> to vector<256x1024xi32>
    %convert_element_type3A_115 = arith.sitofp %convert_element_type3A_114 : vector<256x1024xi32> to vector<256x1024xf32>
    %reduce_sum3A_116 = arith.constant dense<0.000000e+00> : vector<1024xf32>
    %reduce_sum3A_117 = vector.multi_reduction <add>, %convert_element_type3A_115, %reduce_sum3A_116 [0] : vector<256x1024xf32> to vector<1024xf32>
    %broadcast_in_dim3A_118 = vector.shape_cast %reduce_sum3A_117 : vector<1024xf32> to vector<1x1024xf32>
    %add3A_119 = arith.addf %add3A_95, %broadcast_in_dim3A_118 : vector<1x1024xf32>
    %reduce_sum3A_120 = arith.constant dense<0.000000e+00> : vector<1xf32>
    %reduce_sum3A_121 = vector.multi_reduction <add>, %broadcast_in_dim3A_103, %reduce_sum3A_120 [0] : vector<256x1xf32> to vector<1xf32>
    %broadcast_in_dim3A_122 = vector.shape_cast %reduce_sum3A_121 : vector<1xf32> to vector<1x1xf32>
    %add3A_123 = arith.addf %add3A_99, %broadcast_in_dim3A_122 : vector<1x1xf32>
    %slice3A_124 = vector.extract_strided_slice %add3A_9 {offsets = [0, 256], sizes = [256, 128], strides = [1, 1]} : vector<256x2048xf32> to vector<256x128xf32>
    %dot_general3A_125 = arith.constant dense<0.000000e+00> : vector<256x2048xf32>
    %dot_general3A_126 = tpu.matmul %slice3A_124, %get3A_12, %dot_general3A_125 {dimension_numbers = #tpu.dot_dimension_numbers<[1], [0], [0], [1], [0, 0, 1, 1], [], []>, transpose_lhs_hint = false} : vector<256x128xf32>, vector<128x2048xf32>, vector<256x2048xf32> -> vector<256x2048xf32>
    %mul3A_127 = arith.constant 2.000000e+00 : f32
    %mul3A_128 = vector.broadcast %mul3A_127 : f32 to vector<256x2048xf32>
    %mul3A_129 = arith.mulf %mul3A_128, %dot_general3A_126 : vector<256x2048xf32>
    %sub3A_130 = vector.broadcast %broadcast_in_dim3A : vector<1x2048xf32> to vector<256x2048xf32>
    %sub3A_131 = arith.subf %sub3A_130, %mul3A_129 : vector<256x2048xf32>
    %slice3A_132 = vector.extract_strided_slice %sub3A_131 {offsets = [0, 0], sizes = [256, 1024], strides = [1, 1]} : vector<256x2048xf32> to vector<256x1024xf32>
    %reduce_min3A_133 = arith.constant dense<0x7F800000> : vector<256xf32>
    %reduce_min3A_134 = vector.multi_reduction <minimumf>, %slice3A_132, %reduce_min3A_133 [1] : vector<256x1024xf32> to vector<256xf32>
    %broadcast_in_dim3A_135 = vector.shape_cast %reduce_min3A_134 : vector<256xf32> to vector<256x1xf32>
    %eq3A_136 = vector.broadcast %broadcast_in_dim3A_135 : vector<256x1xf32> to vector<256x1024xf32>
    %eq3A_137 = arith.cmpf oeq, %slice3A_132, %eq3A_136 : vector<256x1024xf32>
    %jit3A_138 = arith.constant 1.024000e+03 : f32
    %broadcast_in_dim3A_139 = vector.broadcast %jit3A_138 : f32 to vector<256x1024xf32>
    %select_n3A_140 = arith.select %eq3A_137, %convert_element_type3A, %broadcast_in_dim3A_139 : vector<256x1024xi1>, vector<256x1024xf32>
    %reduce_min3A_141 = arith.constant dense<0x7F800000> : vector<256xf32>
    %reduce_min3A_142 = vector.multi_reduction <minimumf>, %select_n3A_140, %reduce_min3A_141 [1] : vector<256x1024xf32> to vector<256xf32>
    %broadcast_in_dim3A_143 = vector.shape_cast %reduce_min3A_142 : vector<256xf32> to vector<256x1xf32>
    %eq3A_144 = vector.broadcast %broadcast_in_dim3A_143 : vector<256x1xf32> to vector<256x1024xf32>
    %eq3A_145 = arith.cmpf oeq, %select_n3A_140, %eq3A_144 : vector<256x1024xf32>
    %convert_element_type3A_146 = arith.extui %eq3A_145 : vector<256x1024xi1> to vector<256x1024xi32>
    %convert_element_type3A_147 = arith.sitofp %convert_element_type3A_146 : vector<256x1024xi32> to vector<256x1024xf32>
    %reduce_sum3A_148 = arith.constant dense<0.000000e+00> : vector<1024xf32>
    %reduce_sum3A_149 = vector.multi_reduction <add>, %convert_element_type3A_147, %reduce_sum3A_148 [0] : vector<256x1024xf32> to vector<1024xf32>
    %broadcast_in_dim3A_150 = vector.shape_cast %reduce_sum3A_149 : vector<1024xf32> to vector<1x1024xf32>
    %add3A_151 = arith.addf %add3A_119, %broadcast_in_dim3A_150 : vector<1x1024xf32>
    %reduce_sum3A_152 = arith.constant dense<0.000000e+00> : vector<1xf32>
    %reduce_sum3A_153 = vector.multi_reduction <add>, %broadcast_in_dim3A_135, %reduce_sum3A_152 [0] : vector<256x1xf32> to vector<1xf32>
    %broadcast_in_dim3A_154 = vector.shape_cast %reduce_sum3A_153 : vector<1xf32> to vector<1x1xf32>
    %add3A_155 = arith.addf %add3A_123, %broadcast_in_dim3A_154 : vector<1x1xf32>
    %slice3A_156 = vector.extract_strided_slice %sub3A_131 {offsets = [0, 1024], sizes = [256, 1024], strides = [1, 1]} : vector<256x2048xf32> to vector<256x1024xf32>
    %reduce_min3A_157 = arith.constant dense<0x7F800000> : vector<256xf32>
    %reduce_min3A_158 = vector.multi_reduction <minimumf>, %slice3A_156, %reduce_min3A_157 [1] : vector<256x1024xf32> to vector<256xf32>
    %broadcast_in_dim3A_159 = vector.shape_cast %reduce_min3A_158 : vector<256xf32> to vector<256x1xf32>
    %eq3A_160 = vector.broadcast %broadcast_in_dim3A_159 : vector<256x1xf32> to vector<256x1024xf32>
    %eq3A_161 = arith.cmpf oeq, %slice3A_156, %eq3A_160 : vector<256x1024xf32>
    %jit3A_162 = arith.constant 1.024000e+03 : f32
    %broadcast_in_dim3A_163 = vector.broadcast %jit3A_162 : f32 to vector<256x1024xf32>
    %select_n3A_164 = arith.select %eq3A_161, %convert_element_type3A, %broadcast_in_dim3A_163 : vector<256x1024xi1>, vector<256x1024xf32>
    %reduce_min3A_165 = arith.constant dense<0x7F800000> : vector<256xf32>
    %reduce_min3A_166 = vector.multi_reduction <minimumf>, %select_n3A_164, %reduce_min3A_165 [1] : vector<256x1024xf32> to vector<256xf32>
    %broadcast_in_dim3A_167 = vector.shape_cast %reduce_min3A_166 : vector<256xf32> to vector<256x1xf32>
    %eq3A_168 = vector.broadcast %broadcast_in_dim3A_167 : vector<256x1xf32> to vector<256x1024xf32>
    %eq3A_169 = arith.cmpf oeq, %select_n3A_164, %eq3A_168 : vector<256x1024xf32>
    %convert_element_type3A_170 = arith.extui %eq3A_169 : vector<256x1024xi1> to vector<256x1024xi32>
    %convert_element_type3A_171 = arith.sitofp %convert_element_type3A_170 : vector<256x1024xi32> to vector<256x1024xf32>
    %reduce_sum3A_172 = arith.constant dense<0.000000e+00> : vector<1024xf32>
    %reduce_sum3A_173 = vector.multi_reduction <add>, %convert_element_type3A_171, %reduce_sum3A_172 [0] : vector<256x1024xf32> to vector<1024xf32>
    %broadcast_in_dim3A_174 = vector.shape_cast %reduce_sum3A_173 : vector<1024xf32> to vector<1x1024xf32>
    %add3A_175 = arith.addf %add3A_151, %broadcast_in_dim3A_174 : vector<1x1024xf32>
    %reduce_sum3A_176 = arith.constant dense<0.000000e+00> : vector<1xf32>
    %reduce_sum3A_177 = vector.multi_reduction <add>, %broadcast_in_dim3A_159, %reduce_sum3A_176 [0] : vector<256x1xf32> to vector<1xf32>
    %broadcast_in_dim3A_178 = vector.shape_cast %reduce_sum3A_177 : vector<1xf32> to vector<1x1xf32>
    %add3A_179 = arith.addf %add3A_155, %broadcast_in_dim3A_178 : vector<1x1xf32>
    %slice3A_180 = vector.extract_strided_slice %add3A_9 {offsets = [0, 384], sizes = [256, 128], strides = [1, 1]} : vector<256x2048xf32> to vector<256x128xf32>
    %dot_general3A_181 = arith.constant dense<0.000000e+00> : vector<256x2048xf32>
    %dot_general3A_182 = tpu.matmul %slice3A_180, %get3A_12, %dot_general3A_181 {dimension_numbers = #tpu.dot_dimension_numbers<[1], [0], [0], [1], [0, 0, 1, 1], [], []>, transpose_lhs_hint = false} : vector<256x128xf32>, vector<128x2048xf32>, vector<256x2048xf32> -> vector<256x2048xf32>
    %mul3A_183 = arith.constant 2.000000e+00 : f32
    %mul3A_184 = vector.broadcast %mul3A_183 : f32 to vector<256x2048xf32>
    %mul3A_185 = arith.mulf %mul3A_184, %dot_general3A_182 : vector<256x2048xf32>
    %sub3A_186 = vector.broadcast %broadcast_in_dim3A : vector<1x2048xf32> to vector<256x2048xf32>
    %sub3A_187 = arith.subf %sub3A_186, %mul3A_185 : vector<256x2048xf32>
    %slice3A_188 = vector.extract_strided_slice %sub3A_187 {offsets = [0, 0], sizes = [256, 1024], strides = [1, 1]} : vector<256x2048xf32> to vector<256x1024xf32>
    %reduce_min3A_189 = arith.constant dense<0x7F800000> : vector<256xf32>
    %reduce_min3A_190 = vector.multi_reduction <minimumf>, %slice3A_188, %reduce_min3A_189 [1] : vector<256x1024xf32> to vector<256xf32>
    %broadcast_in_dim3A_191 = vector.shape_cast %reduce_min3A_190 : vector<256xf32> to vector<256x1xf32>
    %eq3A_192 = vector.broadcast %broadcast_in_dim3A_191 : vector<256x1xf32> to vector<256x1024xf32>
    %eq3A_193 = arith.cmpf oeq, %slice3A_188, %eq3A_192 : vector<256x1024xf32>
    %jit3A_194 = arith.constant 1.024000e+03 : f32
    %broadcast_in_dim3A_195 = vector.broadcast %jit3A_194 : f32 to vector<256x1024xf32>
    %select_n3A_196 = arith.select %eq3A_193, %convert_element_type3A, %broadcast_in_dim3A_195 : vector<256x1024xi1>, vector<256x1024xf32>
    %reduce_min3A_197 = arith.constant dense<0x7F800000> : vector<256xf32>
    %reduce_min3A_198 = vector.multi_reduction <minimumf>, %select_n3A_196, %reduce_min3A_197 [1] : vector<256x1024xf32> to vector<256xf32>
    %broadcast_in_dim3A_199 = vector.shape_cast %reduce_min3A_198 : vector<256xf32> to vector<256x1xf32>
    %eq3A_200 = vector.broadcast %broadcast_in_dim3A_199 : vector<256x1xf32> to vector<256x1024xf32>
    %eq3A_201 = arith.cmpf oeq, %select_n3A_196, %eq3A_200 : vector<256x1024xf32>
    %convert_element_type3A_202 = arith.extui %eq3A_201 : vector<256x1024xi1> to vector<256x1024xi32>
    %convert_element_type3A_203 = arith.sitofp %convert_element_type3A_202 : vector<256x1024xi32> to vector<256x1024xf32>
    %reduce_sum3A_204 = arith.constant dense<0.000000e+00> : vector<1024xf32>
    %reduce_sum3A_205 = vector.multi_reduction <add>, %convert_element_type3A_203, %reduce_sum3A_204 [0] : vector<256x1024xf32> to vector<1024xf32>
    %broadcast_in_dim3A_206 = vector.shape_cast %reduce_sum3A_205 : vector<1024xf32> to vector<1x1024xf32>
    %add3A_207 = arith.addf %add3A_175, %broadcast_in_dim3A_206 : vector<1x1024xf32>
    %reduce_sum3A_208 = arith.constant dense<0.000000e+00> : vector<1xf32>
    %reduce_sum3A_209 = vector.multi_reduction <add>, %broadcast_in_dim3A_191, %reduce_sum3A_208 [0] : vector<256x1xf32> to vector<1xf32>
    %broadcast_in_dim3A_210 = vector.shape_cast %reduce_sum3A_209 : vector<1xf32> to vector<1x1xf32>
    %add3A_211 = arith.addf %add3A_179, %broadcast_in_dim3A_210 : vector<1x1xf32>
    %slice3A_212 = vector.extract_strided_slice %sub3A_187 {offsets = [0, 1024], sizes = [256, 1024], strides = [1, 1]} : vector<256x2048xf32> to vector<256x1024xf32>
    %reduce_min3A_213 = arith.constant dense<0x7F800000> : vector<256xf32>
    %reduce_min3A_214 = vector.multi_reduction <minimumf>, %slice3A_212, %reduce_min3A_213 [1] : vector<256x1024xf32> to vector<256xf32>
    %broadcast_in_dim3A_215 = vector.shape_cast %reduce_min3A_214 : vector<256xf32> to vector<256x1xf32>
    %eq3A_216 = vector.broadcast %broadcast_in_dim3A_215 : vector<256x1xf32> to vector<256x1024xf32>
    %eq3A_217 = arith.cmpf oeq, %slice3A_212, %eq3A_216 : vector<256x1024xf32>
    %jit3A_218 = arith.constant 1.024000e+03 : f32
    %broadcast_in_dim3A_219 = vector.broadcast %jit3A_218 : f32 to vector<256x1024xf32>
    %select_n3A_220 = arith.select %eq3A_217, %convert_element_type3A, %broadcast_in_dim3A_219 : vector<256x1024xi1>, vector<256x1024xf32>
    %reduce_min3A_221 = arith.constant dense<0x7F800000> : vector<256xf32>
    %reduce_min3A_222 = vector.multi_reduction <minimumf>, %select_n3A_220, %reduce_min3A_221 [1] : vector<256x1024xf32> to vector<256xf32>
    %broadcast_in_dim3A_223 = vector.shape_cast %reduce_min3A_222 : vector<256xf32> to vector<256x1xf32>
    %eq3A_224 = vector.broadcast %broadcast_in_dim3A_223 : vector<256x1xf32> to vector<256x1024xf32>
    %eq3A_225 = arith.cmpf oeq, %select_n3A_220, %eq3A_224 : vector<256x1024xf32>
    %convert_element_type3A_226 = arith.extui %eq3A_225 : vector<256x1024xi1> to vector<256x1024xi32>
    %convert_element_type3A_227 = arith.sitofp %convert_element_type3A_226 : vector<256x1024xi32> to vector<256x1024xf32>
    %reduce_sum3A_228 = arith.constant dense<0.000000e+00> : vector<1024xf32>
    %reduce_sum3A_229 = vector.multi_reduction <add>, %convert_element_type3A_227, %reduce_sum3A_228 [0] : vector<256x1024xf32> to vector<1024xf32>
    %broadcast_in_dim3A_230 = vector.shape_cast %reduce_sum3A_229 : vector<1024xf32> to vector<1x1024xf32>
    %add3A_231 = arith.addf %add3A_207, %broadcast_in_dim3A_230 : vector<1x1024xf32>
    %reduce_sum3A_232 = arith.constant dense<0.000000e+00> : vector<1xf32>
    %reduce_sum3A_233 = vector.multi_reduction <add>, %broadcast_in_dim3A_215, %reduce_sum3A_232 [0] : vector<256x1xf32> to vector<1xf32>
    %broadcast_in_dim3A_234 = vector.shape_cast %reduce_sum3A_233 : vector<1xf32> to vector<1x1xf32>
    %add3A_235 = arith.addf %add3A_211, %broadcast_in_dim3A_234 : vector<1x1xf32>
    %slice3A_236 = vector.extract_strided_slice %add3A_9 {offsets = [0, 512], sizes = [256, 128], strides = [1, 1]} : vector<256x2048xf32> to vector<256x128xf32>
    %dot_general3A_237 = arith.constant dense<0.000000e+00> : vector<256x2048xf32>
    %dot_general3A_238 = tpu.matmul %slice3A_236, %get3A_12, %dot_general3A_237 {dimension_numbers = #tpu.dot_dimension_numbers<[1], [0], [0], [1], [0, 0, 1, 1], [], []>, transpose_lhs_hint = false} : vector<256x128xf32>, vector<128x2048xf32>, vector<256x2048xf32> -> vector<256x2048xf32>
    %mul3A_239 = arith.constant 2.000000e+00 : f32
    %mul3A_240 = vector.broadcast %mul3A_239 : f32 to vector<256x2048xf32>
    %mul3A_241 = arith.mulf %mul3A_240, %dot_general3A_238 : vector<256x2048xf32>
    %sub3A_242 = vector.broadcast %broadcast_in_dim3A : vector<1x2048xf32> to vector<256x2048xf32>
    %sub3A_243 = arith.subf %sub3A_242, %mul3A_241 : vector<256x2048xf32>
    %slice3A_244 = vector.extract_strided_slice %sub3A_243 {offsets = [0, 0], sizes = [256, 1024], strides = [1, 1]} : vector<256x2048xf32> to vector<256x1024xf32>
    %reduce_min3A_245 = arith.constant dense<0x7F800000> : vector<256xf32>
    %reduce_min3A_246 = vector.multi_reduction <minimumf>, %slice3A_244, %reduce_min3A_245 [1] : vector<256x1024xf32> to vector<256xf32>
    %broadcast_in_dim3A_247 = vector.shape_cast %reduce_min3A_246 : vector<256xf32> to vector<256x1xf32>
    %eq3A_248 = vector.broadcast %broadcast_in_dim3A_247 : vector<256x1xf32> to vector<256x1024xf32>
    %eq3A_249 = arith.cmpf oeq, %slice3A_244, %eq3A_248 : vector<256x1024xf32>
    %jit3A_250 = arith.constant 1.024000e+03 : f32
    %broadcast_in_dim3A_251 = vector.broadcast %jit3A_250 : f32 to vector<256x1024xf32>
    %select_n3A_252 = arith.select %eq3A_249, %convert_element_type3A, %broadcast_in_dim3A_251 : vector<256x1024xi1>, vector<256x1024xf32>
    %reduce_min3A_253 = arith.constant dense<0x7F800000> : vector<256xf32>
    %reduce_min3A_254 = vector.multi_reduction <minimumf>, %select_n3A_252, %reduce_min3A_253 [1] : vector<256x1024xf32> to vector<256xf32>
    %broadcast_in_dim3A_255 = vector.shape_cast %reduce_min3A_254 : vector<256xf32> to vector<256x1xf32>
    %eq3A_256 = vector.broadcast %broadcast_in_dim3A_255 : vector<256x1xf32> to vector<256x1024xf32>
    %eq3A_257 = arith.cmpf oeq, %select_n3A_252, %eq3A_256 : vector<256x1024xf32>
    %convert_element_type3A_258 = arith.extui %eq3A_257 : vector<256x1024xi1> to vector<256x1024xi32>
    %convert_element_type3A_259 = arith.sitofp %convert_element_type3A_258 : vector<256x1024xi32> to vector<256x1024xf32>
    %reduce_sum3A_260 = arith.constant dense<0.000000e+00> : vector<1024xf32>
    %reduce_sum3A_261 = vector.multi_reduction <add>, %convert_element_type3A_259, %reduce_sum3A_260 [0] : vector<256x1024xf32> to vector<1024xf32>
    %broadcast_in_dim3A_262 = vector.shape_cast %reduce_sum3A_261 : vector<1024xf32> to vector<1x1024xf32>
    %add3A_263 = arith.addf %add3A_231, %broadcast_in_dim3A_262 : vector<1x1024xf32>
    %reduce_sum3A_264 = arith.constant dense<0.000000e+00> : vector<1xf32>
    %reduce_sum3A_265 = vector.multi_reduction <add>, %broadcast_in_dim3A_247, %reduce_sum3A_264 [0] : vector<256x1xf32> to vector<1xf32>
    %broadcast_in_dim3A_266 = vector.shape_cast %reduce_sum3A_265 : vector<1xf32> to vector<1x1xf32>
    %add3A_267 = arith.addf %add3A_235, %broadcast_in_dim3A_266 : vector<1x1xf32>
    %slice3A_268 = vector.extract_strided_slice %sub3A_243 {offsets = [0, 1024], sizes = [256, 1024], strides = [1, 1]} : vector<256x2048xf32> to vector<256x1024xf32>
    %reduce_min3A_269 = arith.constant dense<0x7F800000> : vector<256xf32>
    %reduce_min3A_270 = vector.multi_reduction <minimumf>, %slice3A_268, %reduce_min3A_269 [1] : vector<256x1024xf32> to vector<256xf32>
    %broadcast_in_dim3A_271 = vector.shape_cast %reduce_min3A_270 : vector<256xf32> to vector<256x1xf32>
    %eq3A_272 = vector.broadcast %broadcast_in_dim3A_271 : vector<256x1xf32> to vector<256x1024xf32>
    %eq3A_273 = arith.cmpf oeq, %slice3A_268, %eq3A_272 : vector<256x1024xf32>
    %jit3A_274 = arith.constant 1.024000e+03 : f32
    %broadcast_in_dim3A_275 = vector.broadcast %jit3A_274 : f32 to vector<256x1024xf32>
    %select_n3A_276 = arith.select %eq3A_273, %convert_element_type3A, %broadcast_in_dim3A_275 : vector<256x1024xi1>, vector<256x1024xf32>
    %reduce_min3A_277 = arith.constant dense<0x7F800000> : vector<256xf32>
    %reduce_min3A_278 = vector.multi_reduction <minimumf>, %select_n3A_276, %reduce_min3A_277 [1] : vector<256x1024xf32> to vector<256xf32>
    %broadcast_in_dim3A_279 = vector.shape_cast %reduce_min3A_278 : vector<256xf32> to vector<256x1xf32>
    %eq3A_280 = vector.broadcast %broadcast_in_dim3A_279 : vector<256x1xf32> to vector<256x1024xf32>
    %eq3A_281 = arith.cmpf oeq, %select_n3A_276, %eq3A_280 : vector<256x1024xf32>
    %convert_element_type3A_282 = arith.extui %eq3A_281 : vector<256x1024xi1> to vector<256x1024xi32>
    %convert_element_type3A_283 = arith.sitofp %convert_element_type3A_282 : vector<256x1024xi32> to vector<256x1024xf32>
    %reduce_sum3A_284 = arith.constant dense<0.000000e+00> : vector<1024xf32>
    %reduce_sum3A_285 = vector.multi_reduction <add>, %convert_element_type3A_283, %reduce_sum3A_284 [0] : vector<256x1024xf32> to vector<1024xf32>
    %broadcast_in_dim3A_286 = vector.shape_cast %reduce_sum3A_285 : vector<1024xf32> to vector<1x1024xf32>
    %add3A_287 = arith.addf %add3A_263, %broadcast_in_dim3A_286 : vector<1x1024xf32>
    %reduce_sum3A_288 = arith.constant dense<0.000000e+00> : vector<1xf32>
    %reduce_sum3A_289 = vector.multi_reduction <add>, %broadcast_in_dim3A_271, %reduce_sum3A_288 [0] : vector<256x1xf32> to vector<1xf32>
    %broadcast_in_dim3A_290 = vector.shape_cast %reduce_sum3A_289 : vector<1xf32> to vector<1x1xf32>
    %add3A_291 = arith.addf %add3A_267, %broadcast_in_dim3A_290 : vector<1x1xf32>
    %slice3A_292 = vector.extract_strided_slice %add3A_9 {offsets = [0, 640], sizes = [256, 128], strides = [1, 1]} : vector<256x2048xf32> to vector<256x128xf32>
    %dot_general3A_293 = arith.constant dense<0.000000e+00> : vector<256x2048xf32>
    %dot_general3A_294 = tpu.matmul %slice3A_292, %get3A_12, %dot_general3A_293 {dimension_numbers = #tpu.dot_dimension_numbers<[1], [0], [0], [1], [0, 0, 1, 1], [], []>, transpose_lhs_hint = false} : vector<256x128xf32>, vector<128x2048xf32>, vector<256x2048xf32> -> vector<256x2048xf32>
    %mul3A_295 = arith.constant 2.000000e+00 : f32
    %mul3A_296 = vector.broadcast %mul3A_295 : f32 to vector<256x2048xf32>
    %mul3A_297 = arith.mulf %mul3A_296, %dot_general3A_294 : vector<256x2048xf32>
    %sub3A_298 = vector.broadcast %broadcast_in_dim3A : vector<1x2048xf32> to vector<256x2048xf32>
    %sub3A_299 = arith.subf %sub3A_298, %mul3A_297 : vector<256x2048xf32>
    %slice3A_300 = vector.extract_strided_slice %sub3A_299 {offsets = [0, 0], sizes = [256, 1024], strides = [1, 1]} : vector<256x2048xf32> to vector<256x1024xf32>
    %reduce_min3A_301 = arith.constant dense<0x7F800000> : vector<256xf32>
    %reduce_min3A_302 = vector.multi_reduction <minimumf>, %slice3A_300, %reduce_min3A_301 [1] : vector<256x1024xf32> to vector<256xf32>
    %broadcast_in_dim3A_303 = vector.shape_cast %reduce_min3A_302 : vector<256xf32> to vector<256x1xf32>
    %eq3A_304 = vector.broadcast %broadcast_in_dim3A_303 : vector<256x1xf32> to vector<256x1024xf32>
    %eq3A_305 = arith.cmpf oeq, %slice3A_300, %eq3A_304 : vector<256x1024xf32>
    %jit3A_306 = arith.constant 1.024000e+03 : f32
    %broadcast_in_dim3A_307 = vector.broadcast %jit3A_306 : f32 to vector<256x1024xf32>
    %select_n3A_308 = arith.select %eq3A_305, %convert_element_type3A, %broadcast_in_dim3A_307 : vector<256x1024xi1>, vector<256x1024xf32>
    %reduce_min3A_309 = arith.constant dense<0x7F800000> : vector<256xf32>
    %reduce_min3A_310 = vector.multi_reduction <minimumf>, %select_n3A_308, %reduce_min3A_309 [1] : vector<256x1024xf32> to vector<256xf32>
    %broadcast_in_dim3A_311 = vector.shape_cast %reduce_min3A_310 : vector<256xf32> to vector<256x1xf32>
    %eq3A_312 = vector.broadcast %broadcast_in_dim3A_311 : vector<256x1xf32> to vector<256x1024xf32>
    %eq3A_313 = arith.cmpf oeq, %select_n3A_308, %eq3A_312 : vector<256x1024xf32>
    %convert_element_type3A_314 = arith.extui %eq3A_313 : vector<256x1024xi1> to vector<256x1024xi32>
    %convert_element_type3A_315 = arith.sitofp %convert_element_type3A_314 : vector<256x1024xi32> to vector<256x1024xf32>
    %reduce_sum3A_316 = arith.constant dense<0.000000e+00> : vector<1024xf32>
    %reduce_sum3A_317 = vector.multi_reduction <add>, %convert_element_type3A_315, %reduce_sum3A_316 [0] : vector<256x1024xf32> to vector<1024xf32>
    %broadcast_in_dim3A_318 = vector.shape_cast %reduce_sum3A_317 : vector<1024xf32> to vector<1x1024xf32>
    %add3A_319 = arith.addf %add3A_287, %broadcast_in_dim3A_318 : vector<1x1024xf32>
    %reduce_sum3A_320 = arith.constant dense<0.000000e+00> : vector<1xf32>
    %reduce_sum3A_321 = vector.multi_reduction <add>, %broadcast_in_dim3A_303, %reduce_sum3A_320 [0] : vector<256x1xf32> to vector<1xf32>
    %broadcast_in_dim3A_322 = vector.shape_cast %reduce_sum3A_321 : vector<1xf32> to vector<1x1xf32>
    %add3A_323 = arith.addf %add3A_291, %broadcast_in_dim3A_322 : vector<1x1xf32>
    %slice3A_324 = vector.extract_strided_slice %sub3A_299 {offsets = [0, 1024], sizes = [256, 1024], strides = [1, 1]} : vector<256x2048xf32> to vector<256x1024xf32>
    %reduce_min3A_325 = arith.constant dense<0x7F800000> : vector<256xf32>
    %reduce_min3A_326 = vector.multi_reduction <minimumf>, %slice3A_324, %reduce_min3A_325 [1] : vector<256x1024xf32> to vector<256xf32>
    %broadcast_in_dim3A_327 = vector.shape_cast %reduce_min3A_326 : vector<256xf32> to vector<256x1xf32>
    %eq3A_328 = vector.broadcast %broadcast_in_dim3A_327 : vector<256x1xf32> to vector<256x1024xf32>
    %eq3A_329 = arith.cmpf oeq, %slice3A_324, %eq3A_328 : vector<256x1024xf32>
    %jit3A_330 = arith.constant 1.024000e+03 : f32
    %broadcast_in_dim3A_331 = vector.broadcast %jit3A_330 : f32 to vector<256x1024xf32>
    %select_n3A_332 = arith.select %eq3A_329, %convert_element_type3A, %broadcast_in_dim3A_331 : vector<256x1024xi1>, vector<256x1024xf32>
    %reduce_min3A_333 = arith.constant dense<0x7F800000> : vector<256xf32>
    %reduce_min3A_334 = vector.multi_reduction <minimumf>, %select_n3A_332, %reduce_min3A_333 [1] : vector<256x1024xf32> to vector<256xf32>
    %broadcast_in_dim3A_335 = vector.shape_cast %reduce_min3A_334 : vector<256xf32> to vector<256x1xf32>
    %eq3A_336 = vector.broadcast %broadcast_in_dim3A_335 : vector<256x1xf32> to vector<256x1024xf32>
    %eq3A_337 = arith.cmpf oeq, %select_n3A_332, %eq3A_336 : vector<256x1024xf32>
    %convert_element_type3A_338 = arith.extui %eq3A_337 : vector<256x1024xi1> to vector<256x1024xi32>
    %convert_element_type3A_339 = arith.sitofp %convert_element_type3A_338 : vector<256x1024xi32> to vector<256x1024xf32>
    %reduce_sum3A_340 = arith.constant dense<0.000000e+00> : vector<1024xf32>
    %reduce_sum3A_341 = vector.multi_reduction <add>, %convert_element_type3A_339, %reduce_sum3A_340 [0] : vector<256x1024xf32> to vector<1024xf32>
    %broadcast_in_dim3A_342 = vector.shape_cast %reduce_sum3A_341 : vector<1024xf32> to vector<1x1024xf32>
    %add3A_343 = arith.addf %add3A_319, %broadcast_in_dim3A_342 : vector<1x1024xf32>
    %reduce_sum3A_344 = arith.constant dense<0.000000e+00> : vector<1xf32>
    %reduce_sum3A_345 = vector.multi_reduction <add>, %broadcast_in_dim3A_327, %reduce_sum3A_344 [0] : vector<256x1xf32> to vector<1xf32>
    %broadcast_in_dim3A_346 = vector.shape_cast %reduce_sum3A_345 : vector<1xf32> to vector<1x1xf32>
    %add3A_347 = arith.addf %add3A_323, %broadcast_in_dim3A_346 : vector<1x1xf32>
    %slice3A_348 = vector.extract_strided_slice %add3A_9 {offsets = [0, 768], sizes = [256, 128], strides = [1, 1]} : vector<256x2048xf32> to vector<256x128xf32>
    %dot_general3A_349 = arith.constant dense<0.000000e+00> : vector<256x2048xf32>
    %dot_general3A_350 = tpu.matmul %slice3A_348, %get3A_12, %dot_general3A_349 {dimension_numbers = #tpu.dot_dimension_numbers<[1], [0], [0], [1], [0, 0, 1, 1], [], []>, transpose_lhs_hint = false} : vector<256x128xf32>, vector<128x2048xf32>, vector<256x2048xf32> -> vector<256x2048xf32>
    %mul3A_351 = arith.constant 2.000000e+00 : f32
    %mul3A_352 = vector.broadcast %mul3A_351 : f32 to vector<256x2048xf32>
    %mul3A_353 = arith.mulf %mul3A_352, %dot_general3A_350 : vector<256x2048xf32>
    %sub3A_354 = vector.broadcast %broadcast_in_dim3A : vector<1x2048xf32> to vector<256x2048xf32>
    %sub3A_355 = arith.subf %sub3A_354, %mul3A_353 : vector<256x2048xf32>
    %slice3A_356 = vector.extract_strided_slice %sub3A_355 {offsets = [0, 0], sizes = [256, 1024], strides = [1, 1]} : vector<256x2048xf32> to vector<256x1024xf32>
    %reduce_min3A_357 = arith.constant dense<0x7F800000> : vector<256xf32>
    %reduce_min3A_358 = vector.multi_reduction <minimumf>, %slice3A_356, %reduce_min3A_357 [1] : vector<256x1024xf32> to vector<256xf32>
    %broadcast_in_dim3A_359 = vector.shape_cast %reduce_min3A_358 : vector<256xf32> to vector<256x1xf32>
    %eq3A_360 = vector.broadcast %broadcast_in_dim3A_359 : vector<256x1xf32> to vector<256x1024xf32>
    %eq3A_361 = arith.cmpf oeq, %slice3A_356, %eq3A_360 : vector<256x1024xf32>
    %jit3A_362 = arith.constant 1.024000e+03 : f32
    %broadcast_in_dim3A_363 = vector.broadcast %jit3A_362 : f32 to vector<256x1024xf32>
    %select_n3A_364 = arith.select %eq3A_361, %convert_element_type3A, %broadcast_in_dim3A_363 : vector<256x1024xi1>, vector<256x1024xf32>
    %reduce_min3A_365 = arith.constant dense<0x7F800000> : vector<256xf32>
    %reduce_min3A_366 = vector.multi_reduction <minimumf>, %select_n3A_364, %reduce_min3A_365 [1] : vector<256x1024xf32> to vector<256xf32>
    %broadcast_in_dim3A_367 = vector.shape_cast %reduce_min3A_366 : vector<256xf32> to vector<256x1xf32>
    %eq3A_368 = vector.broadcast %broadcast_in_dim3A_367 : vector<256x1xf32> to vector<256x1024xf32>
    %eq3A_369 = arith.cmpf oeq, %select_n3A_364, %eq3A_368 : vector<256x1024xf32>
    %convert_element_type3A_370 = arith.extui %eq3A_369 : vector<256x1024xi1> to vector<256x1024xi32>
    %convert_element_type3A_371 = arith.sitofp %convert_element_type3A_370 : vector<256x1024xi32> to vector<256x1024xf32>
    %reduce_sum3A_372 = arith.constant dense<0.000000e+00> : vector<1024xf32>
    %reduce_sum3A_373 = vector.multi_reduction <add>, %convert_element_type3A_371, %reduce_sum3A_372 [0] : vector<256x1024xf32> to vector<1024xf32>
    %broadcast_in_dim3A_374 = vector.shape_cast %reduce_sum3A_373 : vector<1024xf32> to vector<1x1024xf32>
    %add3A_375 = arith.addf %add3A_343, %broadcast_in_dim3A_374 : vector<1x1024xf32>
    %reduce_sum3A_376 = arith.constant dense<0.000000e+00> : vector<1xf32>
    %reduce_sum3A_377 = vector.multi_reduction <add>, %broadcast_in_dim3A_359, %reduce_sum3A_376 [0] : vector<256x1xf32> to vector<1xf32>
    %broadcast_in_dim3A_378 = vector.shape_cast %reduce_sum3A_377 : vector<1xf32> to vector<1x1xf32>
    %add3A_379 = arith.addf %add3A_347, %broadcast_in_dim3A_378 : vector<1x1xf32>
    %slice3A_380 = vector.extract_strided_slice %sub3A_355 {offsets = [0, 1024], sizes = [256, 1024], strides = [1, 1]} : vector<256x2048xf32> to vector<256x1024xf32>
    %reduce_min3A_381 = arith.constant dense<0x7F800000> : vector<256xf32>
    %reduce_min3A_382 = vector.multi_reduction <minimumf>, %slice3A_380, %reduce_min3A_381 [1] : vector<256x1024xf32> to vector<256xf32>
    %broadcast_in_dim3A_383 = vector.shape_cast %reduce_min3A_382 : vector<256xf32> to vector<256x1xf32>
    %eq3A_384 = vector.broadcast %broadcast_in_dim3A_383 : vector<256x1xf32> to vector<256x1024xf32>
    %eq3A_385 = arith.cmpf oeq, %slice3A_380, %eq3A_384 : vector<256x1024xf32>
    %jit3A_386 = arith.constant 1.024000e+03 : f32
    %broadcast_in_dim3A_387 = vector.broadcast %jit3A_386 : f32 to vector<256x1024xf32>
    %select_n3A_388 = arith.select %eq3A_385, %convert_element_type3A, %broadcast_in_dim3A_387 : vector<256x1024xi1>, vector<256x1024xf32>
    %reduce_min3A_389 = arith.constant dense<0x7F800000> : vector<256xf32>
    %reduce_min3A_390 = vector.multi_reduction <minimumf>, %select_n3A_388, %reduce_min3A_389 [1] : vector<256x1024xf32> to vector<256xf32>
    %broadcast_in_dim3A_391 = vector.shape_cast %reduce_min3A_390 : vector<256xf32> to vector<256x1xf32>
    %eq3A_392 = vector.broadcast %broadcast_in_dim3A_391 : vector<256x1xf32> to vector<256x1024xf32>
    %eq3A_393 = arith.cmpf oeq, %select_n3A_388, %eq3A_392 : vector<256x1024xf32>
    %convert_element_type3A_394 = arith.extui %eq3A_393 : vector<256x1024xi1> to vector<256x1024xi32>
    %convert_element_type3A_395 = arith.sitofp %convert_element_type3A_394 : vector<256x1024xi32> to vector<256x1024xf32>
    %reduce_sum3A_396 = arith.constant dense<0.000000e+00> : vector<1024xf32>
    %reduce_sum3A_397 = vector.multi_reduction <add>, %convert_element_type3A_395, %reduce_sum3A_396 [0] : vector<256x1024xf32> to vector<1024xf32>
    %broadcast_in_dim3A_398 = vector.shape_cast %reduce_sum3A_397 : vector<1024xf32> to vector<1x1024xf32>
    %add3A_399 = arith.addf %add3A_375, %broadcast_in_dim3A_398 : vector<1x1024xf32>
    %reduce_sum3A_400 = arith.constant dense<0.000000e+00> : vector<1xf32>
    %reduce_sum3A_401 = vector.multi_reduction <add>, %broadcast_in_dim3A_383, %reduce_sum3A_400 [0] : vector<256x1xf32> to vector<1xf32>
    %broadcast_in_dim3A_402 = vector.shape_cast %reduce_sum3A_401 : vector<1xf32> to vector<1x1xf32>
    %add3A_403 = arith.addf %add3A_379, %broadcast_in_dim3A_402 : vector<1x1xf32>
    %slice3A_404 = vector.extract_strided_slice %add3A_9 {offsets = [0, 896], sizes = [256, 128], strides = [1, 1]} : vector<256x2048xf32> to vector<256x128xf32>
    %dot_general3A_405 = arith.constant dense<0.000000e+00> : vector<256x2048xf32>
    %dot_general3A_406 = tpu.matmul %slice3A_404, %get3A_12, %dot_general3A_405 {dimension_numbers = #tpu.dot_dimension_numbers<[1], [0], [0], [1], [0, 0, 1, 1], [], []>, transpose_lhs_hint = false} : vector<256x128xf32>, vector<128x2048xf32>, vector<256x2048xf32> -> vector<256x2048xf32>
    %mul3A_407 = arith.constant 2.000000e+00 : f32
    %mul3A_408 = vector.broadcast %mul3A_407 : f32 to vector<256x2048xf32>
    %mul3A_409 = arith.mulf %mul3A_408, %dot_general3A_406 : vector<256x2048xf32>
    %sub3A_410 = vector.broadcast %broadcast_in_dim3A : vector<1x2048xf32> to vector<256x2048xf32>
    %sub3A_411 = arith.subf %sub3A_410, %mul3A_409 : vector<256x2048xf32>
    %slice3A_412 = vector.extract_strided_slice %sub3A_411 {offsets = [0, 0], sizes = [256, 1024], strides = [1, 1]} : vector<256x2048xf32> to vector<256x1024xf32>
    %reduce_min3A_413 = arith.constant dense<0x7F800000> : vector<256xf32>
    %reduce_min3A_414 = vector.multi_reduction <minimumf>, %slice3A_412, %reduce_min3A_413 [1] : vector<256x1024xf32> to vector<256xf32>
    %broadcast_in_dim3A_415 = vector.shape_cast %reduce_min3A_414 : vector<256xf32> to vector<256x1xf32>
    %eq3A_416 = vector.broadcast %broadcast_in_dim3A_415 : vector<256x1xf32> to vector<256x1024xf32>
    %eq3A_417 = arith.cmpf oeq, %slice3A_412, %eq3A_416 : vector<256x1024xf32>
    %jit3A_418 = arith.constant 1.024000e+03 : f32
    %broadcast_in_dim3A_419 = vector.broadcast %jit3A_418 : f32 to vector<256x1024xf32>
    %select_n3A_420 = arith.select %eq3A_417, %convert_element_type3A, %broadcast_in_dim3A_419 : vector<256x1024xi1>, vector<256x1024xf32>
    %reduce_min3A_421 = arith.constant dense<0x7F800000> : vector<256xf32>
    %reduce_min3A_422 = vector.multi_reduction <minimumf>, %select_n3A_420, %reduce_min3A_421 [1] : vector<256x1024xf32> to vector<256xf32>
    %broadcast_in_dim3A_423 = vector.shape_cast %reduce_min3A_422 : vector<256xf32> to vector<256x1xf32>
    %eq3A_424 = vector.broadcast %broadcast_in_dim3A_423 : vector<256x1xf32> to vector<256x1024xf32>
    %eq3A_425 = arith.cmpf oeq, %select_n3A_420, %eq3A_424 : vector<256x1024xf32>
    %convert_element_type3A_426 = arith.extui %eq3A_425 : vector<256x1024xi1> to vector<256x1024xi32>
    %convert_element_type3A_427 = arith.sitofp %convert_element_type3A_426 : vector<256x1024xi32> to vector<256x1024xf32>
    %reduce_sum3A_428 = arith.constant dense<0.000000e+00> : vector<1024xf32>
    %reduce_sum3A_429 = vector.multi_reduction <add>, %convert_element_type3A_427, %reduce_sum3A_428 [0] : vector<256x1024xf32> to vector<1024xf32>
    %broadcast_in_dim3A_430 = vector.shape_cast %reduce_sum3A_429 : vector<1024xf32> to vector<1x1024xf32>
    %add3A_431 = arith.addf %add3A_399, %broadcast_in_dim3A_430 : vector<1x1024xf32>
    %reduce_sum3A_432 = arith.constant dense<0.000000e+00> : vector<1xf32>
    %reduce_sum3A_433 = vector.multi_reduction <add>, %broadcast_in_dim3A_415, %reduce_sum3A_432 [0] : vector<256x1xf32> to vector<1xf32>
    %broadcast_in_dim3A_434 = vector.shape_cast %reduce_sum3A_433 : vector<1xf32> to vector<1x1xf32>
    %add3A_435 = arith.addf %add3A_403, %broadcast_in_dim3A_434 : vector<1x1xf32>
    %slice3A_436 = vector.extract_strided_slice %sub3A_411 {offsets = [0, 1024], sizes = [256, 1024], strides = [1, 1]} : vector<256x2048xf32> to vector<256x1024xf32>
    %reduce_min3A_437 = arith.constant dense<0x7F800000> : vector<256xf32>
    %reduce_min3A_438 = vector.multi_reduction <minimumf>, %slice3A_436, %reduce_min3A_437 [1] : vector<256x1024xf32> to vector<256xf32>
    %broadcast_in_dim3A_439 = vector.shape_cast %reduce_min3A_438 : vector<256xf32> to vector<256x1xf32>
    %eq3A_440 = vector.broadcast %broadcast_in_dim3A_439 : vector<256x1xf32> to vector<256x1024xf32>
    %eq3A_441 = arith.cmpf oeq, %slice3A_436, %eq3A_440 : vector<256x1024xf32>
    %jit3A_442 = arith.constant 1.024000e+03 : f32
    %broadcast_in_dim3A_443 = vector.broadcast %jit3A_442 : f32 to vector<256x1024xf32>
    %select_n3A_444 = arith.select %eq3A_441, %convert_element_type3A, %broadcast_in_dim3A_443 : vector<256x1024xi1>, vector<256x1024xf32>
    %reduce_min3A_445 = arith.constant dense<0x7F800000> : vector<256xf32>
    %reduce_min3A_446 = vector.multi_reduction <minimumf>, %select_n3A_444, %reduce_min3A_445 [1] : vector<256x1024xf32> to vector<256xf32>
    %broadcast_in_dim3A_447 = vector.shape_cast %reduce_min3A_446 : vector<256xf32> to vector<256x1xf32>
    %eq3A_448 = vector.broadcast %broadcast_in_dim3A_447 : vector<256x1xf32> to vector<256x1024xf32>
    %eq3A_449 = arith.cmpf oeq, %select_n3A_444, %eq3A_448 : vector<256x1024xf32>
    %convert_element_type3A_450 = arith.extui %eq3A_449 : vector<256x1024xi1> to vector<256x1024xi32>
    %convert_element_type3A_451 = arith.sitofp %convert_element_type3A_450 : vector<256x1024xi32> to vector<256x1024xf32>
    %reduce_sum3A_452 = arith.constant dense<0.000000e+00> : vector<1024xf32>
    %reduce_sum3A_453 = vector.multi_reduction <add>, %convert_element_type3A_451, %reduce_sum3A_452 [0] : vector<256x1024xf32> to vector<1024xf32>
    %broadcast_in_dim3A_454 = vector.shape_cast %reduce_sum3A_453 : vector<1024xf32> to vector<1x1024xf32>
    %add3A_455 = arith.addf %add3A_431, %broadcast_in_dim3A_454 : vector<1x1024xf32>
    %reduce_sum3A_456 = arith.constant dense<0.000000e+00> : vector<1xf32>
    %reduce_sum3A_457 = vector.multi_reduction <add>, %broadcast_in_dim3A_439, %reduce_sum3A_456 [0] : vector<256x1xf32> to vector<1xf32>
    %broadcast_in_dim3A_458 = vector.shape_cast %reduce_sum3A_457 : vector<1xf32> to vector<1x1xf32>
    %add3A_459 = arith.addf %add3A_435, %broadcast_in_dim3A_458 : vector<1x1xf32>
    %slice3A_460 = vector.extract_strided_slice %add3A_9 {offsets = [0, 1024], sizes = [256, 128], strides = [1, 1]} : vector<256x2048xf32> to vector<256x128xf32>
    %dot_general3A_461 = arith.constant dense<0.000000e+00> : vector<256x2048xf32>
    %dot_general3A_462 = tpu.matmul %slice3A_460, %get3A_12, %dot_general3A_461 {dimension_numbers = #tpu.dot_dimension_numbers<[1], [0], [0], [1], [0, 0, 1, 1], [], []>, transpose_lhs_hint = false} : vector<256x128xf32>, vector<128x2048xf32>, vector<256x2048xf32> -> vector<256x2048xf32>
    %mul3A_463 = arith.constant 2.000000e+00 : f32
    %mul3A_464 = vector.broadcast %mul3A_463 : f32 to vector<256x2048xf32>
    %mul3A_465 = arith.mulf %mul3A_464, %dot_general3A_462 : vector<256x2048xf32>
    %sub3A_466 = vector.broadcast %broadcast_in_dim3A : vector<1x2048xf32> to vector<256x2048xf32>
    %sub3A_467 = arith.subf %sub3A_466, %mul3A_465 : vector<256x2048xf32>
    %slice3A_468 = vector.extract_strided_slice %sub3A_467 {offsets = [0, 0], sizes = [256, 1024], strides = [1, 1]} : vector<256x2048xf32> to vector<256x1024xf32>
    %reduce_min3A_469 = arith.constant dense<0x7F800000> : vector<256xf32>
    %reduce_min3A_470 = vector.multi_reduction <minimumf>, %slice3A_468, %reduce_min3A_469 [1] : vector<256x1024xf32> to vector<256xf32>
    %broadcast_in_dim3A_471 = vector.shape_cast %reduce_min3A_470 : vector<256xf32> to vector<256x1xf32>
    %eq3A_472 = vector.broadcast %broadcast_in_dim3A_471 : vector<256x1xf32> to vector<256x1024xf32>
    %eq3A_473 = arith.cmpf oeq, %slice3A_468, %eq3A_472 : vector<256x1024xf32>
    %jit3A_474 = arith.constant 1.024000e+03 : f32
    %broadcast_in_dim3A_475 = vector.broadcast %jit3A_474 : f32 to vector<256x1024xf32>
    %select_n3A_476 = arith.select %eq3A_473, %convert_element_type3A, %broadcast_in_dim3A_475 : vector<256x1024xi1>, vector<256x1024xf32>
    %reduce_min3A_477 = arith.constant dense<0x7F800000> : vector<256xf32>
    %reduce_min3A_478 = vector.multi_reduction <minimumf>, %select_n3A_476, %reduce_min3A_477 [1] : vector<256x1024xf32> to vector<256xf32>
    %broadcast_in_dim3A_479 = vector.shape_cast %reduce_min3A_478 : vector<256xf32> to vector<256x1xf32>
    %eq3A_480 = vector.broadcast %broadcast_in_dim3A_479 : vector<256x1xf32> to vector<256x1024xf32>
    %eq3A_481 = arith.cmpf oeq, %select_n3A_476, %eq3A_480 : vector<256x1024xf32>
    %convert_element_type3A_482 = arith.extui %eq3A_481 : vector<256x1024xi1> to vector<256x1024xi32>
    %convert_element_type3A_483 = arith.sitofp %convert_element_type3A_482 : vector<256x1024xi32> to vector<256x1024xf32>
    %reduce_sum3A_484 = arith.constant dense<0.000000e+00> : vector<1024xf32>
    %reduce_sum3A_485 = vector.multi_reduction <add>, %convert_element_type3A_483, %reduce_sum3A_484 [0] : vector<256x1024xf32> to vector<1024xf32>
    %broadcast_in_dim3A_486 = vector.shape_cast %reduce_sum3A_485 : vector<1024xf32> to vector<1x1024xf32>
    %add3A_487 = arith.addf %add3A_455, %broadcast_in_dim3A_486 : vector<1x1024xf32>
    %reduce_sum3A_488 = arith.constant dense<0.000000e+00> : vector<1xf32>
    %reduce_sum3A_489 = vector.multi_reduction <add>, %broadcast_in_dim3A_471, %reduce_sum3A_488 [0] : vector<256x1xf32> to vector<1xf32>
    %broadcast_in_dim3A_490 = vector.shape_cast %reduce_sum3A_489 : vector<1xf32> to vector<1x1xf32>
    %add3A_491 = arith.addf %add3A_459, %broadcast_in_dim3A_490 : vector<1x1xf32>
    %slice3A_492 = vector.extract_strided_slice %sub3A_467 {offsets = [0, 1024], sizes = [256, 1024], strides = [1, 1]} : vector<256x2048xf32> to vector<256x1024xf32>
    %reduce_min3A_493 = arith.constant dense<0x7F800000> : vector<256xf32>
    %reduce_min3A_494 = vector.multi_reduction <minimumf>, %slice3A_492, %reduce_min3A_493 [1] : vector<256x1024xf32> to vector<256xf32>
    %broadcast_in_dim3A_495 = vector.shape_cast %reduce_min3A_494 : vector<256xf32> to vector<256x1xf32>
    %eq3A_496 = vector.broadcast %broadcast_in_dim3A_495 : vector<256x1xf32> to vector<256x1024xf32>
    %eq3A_497 = arith.cmpf oeq, %slice3A_492, %eq3A_496 : vector<256x1024xf32>
    %jit3A_498 = arith.constant 1.024000e+03 : f32
    %broadcast_in_dim3A_499 = vector.broadcast %jit3A_498 : f32 to vector<256x1024xf32>
    %select_n3A_500 = arith.select %eq3A_497, %convert_element_type3A, %broadcast_in_dim3A_499 : vector<256x1024xi1>, vector<256x1024xf32>
    %reduce_min3A_501 = arith.constant dense<0x7F800000> : vector<256xf32>
    %reduce_min3A_502 = vector.multi_reduction <minimumf>, %select_n3A_500, %reduce_min3A_501 [1] : vector<256x1024xf32> to vector<256xf32>
    %broadcast_in_dim3A_503 = vector.shape_cast %reduce_min3A_502 : vector<256xf32> to vector<256x1xf32>
    %eq3A_504 = vector.broadcast %broadcast_in_dim3A_503 : vector<256x1xf32> to vector<256x1024xf32>
    %eq3A_505 = arith.cmpf oeq, %select_n3A_500, %eq3A_504 : vector<256x1024xf32>
    %convert_element_type3A_506 = arith.extui %eq3A_505 : vector<256x1024xi1> to vector<256x1024xi32>
    %convert_element_type3A_507 = arith.sitofp %convert_element_type3A_506 : vector<256x1024xi32> to vector<256x1024xf32>
    %reduce_sum3A_508 = arith.constant dense<0.000000e+00> : vector<1024xf32>
    %reduce_sum3A_509 = vector.multi_reduction <add>, %convert_element_type3A_507, %reduce_sum3A_508 [0] : vector<256x1024xf32> to vector<1024xf32>
    %broadcast_in_dim3A_510 = vector.shape_cast %reduce_sum3A_509 : vector<1024xf32> to vector<1x1024xf32>
    %add3A_511 = arith.addf %add3A_487, %broadcast_in_dim3A_510 : vector<1x1024xf32>
    %reduce_sum3A_512 = arith.constant dense<0.000000e+00> : vector<1xf32>
    %reduce_sum3A_513 = vector.multi_reduction <add>, %broadcast_in_dim3A_495, %reduce_sum3A_512 [0] : vector<256x1xf32> to vector<1xf32>
    %broadcast_in_dim3A_514 = vector.shape_cast %reduce_sum3A_513 : vector<1xf32> to vector<1x1xf32>
    %add3A_515 = arith.addf %add3A_491, %broadcast_in_dim3A_514 : vector<1x1xf32>
    %slice3A_516 = vector.extract_strided_slice %add3A_9 {offsets = [0, 1152], sizes = [256, 128], strides = [1, 1]} : vector<256x2048xf32> to vector<256x128xf32>
    %dot_general3A_517 = arith.constant dense<0.000000e+00> : vector<256x2048xf32>
    %dot_general3A_518 = tpu.matmul %slice3A_516, %get3A_12, %dot_general3A_517 {dimension_numbers = #tpu.dot_dimension_numbers<[1], [0], [0], [1], [0, 0, 1, 1], [], []>, transpose_lhs_hint = false} : vector<256x128xf32>, vector<128x2048xf32>, vector<256x2048xf32> -> vector<256x2048xf32>
    %mul3A_519 = arith.constant 2.000000e+00 : f32
    %mul3A_520 = vector.broadcast %mul3A_519 : f32 to vector<256x2048xf32>
    %mul3A_521 = arith.mulf %mul3A_520, %dot_general3A_518 : vector<256x2048xf32>
    %sub3A_522 = vector.broadcast %broadcast_in_dim3A : vector<1x2048xf32> to vector<256x2048xf32>
    %sub3A_523 = arith.subf %sub3A_522, %mul3A_521 : vector<256x2048xf32>
    %slice3A_524 = vector.extract_strided_slice %sub3A_523 {offsets = [0, 0], sizes = [256, 1024], strides = [1, 1]} : vector<256x2048xf32> to vector<256x1024xf32>
    %reduce_min3A_525 = arith.constant dense<0x7F800000> : vector<256xf32>
    %reduce_min3A_526 = vector.multi_reduction <minimumf>, %slice3A_524, %reduce_min3A_525 [1] : vector<256x1024xf32> to vector<256xf32>
    %broadcast_in_dim3A_527 = vector.shape_cast %reduce_min3A_526 : vector<256xf32> to vector<256x1xf32>
    %eq3A_528 = vector.broadcast %broadcast_in_dim3A_527 : vector<256x1xf32> to vector<256x1024xf32>
    %eq3A_529 = arith.cmpf oeq, %slice3A_524, %eq3A_528 : vector<256x1024xf32>
    %jit3A_530 = arith.constant 1.024000e+03 : f32
    %broadcast_in_dim3A_531 = vector.broadcast %jit3A_530 : f32 to vector<256x1024xf32>
    %select_n3A_532 = arith.select %eq3A_529, %convert_element_type3A, %broadcast_in_dim3A_531 : vector<256x1024xi1>, vector<256x1024xf32>
    %reduce_min3A_533 = arith.constant dense<0x7F800000> : vector<256xf32>
    %reduce_min3A_534 = vector.multi_reduction <minimumf>, %select_n3A_532, %reduce_min3A_533 [1] : vector<256x1024xf32> to vector<256xf32>
    %broadcast_in_dim3A_535 = vector.shape_cast %reduce_min3A_534 : vector<256xf32> to vector<256x1xf32>
    %eq3A_536 = vector.broadcast %broadcast_in_dim3A_535 : vector<256x1xf32> to vector<256x1024xf32>
    %eq3A_537 = arith.cmpf oeq, %select_n3A_532, %eq3A_536 : vector<256x1024xf32>
    %convert_element_type3A_538 = arith.extui %eq3A_537 : vector<256x1024xi1> to vector<256x1024xi32>
    %convert_element_type3A_539 = arith.sitofp %convert_element_type3A_538 : vector<256x1024xi32> to vector<256x1024xf32>
    %reduce_sum3A_540 = arith.constant dense<0.000000e+00> : vector<1024xf32>
    %reduce_sum3A_541 = vector.multi_reduction <add>, %convert_element_type3A_539, %reduce_sum3A_540 [0] : vector<256x1024xf32> to vector<1024xf32>
    %broadcast_in_dim3A_542 = vector.shape_cast %reduce_sum3A_541 : vector<1024xf32> to vector<1x1024xf32>
    %add3A_543 = arith.addf %add3A_511, %broadcast_in_dim3A_542 : vector<1x1024xf32>
    %reduce_sum3A_544 = arith.constant dense<0.000000e+00> : vector<1xf32>
    %reduce_sum3A_545 = vector.multi_reduction <add>, %broadcast_in_dim3A_527, %reduce_sum3A_544 [0] : vector<256x1xf32> to vector<1xf32>
    %broadcast_in_dim3A_546 = vector.shape_cast %reduce_sum3A_545 : vector<1xf32> to vector<1x1xf32>
    %add3A_547 = arith.addf %add3A_515, %broadcast_in_dim3A_546 : vector<1x1xf32>
    %slice3A_548 = vector.extract_strided_slice %sub3A_523 {offsets = [0, 1024], sizes = [256, 1024], strides = [1, 1]} : vector<256x2048xf32> to vector<256x1024xf32>
    %reduce_min3A_549 = arith.constant dense<0x7F800000> : vector<256xf32>
    %reduce_min3A_550 = vector.multi_reduction <minimumf>, %slice3A_548, %reduce_min3A_549 [1] : vector<256x1024xf32> to vector<256xf32>
    %broadcast_in_dim3A_551 = vector.shape_cast %reduce_min3A_550 : vector<256xf32> to vector<256x1xf32>
    %eq3A_552 = vector.broadcast %broadcast_in_dim3A_551 : vector<256x1xf32> to vector<256x1024xf32>
    %eq3A_553 = arith.cmpf oeq, %slice3A_548, %eq3A_552 : vector<256x1024xf32>
    %jit3A_554 = arith.constant 1.024000e+03 : f32
    %broadcast_in_dim3A_555 = vector.broadcast %jit3A_554 : f32 to vector<256x1024xf32>
    %select_n3A_556 = arith.select %eq3A_553, %convert_element_type3A, %broadcast_in_dim3A_555 : vector<256x1024xi1>, vector<256x1024xf32>
    %reduce_min3A_557 = arith.constant dense<0x7F800000> : vector<256xf32>
    %reduce_min3A_558 = vector.multi_reduction <minimumf>, %select_n3A_556, %reduce_min3A_557 [1] : vector<256x1024xf32> to vector<256xf32>
    %broadcast_in_dim3A_559 = vector.shape_cast %reduce_min3A_558 : vector<256xf32> to vector<256x1xf32>
    %eq3A_560 = vector.broadcast %broadcast_in_dim3A_559 : vector<256x1xf32> to vector<256x1024xf32>
    %eq3A_561 = arith.cmpf oeq, %select_n3A_556, %eq3A_560 : vector<256x1024xf32>
    %convert_element_type3A_562 = arith.extui %eq3A_561 : vector<256x1024xi1> to vector<256x1024xi32>
    %convert_element_type3A_563 = arith.sitofp %convert_element_type3A_562 : vector<256x1024xi32> to vector<256x1024xf32>
    %reduce_sum3A_564 = arith.constant dense<0.000000e+00> : vector<1024xf32>
    %reduce_sum3A_565 = vector.multi_reduction <add>, %convert_element_type3A_563, %reduce_sum3A_564 [0] : vector<256x1024xf32> to vector<1024xf32>
    %broadcast_in_dim3A_566 = vector.shape_cast %reduce_sum3A_565 : vector<1024xf32> to vector<1x1024xf32>
    %add3A_567 = arith.addf %add3A_543, %broadcast_in_dim3A_566 : vector<1x1024xf32>
    %reduce_sum3A_568 = arith.constant dense<0.000000e+00> : vector<1xf32>
    %reduce_sum3A_569 = vector.multi_reduction <add>, %broadcast_in_dim3A_551, %reduce_sum3A_568 [0] : vector<256x1xf32> to vector<1xf32>
    %broadcast_in_dim3A_570 = vector.shape_cast %reduce_sum3A_569 : vector<1xf32> to vector<1x1xf32>
    %add3A_571 = arith.addf %add3A_547, %broadcast_in_dim3A_570 : vector<1x1xf32>
    %slice3A_572 = vector.extract_strided_slice %add3A_9 {offsets = [0, 1280], sizes = [256, 128], strides = [1, 1]} : vector<256x2048xf32> to vector<256x128xf32>
    %dot_general3A_573 = arith.constant dense<0.000000e+00> : vector<256x2048xf32>
    %dot_general3A_574 = tpu.matmul %slice3A_572, %get3A_12, %dot_general3A_573 {dimension_numbers = #tpu.dot_dimension_numbers<[1], [0], [0], [1], [0, 0, 1, 1], [], []>, transpose_lhs_hint = false} : vector<256x128xf32>, vector<128x2048xf32>, vector<256x2048xf32> -> vector<256x2048xf32>
    %mul3A_575 = arith.constant 2.000000e+00 : f32
    %mul3A_576 = vector.broadcast %mul3A_575 : f32 to vector<256x2048xf32>
    %mul3A_577 = arith.mulf %mul3A_576, %dot_general3A_574 : vector<256x2048xf32>
    %sub3A_578 = vector.broadcast %broadcast_in_dim3A : vector<1x2048xf32> to vector<256x2048xf32>
    %sub3A_579 = arith.subf %sub3A_578, %mul3A_577 : vector<256x2048xf32>
    %slice3A_580 = vector.extract_strided_slice %sub3A_579 {offsets = [0, 0], sizes = [256, 1024], strides = [1, 1]} : vector<256x2048xf32> to vector<256x1024xf32>
    %reduce_min3A_581 = arith.constant dense<0x7F800000> : vector<256xf32>
    %reduce_min3A_582 = vector.multi_reduction <minimumf>, %slice3A_580, %reduce_min3A_581 [1] : vector<256x1024xf32> to vector<256xf32>
    %broadcast_in_dim3A_583 = vector.shape_cast %reduce_min3A_582 : vector<256xf32> to vector<256x1xf32>
    %eq3A_584 = vector.broadcast %broadcast_in_dim3A_583 : vector<256x1xf32> to vector<256x1024xf32>
    %eq3A_585 = arith.cmpf oeq, %slice3A_580, %eq3A_584 : vector<256x1024xf32>
    %jit3A_586 = arith.constant 1.024000e+03 : f32
    %broadcast_in_dim3A_587 = vector.broadcast %jit3A_586 : f32 to vector<256x1024xf32>
    %select_n3A_588 = arith.select %eq3A_585, %convert_element_type3A, %broadcast_in_dim3A_587 : vector<256x1024xi1>, vector<256x1024xf32>
    %reduce_min3A_589 = arith.constant dense<0x7F800000> : vector<256xf32>
    %reduce_min3A_590 = vector.multi_reduction <minimumf>, %select_n3A_588, %reduce_min3A_589 [1] : vector<256x1024xf32> to vector<256xf32>
    %broadcast_in_dim3A_591 = vector.shape_cast %reduce_min3A_590 : vector<256xf32> to vector<256x1xf32>
    %eq3A_592 = vector.broadcast %broadcast_in_dim3A_591 : vector<256x1xf32> to vector<256x1024xf32>
    %eq3A_593 = arith.cmpf oeq, %select_n3A_588, %eq3A_592 : vector<256x1024xf32>
    %convert_element_type3A_594 = arith.extui %eq3A_593 : vector<256x1024xi1> to vector<256x1024xi32>
    %convert_element_type3A_595 = arith.sitofp %convert_element_type3A_594 : vector<256x1024xi32> to vector<256x1024xf32>
    %reduce_sum3A_596 = arith.constant dense<0.000000e+00> : vector<1024xf32>
    %reduce_sum3A_597 = vector.multi_reduction <add>, %convert_element_type3A_595, %reduce_sum3A_596 [0] : vector<256x1024xf32> to vector<1024xf32>
    %broadcast_in_dim3A_598 = vector.shape_cast %reduce_sum3A_597 : vector<1024xf32> to vector<1x1024xf32>
    %add3A_599 = arith.addf %add3A_567, %broadcast_in_dim3A_598 : vector<1x1024xf32>
    %reduce_sum3A_600 = arith.constant dense<0.000000e+00> : vector<1xf32>
    %reduce_sum3A_601 = vector.multi_reduction <add>, %broadcast_in_dim3A_583, %reduce_sum3A_600 [0] : vector<256x1xf32> to vector<1xf32>
    %broadcast_in_dim3A_602 = vector.shape_cast %reduce_sum3A_601 : vector<1xf32> to vector<1x1xf32>
    %add3A_603 = arith.addf %add3A_571, %broadcast_in_dim3A_602 : vector<1x1xf32>
    %slice3A_604 = vector.extract_strided_slice %sub3A_579 {offsets = [0, 1024], sizes = [256, 1024], strides = [1, 1]} : vector<256x2048xf32> to vector<256x1024xf32>
    %reduce_min3A_605 = arith.constant dense<0x7F800000> : vector<256xf32>
    %reduce_min3A_606 = vector.multi_reduction <minimumf>, %slice3A_604, %reduce_min3A_605 [1] : vector<256x1024xf32> to vector<256xf32>
    %broadcast_in_dim3A_607 = vector.shape_cast %reduce_min3A_606 : vector<256xf32> to vector<256x1xf32>
    %eq3A_608 = vector.broadcast %broadcast_in_dim3A_607 : vector<256x1xf32> to vector<256x1024xf32>
    %eq3A_609 = arith.cmpf oeq, %slice3A_604, %eq3A_608 : vector<256x1024xf32>
    %jit3A_610 = arith.constant 1.024000e+03 : f32
    %broadcast_in_dim3A_611 = vector.broadcast %jit3A_610 : f32 to vector<256x1024xf32>
    %select_n3A_612 = arith.select %eq3A_609, %convert_element_type3A, %broadcast_in_dim3A_611 : vector<256x1024xi1>, vector<256x1024xf32>
    %reduce_min3A_613 = arith.constant dense<0x7F800000> : vector<256xf32>
    %reduce_min3A_614 = vector.multi_reduction <minimumf>, %select_n3A_612, %reduce_min3A_613 [1] : vector<256x1024xf32> to vector<256xf32>
    %broadcast_in_dim3A_615 = vector.shape_cast %reduce_min3A_614 : vector<256xf32> to vector<256x1xf32>
    %eq3A_616 = vector.broadcast %broadcast_in_dim3A_615 : vector<256x1xf32> to vector<256x1024xf32>
    %eq3A_617 = arith.cmpf oeq, %select_n3A_612, %eq3A_616 : vector<256x1024xf32>
    %convert_element_type3A_618 = arith.extui %eq3A_617 : vector<256x1024xi1> to vector<256x1024xi32>
    %convert_element_type3A_619 = arith.sitofp %convert_element_type3A_618 : vector<256x1024xi32> to vector<256x1024xf32>
    %reduce_sum3A_620 = arith.constant dense<0.000000e+00> : vector<1024xf32>
    %reduce_sum3A_621 = vector.multi_reduction <add>, %convert_element_type3A_619, %reduce_sum3A_620 [0] : vector<256x1024xf32> to vector<1024xf32>
    %broadcast_in_dim3A_622 = vector.shape_cast %reduce_sum3A_621 : vector<1024xf32> to vector<1x1024xf32>
    %add3A_623 = arith.addf %add3A_599, %broadcast_in_dim3A_622 : vector<1x1024xf32>
    %reduce_sum3A_624 = arith.constant dense<0.000000e+00> : vector<1xf32>
    %reduce_sum3A_625 = vector.multi_reduction <add>, %broadcast_in_dim3A_607, %reduce_sum3A_624 [0] : vector<256x1xf32> to vector<1xf32>
    %broadcast_in_dim3A_626 = vector.shape_cast %reduce_sum3A_625 : vector<1xf32> to vector<1x1xf32>
    %add3A_627 = arith.addf %add3A_603, %broadcast_in_dim3A_626 : vector<1x1xf32>
    %slice3A_628 = vector.extract_strided_slice %add3A_9 {offsets = [0, 1408], sizes = [256, 128], strides = [1, 1]} : vector<256x2048xf32> to vector<256x128xf32>
    %dot_general3A_629 = arith.constant dense<0.000000e+00> : vector<256x2048xf32>
    %dot_general3A_630 = tpu.matmul %slice3A_628, %get3A_12, %dot_general3A_629 {dimension_numbers = #tpu.dot_dimension_numbers<[1], [0], [0], [1], [0, 0, 1, 1], [], []>, transpose_lhs_hint = false} : vector<256x128xf32>, vector<128x2048xf32>, vector<256x2048xf32> -> vector<256x2048xf32>
    %mul3A_631 = arith.constant 2.000000e+00 : f32
    %mul3A_632 = vector.broadcast %mul3A_631 : f32 to vector<256x2048xf32>
    %mul3A_633 = arith.mulf %mul3A_632, %dot_general3A_630 : vector<256x2048xf32>
    %sub3A_634 = vector.broadcast %broadcast_in_dim3A : vector<1x2048xf32> to vector<256x2048xf32>
    %sub3A_635 = arith.subf %sub3A_634, %mul3A_633 : vector<256x2048xf32>
    %slice3A_636 = vector.extract_strided_slice %sub3A_635 {offsets = [0, 0], sizes = [256, 1024], strides = [1, 1]} : vector<256x2048xf32> to vector<256x1024xf32>
    %reduce_min3A_637 = arith.constant dense<0x7F800000> : vector<256xf32>
    %reduce_min3A_638 = vector.multi_reduction <minimumf>, %slice3A_636, %reduce_min3A_637 [1] : vector<256x1024xf32> to vector<256xf32>
    %broadcast_in_dim3A_639 = vector.shape_cast %reduce_min3A_638 : vector<256xf32> to vector<256x1xf32>
    %eq3A_640 = vector.broadcast %broadcast_in_dim3A_639 : vector<256x1xf32> to vector<256x1024xf32>
    %eq3A_641 = arith.cmpf oeq, %slice3A_636, %eq3A_640 : vector<256x1024xf32>
    %jit3A_642 = arith.constant 1.024000e+03 : f32
    %broadcast_in_dim3A_643 = vector.broadcast %jit3A_642 : f32 to vector<256x1024xf32>
    %select_n3A_644 = arith.select %eq3A_641, %convert_element_type3A, %broadcast_in_dim3A_643 : vector<256x1024xi1>, vector<256x1024xf32>
    %reduce_min3A_645 = arith.constant dense<0x7F800000> : vector<256xf32>
    %reduce_min3A_646 = vector.multi_reduction <minimumf>, %select_n3A_644, %reduce_min3A_645 [1] : vector<256x1024xf32> to vector<256xf32>
    %broadcast_in_dim3A_647 = vector.shape_cast %reduce_min3A_646 : vector<256xf32> to vector<256x1xf32>
    %eq3A_648 = vector.broadcast %broadcast_in_dim3A_647 : vector<256x1xf32> to vector<256x1024xf32>
    %eq3A_649 = arith.cmpf oeq, %select_n3A_644, %eq3A_648 : vector<256x1024xf32>
    %convert_element_type3A_650 = arith.extui %eq3A_649 : vector<256x1024xi1> to vector<256x1024xi32>
    %convert_element_type3A_651 = arith.sitofp %convert_element_type3A_650 : vector<256x1024xi32> to vector<256x1024xf32>
    %reduce_sum3A_652 = arith.constant dense<0.000000e+00> : vector<1024xf32>
    %reduce_sum3A_653 = vector.multi_reduction <add>, %convert_element_type3A_651, %reduce_sum3A_652 [0] : vector<256x1024xf32> to vector<1024xf32>
    %broadcast_in_dim3A_654 = vector.shape_cast %reduce_sum3A_653 : vector<1024xf32> to vector<1x1024xf32>
    %add3A_655 = arith.addf %add3A_623, %broadcast_in_dim3A_654 : vector<1x1024xf32>
    %reduce_sum3A_656 = arith.constant dense<0.000000e+00> : vector<1xf32>
    %reduce_sum3A_657 = vector.multi_reduction <add>, %broadcast_in_dim3A_639, %reduce_sum3A_656 [0] : vector<256x1xf32> to vector<1xf32>
    %broadcast_in_dim3A_658 = vector.shape_cast %reduce_sum3A_657 : vector<1xf32> to vector<1x1xf32>
    %add3A_659 = arith.addf %add3A_627, %broadcast_in_dim3A_658 : vector<1x1xf32>
    %slice3A_660 = vector.extract_strided_slice %sub3A_635 {offsets = [0, 1024], sizes = [256, 1024], strides = [1, 1]} : vector<256x2048xf32> to vector<256x1024xf32>
    %reduce_min3A_661 = arith.constant dense<0x7F800000> : vector<256xf32>
    %reduce_min3A_662 = vector.multi_reduction <minimumf>, %slice3A_660, %reduce_min3A_661 [1] : vector<256x1024xf32> to vector<256xf32>
    %broadcast_in_dim3A_663 = vector.shape_cast %reduce_min3A_662 : vector<256xf32> to vector<256x1xf32>
    %eq3A_664 = vector.broadcast %broadcast_in_dim3A_663 : vector<256x1xf32> to vector<256x1024xf32>
    %eq3A_665 = arith.cmpf oeq, %slice3A_660, %eq3A_664 : vector<256x1024xf32>
    %jit3A_666 = arith.constant 1.024000e+03 : f32
    %broadcast_in_dim3A_667 = vector.broadcast %jit3A_666 : f32 to vector<256x1024xf32>
    %select_n3A_668 = arith.select %eq3A_665, %convert_element_type3A, %broadcast_in_dim3A_667 : vector<256x1024xi1>, vector<256x1024xf32>
    %reduce_min3A_669 = arith.constant dense<0x7F800000> : vector<256xf32>
    %reduce_min3A_670 = vector.multi_reduction <minimumf>, %select_n3A_668, %reduce_min3A_669 [1] : vector<256x1024xf32> to vector<256xf32>
    %broadcast_in_dim3A_671 = vector.shape_cast %reduce_min3A_670 : vector<256xf32> to vector<256x1xf32>
    %eq3A_672 = vector.broadcast %broadcast_in_dim3A_671 : vector<256x1xf32> to vector<256x1024xf32>
    %eq3A_673 = arith.cmpf oeq, %select_n3A_668, %eq3A_672 : vector<256x1024xf32>
    %convert_element_type3A_674 = arith.extui %eq3A_673 : vector<256x1024xi1> to vector<256x1024xi32>
    %convert_element_type3A_675 = arith.sitofp %convert_element_type3A_674 : vector<256x1024xi32> to vector<256x1024xf32>
    %reduce_sum3A_676 = arith.constant dense<0.000000e+00> : vector<1024xf32>
    %reduce_sum3A_677 = vector.multi_reduction <add>, %convert_element_type3A_675, %reduce_sum3A_676 [0] : vector<256x1024xf32> to vector<1024xf32>
    %broadcast_in_dim3A_678 = vector.shape_cast %reduce_sum3A_677 : vector<1024xf32> to vector<1x1024xf32>
    %add3A_679 = arith.addf %add3A_655, %broadcast_in_dim3A_678 : vector<1x1024xf32>
    %reduce_sum3A_680 = arith.constant dense<0.000000e+00> : vector<1xf32>
    %reduce_sum3A_681 = vector.multi_reduction <add>, %broadcast_in_dim3A_663, %reduce_sum3A_680 [0] : vector<256x1xf32> to vector<1xf32>
    %broadcast_in_dim3A_682 = vector.shape_cast %reduce_sum3A_681 : vector<1xf32> to vector<1x1xf32>
    %add3A_683 = arith.addf %add3A_659, %broadcast_in_dim3A_682 : vector<1x1xf32>
    %slice3A_684 = vector.extract_strided_slice %add3A_9 {offsets = [0, 1536], sizes = [256, 128], strides = [1, 1]} : vector<256x2048xf32> to vector<256x128xf32>
    %dot_general3A_685 = arith.constant dense<0.000000e+00> : vector<256x2048xf32>
    %dot_general3A_686 = tpu.matmul %slice3A_684, %get3A_12, %dot_general3A_685 {dimension_numbers = #tpu.dot_dimension_numbers<[1], [0], [0], [1], [0, 0, 1, 1], [], []>, transpose_lhs_hint = false} : vector<256x128xf32>, vector<128x2048xf32>, vector<256x2048xf32> -> vector<256x2048xf32>
    %mul3A_687 = arith.constant 2.000000e+00 : f32
    %mul3A_688 = vector.broadcast %mul3A_687 : f32 to vector<256x2048xf32>
    %mul3A_689 = arith.mulf %mul3A_688, %dot_general3A_686 : vector<256x2048xf32>
    %sub3A_690 = vector.broadcast %broadcast_in_dim3A : vector<1x2048xf32> to vector<256x2048xf32>
    %sub3A_691 = arith.subf %sub3A_690, %mul3A_689 : vector<256x2048xf32>
    %slice3A_692 = vector.extract_strided_slice %sub3A_691 {offsets = [0, 0], sizes = [256, 1024], strides = [1, 1]} : vector<256x2048xf32> to vector<256x1024xf32>
    %reduce_min3A_693 = arith.constant dense<0x7F800000> : vector<256xf32>
    %reduce_min3A_694 = vector.multi_reduction <minimumf>, %slice3A_692, %reduce_min3A_693 [1] : vector<256x1024xf32> to vector<256xf32>
    %broadcast_in_dim3A_695 = vector.shape_cast %reduce_min3A_694 : vector<256xf32> to vector<256x1xf32>
    %eq3A_696 = vector.broadcast %broadcast_in_dim3A_695 : vector<256x1xf32> to vector<256x1024xf32>
    %eq3A_697 = arith.cmpf oeq, %slice3A_692, %eq3A_696 : vector<256x1024xf32>
    %jit3A_698 = arith.constant 1.024000e+03 : f32
    %broadcast_in_dim3A_699 = vector.broadcast %jit3A_698 : f32 to vector<256x1024xf32>
    %select_n3A_700 = arith.select %eq3A_697, %convert_element_type3A, %broadcast_in_dim3A_699 : vector<256x1024xi1>, vector<256x1024xf32>
    %reduce_min3A_701 = arith.constant dense<0x7F800000> : vector<256xf32>
    %reduce_min3A_702 = vector.multi_reduction <minimumf>, %select_n3A_700, %reduce_min3A_701 [1] : vector<256x1024xf32> to vector<256xf32>
    %broadcast_in_dim3A_703 = vector.shape_cast %reduce_min3A_702 : vector<256xf32> to vector<256x1xf32>
    %eq3A_704 = vector.broadcast %broadcast_in_dim3A_703 : vector<256x1xf32> to vector<256x1024xf32>
    %eq3A_705 = arith.cmpf oeq, %select_n3A_700, %eq3A_704 : vector<256x1024xf32>
    %convert_element_type3A_706 = arith.extui %eq3A_705 : vector<256x1024xi1> to vector<256x1024xi32>
    %convert_element_type3A_707 = arith.sitofp %convert_element_type3A_706 : vector<256x1024xi32> to vector<256x1024xf32>
    %reduce_sum3A_708 = arith.constant dense<0.000000e+00> : vector<1024xf32>
    %reduce_sum3A_709 = vector.multi_reduction <add>, %convert_element_type3A_707, %reduce_sum3A_708 [0] : vector<256x1024xf32> to vector<1024xf32>
    %broadcast_in_dim3A_710 = vector.shape_cast %reduce_sum3A_709 : vector<1024xf32> to vector<1x1024xf32>
    %add3A_711 = arith.addf %add3A_679, %broadcast_in_dim3A_710 : vector<1x1024xf32>
    %reduce_sum3A_712 = arith.constant dense<0.000000e+00> : vector<1xf32>
    %reduce_sum3A_713 = vector.multi_reduction <add>, %broadcast_in_dim3A_695, %reduce_sum3A_712 [0] : vector<256x1xf32> to vector<1xf32>
    %broadcast_in_dim3A_714 = vector.shape_cast %reduce_sum3A_713 : vector<1xf32> to vector<1x1xf32>
    %add3A_715 = arith.addf %add3A_683, %broadcast_in_dim3A_714 : vector<1x1xf32>
    %slice3A_716 = vector.extract_strided_slice %sub3A_691 {offsets = [0, 1024], sizes = [256, 1024], strides = [1, 1]} : vector<256x2048xf32> to vector<256x1024xf32>
    %reduce_min3A_717 = arith.constant dense<0x7F800000> : vector<256xf32>
    %reduce_min3A_718 = vector.multi_reduction <minimumf>, %slice3A_716, %reduce_min3A_717 [1] : vector<256x1024xf32> to vector<256xf32>
    %broadcast_in_dim3A_719 = vector.shape_cast %reduce_min3A_718 : vector<256xf32> to vector<256x1xf32>
    %eq3A_720 = vector.broadcast %broadcast_in_dim3A_719 : vector<256x1xf32> to vector<256x1024xf32>
    %eq3A_721 = arith.cmpf oeq, %slice3A_716, %eq3A_720 : vector<256x1024xf32>
    %jit3A_722 = arith.constant 1.024000e+03 : f32
    %broadcast_in_dim3A_723 = vector.broadcast %jit3A_722 : f32 to vector<256x1024xf32>
    %select_n3A_724 = arith.select %eq3A_721, %convert_element_type3A, %broadcast_in_dim3A_723 : vector<256x1024xi1>, vector<256x1024xf32>
    %reduce_min3A_725 = arith.constant dense<0x7F800000> : vector<256xf32>
    %reduce_min3A_726 = vector.multi_reduction <minimumf>, %select_n3A_724, %reduce_min3A_725 [1] : vector<256x1024xf32> to vector<256xf32>
    %broadcast_in_dim3A_727 = vector.shape_cast %reduce_min3A_726 : vector<256xf32> to vector<256x1xf32>
    %eq3A_728 = vector.broadcast %broadcast_in_dim3A_727 : vector<256x1xf32> to vector<256x1024xf32>
    %eq3A_729 = arith.cmpf oeq, %select_n3A_724, %eq3A_728 : vector<256x1024xf32>
    %convert_element_type3A_730 = arith.extui %eq3A_729 : vector<256x1024xi1> to vector<256x1024xi32>
    %convert_element_type3A_731 = arith.sitofp %convert_element_type3A_730 : vector<256x1024xi32> to vector<256x1024xf32>
    %reduce_sum3A_732 = arith.constant dense<0.000000e+00> : vector<1024xf32>
    %reduce_sum3A_733 = vector.multi_reduction <add>, %convert_element_type3A_731, %reduce_sum3A_732 [0] : vector<256x1024xf32> to vector<1024xf32>
    %broadcast_in_dim3A_734 = vector.shape_cast %reduce_sum3A_733 : vector<1024xf32> to vector<1x1024xf32>
    %add3A_735 = arith.addf %add3A_711, %broadcast_in_dim3A_734 : vector<1x1024xf32>
    %reduce_sum3A_736 = arith.constant dense<0.000000e+00> : vector<1xf32>
    %reduce_sum3A_737 = vector.multi_reduction <add>, %broadcast_in_dim3A_719, %reduce_sum3A_736 [0] : vector<256x1xf32> to vector<1xf32>
    %broadcast_in_dim3A_738 = vector.shape_cast %reduce_sum3A_737 : vector<1xf32> to vector<1x1xf32>
    %add3A_739 = arith.addf %add3A_715, %broadcast_in_dim3A_738 : vector<1x1xf32>
    %slice3A_740 = vector.extract_strided_slice %add3A_9 {offsets = [0, 1664], sizes = [256, 128], strides = [1, 1]} : vector<256x2048xf32> to vector<256x128xf32>
    %dot_general3A_741 = arith.constant dense<0.000000e+00> : vector<256x2048xf32>
    %dot_general3A_742 = tpu.matmul %slice3A_740, %get3A_12, %dot_general3A_741 {dimension_numbers = #tpu.dot_dimension_numbers<[1], [0], [0], [1], [0, 0, 1, 1], [], []>, transpose_lhs_hint = false} : vector<256x128xf32>, vector<128x2048xf32>, vector<256x2048xf32> -> vector<256x2048xf32>
    %mul3A_743 = arith.constant 2.000000e+00 : f32
    %mul3A_744 = vector.broadcast %mul3A_743 : f32 to vector<256x2048xf32>
    %mul3A_745 = arith.mulf %mul3A_744, %dot_general3A_742 : vector<256x2048xf32>
    %sub3A_746 = vector.broadcast %broadcast_in_dim3A : vector<1x2048xf32> to vector<256x2048xf32>
    %sub3A_747 = arith.subf %sub3A_746, %mul3A_745 : vector<256x2048xf32>
    %slice3A_748 = vector.extract_strided_slice %sub3A_747 {offsets = [0, 0], sizes = [256, 1024], strides = [1, 1]} : vector<256x2048xf32> to vector<256x1024xf32>
    %reduce_min3A_749 = arith.constant dense<0x7F800000> : vector<256xf32>
    %reduce_min3A_750 = vector.multi_reduction <minimumf>, %slice3A_748, %reduce_min3A_749 [1] : vector<256x1024xf32> to vector<256xf32>
    %broadcast_in_dim3A_751 = vector.shape_cast %reduce_min3A_750 : vector<256xf32> to vector<256x1xf32>
    %eq3A_752 = vector.broadcast %broadcast_in_dim3A_751 : vector<256x1xf32> to vector<256x1024xf32>
    %eq3A_753 = arith.cmpf oeq, %slice3A_748, %eq3A_752 : vector<256x1024xf32>
    %jit3A_754 = arith.constant 1.024000e+03 : f32
    %broadcast_in_dim3A_755 = vector.broadcast %jit3A_754 : f32 to vector<256x1024xf32>
    %select_n3A_756 = arith.select %eq3A_753, %convert_element_type3A, %broadcast_in_dim3A_755 : vector<256x1024xi1>, vector<256x1024xf32>
    %reduce_min3A_757 = arith.constant dense<0x7F800000> : vector<256xf32>
    %reduce_min3A_758 = vector.multi_reduction <minimumf>, %select_n3A_756, %reduce_min3A_757 [1] : vector<256x1024xf32> to vector<256xf32>
    %broadcast_in_dim3A_759 = vector.shape_cast %reduce_min3A_758 : vector<256xf32> to vector<256x1xf32>
    %eq3A_760 = vector.broadcast %broadcast_in_dim3A_759 : vector<256x1xf32> to vector<256x1024xf32>
    %eq3A_761 = arith.cmpf oeq, %select_n3A_756, %eq3A_760 : vector<256x1024xf32>
    %convert_element_type3A_762 = arith.extui %eq3A_761 : vector<256x1024xi1> to vector<256x1024xi32>
    %convert_element_type3A_763 = arith.sitofp %convert_element_type3A_762 : vector<256x1024xi32> to vector<256x1024xf32>
    %reduce_sum3A_764 = arith.constant dense<0.000000e+00> : vector<1024xf32>
    %reduce_sum3A_765 = vector.multi_reduction <add>, %convert_element_type3A_763, %reduce_sum3A_764 [0] : vector<256x1024xf32> to vector<1024xf32>
    %broadcast_in_dim3A_766 = vector.shape_cast %reduce_sum3A_765 : vector<1024xf32> to vector<1x1024xf32>
    %add3A_767 = arith.addf %add3A_735, %broadcast_in_dim3A_766 : vector<1x1024xf32>
    %reduce_sum3A_768 = arith.constant dense<0.000000e+00> : vector<1xf32>
    %reduce_sum3A_769 = vector.multi_reduction <add>, %broadcast_in_dim3A_751, %reduce_sum3A_768 [0] : vector<256x1xf32> to vector<1xf32>
    %broadcast_in_dim3A_770 = vector.shape_cast %reduce_sum3A_769 : vector<1xf32> to vector<1x1xf32>
    %add3A_771 = arith.addf %add3A_739, %broadcast_in_dim3A_770 : vector<1x1xf32>
    %slice3A_772 = vector.extract_strided_slice %sub3A_747 {offsets = [0, 1024], sizes = [256, 1024], strides = [1, 1]} : vector<256x2048xf32> to vector<256x1024xf32>
    %reduce_min3A_773 = arith.constant dense<0x7F800000> : vector<256xf32>
    %reduce_min3A_774 = vector.multi_reduction <minimumf>, %slice3A_772, %reduce_min3A_773 [1] : vector<256x1024xf32> to vector<256xf32>
    %broadcast_in_dim3A_775 = vector.shape_cast %reduce_min3A_774 : vector<256xf32> to vector<256x1xf32>
    %eq3A_776 = vector.broadcast %broadcast_in_dim3A_775 : vector<256x1xf32> to vector<256x1024xf32>
    %eq3A_777 = arith.cmpf oeq, %slice3A_772, %eq3A_776 : vector<256x1024xf32>
    %jit3A_778 = arith.constant 1.024000e+03 : f32
    %broadcast_in_dim3A_779 = vector.broadcast %jit3A_778 : f32 to vector<256x1024xf32>
    %select_n3A_780 = arith.select %eq3A_777, %convert_element_type3A, %broadcast_in_dim3A_779 : vector<256x1024xi1>, vector<256x1024xf32>
    %reduce_min3A_781 = arith.constant dense<0x7F800000> : vector<256xf32>
    %reduce_min3A_782 = vector.multi_reduction <minimumf>, %select_n3A_780, %reduce_min3A_781 [1] : vector<256x1024xf32> to vector<256xf32>
    %broadcast_in_dim3A_783 = vector.shape_cast %reduce_min3A_782 : vector<256xf32> to vector<256x1xf32>
    %eq3A_784 = vector.broadcast %broadcast_in_dim3A_783 : vector<256x1xf32> to vector<256x1024xf32>
    %eq3A_785 = arith.cmpf oeq, %select_n3A_780, %eq3A_784 : vector<256x1024xf32>
    %convert_element_type3A_786 = arith.extui %eq3A_785 : vector<256x1024xi1> to vector<256x1024xi32>
    %convert_element_type3A_787 = arith.sitofp %convert_element_type3A_786 : vector<256x1024xi32> to vector<256x1024xf32>
    %reduce_sum3A_788 = arith.constant dense<0.000000e+00> : vector<1024xf32>
    %reduce_sum3A_789 = vector.multi_reduction <add>, %convert_element_type3A_787, %reduce_sum3A_788 [0] : vector<256x1024xf32> to vector<1024xf32>
    %broadcast_in_dim3A_790 = vector.shape_cast %reduce_sum3A_789 : vector<1024xf32> to vector<1x1024xf32>
    %add3A_791 = arith.addf %add3A_767, %broadcast_in_dim3A_790 : vector<1x1024xf32>
    %reduce_sum3A_792 = arith.constant dense<0.000000e+00> : vector<1xf32>
    %reduce_sum3A_793 = vector.multi_reduction <add>, %broadcast_in_dim3A_775, %reduce_sum3A_792 [0] : vector<256x1xf32> to vector<1xf32>
    %broadcast_in_dim3A_794 = vector.shape_cast %reduce_sum3A_793 : vector<1xf32> to vector<1x1xf32>
    %add3A_795 = arith.addf %add3A_771, %broadcast_in_dim3A_794 : vector<1x1xf32>
    %slice3A_796 = vector.extract_strided_slice %add3A_9 {offsets = [0, 1792], sizes = [256, 128], strides = [1, 1]} : vector<256x2048xf32> to vector<256x128xf32>
    %dot_general3A_797 = arith.constant dense<0.000000e+00> : vector<256x2048xf32>
    %dot_general3A_798 = tpu.matmul %slice3A_796, %get3A_12, %dot_general3A_797 {dimension_numbers = #tpu.dot_dimension_numbers<[1], [0], [0], [1], [0, 0, 1, 1], [], []>, transpose_lhs_hint = false} : vector<256x128xf32>, vector<128x2048xf32>, vector<256x2048xf32> -> vector<256x2048xf32>
    %mul3A_799 = arith.constant 2.000000e+00 : f32
    %mul3A_800 = vector.broadcast %mul3A_799 : f32 to vector<256x2048xf32>
    %mul3A_801 = arith.mulf %mul3A_800, %dot_general3A_798 : vector<256x2048xf32>
    %sub3A_802 = vector.broadcast %broadcast_in_dim3A : vector<1x2048xf32> to vector<256x2048xf32>
    %sub3A_803 = arith.subf %sub3A_802, %mul3A_801 : vector<256x2048xf32>
    %slice3A_804 = vector.extract_strided_slice %sub3A_803 {offsets = [0, 0], sizes = [256, 1024], strides = [1, 1]} : vector<256x2048xf32> to vector<256x1024xf32>
    %reduce_min3A_805 = arith.constant dense<0x7F800000> : vector<256xf32>
    %reduce_min3A_806 = vector.multi_reduction <minimumf>, %slice3A_804, %reduce_min3A_805 [1] : vector<256x1024xf32> to vector<256xf32>
    %broadcast_in_dim3A_807 = vector.shape_cast %reduce_min3A_806 : vector<256xf32> to vector<256x1xf32>
    %eq3A_808 = vector.broadcast %broadcast_in_dim3A_807 : vector<256x1xf32> to vector<256x1024xf32>
    %eq3A_809 = arith.cmpf oeq, %slice3A_804, %eq3A_808 : vector<256x1024xf32>
    %jit3A_810 = arith.constant 1.024000e+03 : f32
    %broadcast_in_dim3A_811 = vector.broadcast %jit3A_810 : f32 to vector<256x1024xf32>
    %select_n3A_812 = arith.select %eq3A_809, %convert_element_type3A, %broadcast_in_dim3A_811 : vector<256x1024xi1>, vector<256x1024xf32>
    %reduce_min3A_813 = arith.constant dense<0x7F800000> : vector<256xf32>
    %reduce_min3A_814 = vector.multi_reduction <minimumf>, %select_n3A_812, %reduce_min3A_813 [1] : vector<256x1024xf32> to vector<256xf32>
    %broadcast_in_dim3A_815 = vector.shape_cast %reduce_min3A_814 : vector<256xf32> to vector<256x1xf32>
    %eq3A_816 = vector.broadcast %broadcast_in_dim3A_815 : vector<256x1xf32> to vector<256x1024xf32>
    %eq3A_817 = arith.cmpf oeq, %select_n3A_812, %eq3A_816 : vector<256x1024xf32>
    %convert_element_type3A_818 = arith.extui %eq3A_817 : vector<256x1024xi1> to vector<256x1024xi32>
    %convert_element_type3A_819 = arith.sitofp %convert_element_type3A_818 : vector<256x1024xi32> to vector<256x1024xf32>
    %reduce_sum3A_820 = arith.constant dense<0.000000e+00> : vector<1024xf32>
    %reduce_sum3A_821 = vector.multi_reduction <add>, %convert_element_type3A_819, %reduce_sum3A_820 [0] : vector<256x1024xf32> to vector<1024xf32>
    %broadcast_in_dim3A_822 = vector.shape_cast %reduce_sum3A_821 : vector<1024xf32> to vector<1x1024xf32>
    %add3A_823 = arith.addf %add3A_791, %broadcast_in_dim3A_822 : vector<1x1024xf32>
    %reduce_sum3A_824 = arith.constant dense<0.000000e+00> : vector<1xf32>
    %reduce_sum3A_825 = vector.multi_reduction <add>, %broadcast_in_dim3A_807, %reduce_sum3A_824 [0] : vector<256x1xf32> to vector<1xf32>
    %broadcast_in_dim3A_826 = vector.shape_cast %reduce_sum3A_825 : vector<1xf32> to vector<1x1xf32>
    %add3A_827 = arith.addf %add3A_795, %broadcast_in_dim3A_826 : vector<1x1xf32>
    %slice3A_828 = vector.extract_strided_slice %sub3A_803 {offsets = [0, 1024], sizes = [256, 1024], strides = [1, 1]} : vector<256x2048xf32> to vector<256x1024xf32>
    %reduce_min3A_829 = arith.constant dense<0x7F800000> : vector<256xf32>
    %reduce_min3A_830 = vector.multi_reduction <minimumf>, %slice3A_828, %reduce_min3A_829 [1] : vector<256x1024xf32> to vector<256xf32>
    %broadcast_in_dim3A_831 = vector.shape_cast %reduce_min3A_830 : vector<256xf32> to vector<256x1xf32>
    %eq3A_832 = vector.broadcast %broadcast_in_dim3A_831 : vector<256x1xf32> to vector<256x1024xf32>
    %eq3A_833 = arith.cmpf oeq, %slice3A_828, %eq3A_832 : vector<256x1024xf32>
    %jit3A_834 = arith.constant 1.024000e+03 : f32
    %broadcast_in_dim3A_835 = vector.broadcast %jit3A_834 : f32 to vector<256x1024xf32>
    %select_n3A_836 = arith.select %eq3A_833, %convert_element_type3A, %broadcast_in_dim3A_835 : vector<256x1024xi1>, vector<256x1024xf32>
    %reduce_min3A_837 = arith.constant dense<0x7F800000> : vector<256xf32>
    %reduce_min3A_838 = vector.multi_reduction <minimumf>, %select_n3A_836, %reduce_min3A_837 [1] : vector<256x1024xf32> to vector<256xf32>
    %broadcast_in_dim3A_839 = vector.shape_cast %reduce_min3A_838 : vector<256xf32> to vector<256x1xf32>
    %eq3A_840 = vector.broadcast %broadcast_in_dim3A_839 : vector<256x1xf32> to vector<256x1024xf32>
    %eq3A_841 = arith.cmpf oeq, %select_n3A_836, %eq3A_840 : vector<256x1024xf32>
    %convert_element_type3A_842 = arith.extui %eq3A_841 : vector<256x1024xi1> to vector<256x1024xi32>
    %convert_element_type3A_843 = arith.sitofp %convert_element_type3A_842 : vector<256x1024xi32> to vector<256x1024xf32>
    %reduce_sum3A_844 = arith.constant dense<0.000000e+00> : vector<1024xf32>
    %reduce_sum3A_845 = vector.multi_reduction <add>, %convert_element_type3A_843, %reduce_sum3A_844 [0] : vector<256x1024xf32> to vector<1024xf32>
    %broadcast_in_dim3A_846 = vector.shape_cast %reduce_sum3A_845 : vector<1024xf32> to vector<1x1024xf32>
    %add3A_847 = arith.addf %add3A_823, %broadcast_in_dim3A_846 : vector<1x1024xf32>
    %reduce_sum3A_848 = arith.constant dense<0.000000e+00> : vector<1xf32>
    %reduce_sum3A_849 = vector.multi_reduction <add>, %broadcast_in_dim3A_831, %reduce_sum3A_848 [0] : vector<256x1xf32> to vector<1xf32>
    %broadcast_in_dim3A_850 = vector.shape_cast %reduce_sum3A_849 : vector<1xf32> to vector<1x1xf32>
    %add3A_851 = arith.addf %add3A_827, %broadcast_in_dim3A_850 : vector<1x1xf32>
    %slice3A_852 = vector.extract_strided_slice %add3A_9 {offsets = [0, 1920], sizes = [256, 128], strides = [1, 1]} : vector<256x2048xf32> to vector<256x128xf32>
    %dot_general3A_853 = arith.constant dense<0.000000e+00> : vector<256x2048xf32>
    %dot_general3A_854 = tpu.matmul %slice3A_852, %get3A_12, %dot_general3A_853 {dimension_numbers = #tpu.dot_dimension_numbers<[1], [0], [0], [1], [0, 0, 1, 1], [], []>, transpose_lhs_hint = false} : vector<256x128xf32>, vector<128x2048xf32>, vector<256x2048xf32> -> vector<256x2048xf32>
    %mul3A_855 = arith.constant 2.000000e+00 : f32
    %mul3A_856 = vector.broadcast %mul3A_855 : f32 to vector<256x2048xf32>
    %mul3A_857 = arith.mulf %mul3A_856, %dot_general3A_854 : vector<256x2048xf32>
    %sub3A_858 = vector.broadcast %broadcast_in_dim3A : vector<1x2048xf32> to vector<256x2048xf32>
    %sub3A_859 = arith.subf %sub3A_858, %mul3A_857 : vector<256x2048xf32>
    %slice3A_860 = vector.extract_strided_slice %sub3A_859 {offsets = [0, 0], sizes = [256, 1024], strides = [1, 1]} : vector<256x2048xf32> to vector<256x1024xf32>
    %reduce_min3A_861 = arith.constant dense<0x7F800000> : vector<256xf32>
    %reduce_min3A_862 = vector.multi_reduction <minimumf>, %slice3A_860, %reduce_min3A_861 [1] : vector<256x1024xf32> to vector<256xf32>
    %broadcast_in_dim3A_863 = vector.shape_cast %reduce_min3A_862 : vector<256xf32> to vector<256x1xf32>
    %eq3A_864 = vector.broadcast %broadcast_in_dim3A_863 : vector<256x1xf32> to vector<256x1024xf32>
    %eq3A_865 = arith.cmpf oeq, %slice3A_860, %eq3A_864 : vector<256x1024xf32>
    %jit3A_866 = arith.constant 1.024000e+03 : f32
    %broadcast_in_dim3A_867 = vector.broadcast %jit3A_866 : f32 to vector<256x1024xf32>
    %select_n3A_868 = arith.select %eq3A_865, %convert_element_type3A, %broadcast_in_dim3A_867 : vector<256x1024xi1>, vector<256x1024xf32>
    %reduce_min3A_869 = arith.constant dense<0x7F800000> : vector<256xf32>
    %reduce_min3A_870 = vector.multi_reduction <minimumf>, %select_n3A_868, %reduce_min3A_869 [1] : vector<256x1024xf32> to vector<256xf32>
    %broadcast_in_dim3A_871 = vector.shape_cast %reduce_min3A_870 : vector<256xf32> to vector<256x1xf32>
    %eq3A_872 = vector.broadcast %broadcast_in_dim3A_871 : vector<256x1xf32> to vector<256x1024xf32>
    %eq3A_873 = arith.cmpf oeq, %select_n3A_868, %eq3A_872 : vector<256x1024xf32>
    %convert_element_type3A_874 = arith.extui %eq3A_873 : vector<256x1024xi1> to vector<256x1024xi32>
    %convert_element_type3A_875 = arith.sitofp %convert_element_type3A_874 : vector<256x1024xi32> to vector<256x1024xf32>
    %reduce_sum3A_876 = arith.constant dense<0.000000e+00> : vector<1024xf32>
    %reduce_sum3A_877 = vector.multi_reduction <add>, %convert_element_type3A_875, %reduce_sum3A_876 [0] : vector<256x1024xf32> to vector<1024xf32>
    %broadcast_in_dim3A_878 = vector.shape_cast %reduce_sum3A_877 : vector<1024xf32> to vector<1x1024xf32>
    %add3A_879 = arith.addf %add3A_847, %broadcast_in_dim3A_878 : vector<1x1024xf32>
    %reduce_sum3A_880 = arith.constant dense<0.000000e+00> : vector<1xf32>
    %reduce_sum3A_881 = vector.multi_reduction <add>, %broadcast_in_dim3A_863, %reduce_sum3A_880 [0] : vector<256x1xf32> to vector<1xf32>
    %broadcast_in_dim3A_882 = vector.shape_cast %reduce_sum3A_881 : vector<1xf32> to vector<1x1xf32>
    %add3A_883 = arith.addf %add3A_851, %broadcast_in_dim3A_882 : vector<1x1xf32>
    %slice3A_884 = vector.extract_strided_slice %sub3A_859 {offsets = [0, 1024], sizes = [256, 1024], strides = [1, 1]} : vector<256x2048xf32> to vector<256x1024xf32>
    %reduce_min3A_885 = arith.constant dense<0x7F800000> : vector<256xf32>
    %reduce_min3A_886 = vector.multi_reduction <minimumf>, %slice3A_884, %reduce_min3A_885 [1] : vector<256x1024xf32> to vector<256xf32>
    %broadcast_in_dim3A_887 = vector.shape_cast %reduce_min3A_886 : vector<256xf32> to vector<256x1xf32>
    %eq3A_888 = vector.broadcast %broadcast_in_dim3A_887 : vector<256x1xf32> to vector<256x1024xf32>
    %eq3A_889 = arith.cmpf oeq, %slice3A_884, %eq3A_888 : vector<256x1024xf32>
    %jit3A_890 = arith.constant 1.024000e+03 : f32
    %broadcast_in_dim3A_891 = vector.broadcast %jit3A_890 : f32 to vector<256x1024xf32>
    %select_n3A_892 = arith.select %eq3A_889, %convert_element_type3A, %broadcast_in_dim3A_891 : vector<256x1024xi1>, vector<256x1024xf32>
    %reduce_min3A_893 = arith.constant dense<0x7F800000> : vector<256xf32>
    %reduce_min3A_894 = vector.multi_reduction <minimumf>, %select_n3A_892, %reduce_min3A_893 [1] : vector<256x1024xf32> to vector<256xf32>
    %broadcast_in_dim3A_895 = vector.shape_cast %reduce_min3A_894 : vector<256xf32> to vector<256x1xf32>
    %eq3A_896 = vector.broadcast %broadcast_in_dim3A_895 : vector<256x1xf32> to vector<256x1024xf32>
    %eq3A_897 = arith.cmpf oeq, %select_n3A_892, %eq3A_896 : vector<256x1024xf32>
    %convert_element_type3A_898 = arith.extui %eq3A_897 : vector<256x1024xi1> to vector<256x1024xi32>
    %convert_element_type3A_899 = arith.sitofp %convert_element_type3A_898 : vector<256x1024xi32> to vector<256x1024xf32>
    %reduce_sum3A_900 = arith.constant dense<0.000000e+00> : vector<1024xf32>
    %reduce_sum3A_901 = vector.multi_reduction <add>, %convert_element_type3A_899, %reduce_sum3A_900 [0] : vector<256x1024xf32> to vector<1024xf32>
    %broadcast_in_dim3A_902 = vector.shape_cast %reduce_sum3A_901 : vector<1024xf32> to vector<1x1024xf32>
    %add3A_903 = arith.addf %add3A_879, %broadcast_in_dim3A_902 : vector<1x1024xf32>
    %reduce_sum3A_904 = arith.constant dense<0.000000e+00> : vector<1xf32>
    %reduce_sum3A_905 = vector.multi_reduction <add>, %broadcast_in_dim3A_887, %reduce_sum3A_904 [0] : vector<256x1xf32> to vector<1xf32>
    %broadcast_in_dim3A_906 = vector.shape_cast %reduce_sum3A_905 : vector<1xf32> to vector<1x1xf32>
    %add3A_907 = arith.addf %add3A_883, %broadcast_in_dim3A_906 : vector<1x1xf32>
    %concatenate3A = tpu.concatenate %broadcast_in_dim3A_31, %broadcast_in_dim3A_55, %broadcast_in_dim3A_87, %broadcast_in_dim3A_111, %broadcast_in_dim3A_143, %broadcast_in_dim3A_167, %broadcast_in_dim3A_199, %broadcast_in_dim3A_223, %broadcast_in_dim3A_255, %broadcast_in_dim3A_279, %broadcast_in_dim3A_311, %broadcast_in_dim3A_335, %broadcast_in_dim3A_367, %broadcast_in_dim3A_391, %broadcast_in_dim3A_423, %broadcast_in_dim3A_447, %broadcast_in_dim3A_479, %broadcast_in_dim3A_503, %broadcast_in_dim3A_535, %broadcast_in_dim3A_559, %broadcast_in_dim3A_591, %broadcast_in_dim3A_615, %broadcast_in_dim3A_647, %broadcast_in_dim3A_671, %broadcast_in_dim3A_703, %broadcast_in_dim3A_727, %broadcast_in_dim3A_759, %broadcast_in_dim3A_783, %broadcast_in_dim3A_815, %broadcast_in_dim3A_839, %broadcast_in_dim3A_871, %broadcast_in_dim3A_895 in 1 : vector<256x1xf32>, vector<256x1xf32>, vector<256x1xf32>, vector<256x1xf32>, vector<256x1xf32>, vector<256x1xf32>, vector<256x1xf32>, vector<256x1xf32>, vector<256x1xf32>, vector<256x1xf32>, vector<256x1xf32>, vector<256x1xf32>, vector<256x1xf32>, vector<256x1xf32>, vector<256x1xf32>, vector<256x1xf32>, vector<256x1xf32>, vector<256x1xf32>, vector<256x1xf32>, vector<256x1xf32>, vector<256x1xf32>, vector<256x1xf32>, vector<256x1xf32>, vector<256x1xf32>, vector<256x1xf32>, vector<256x1xf32>, vector<256x1xf32>, vector<256x1xf32>, vector<256x1xf32>, vector<256x1xf32>, vector<256x1xf32>, vector<256x1xf32> -> vector<256x32xf32>
    %convert_element_type3A_908 = arith.fptosi %concatenate3A : vector<256x32xf32> to vector<256x32xi32>
    %swap3A = arith.constant 0 : index
    %swap3A_909 = arith.constant 0 : index
    %swap3A_910 = vector.load %arg5[%swap3A, %swap3A_909] : memref<256x32xi32, #tpu.memory_space<vmem>>, vector<256x32xi32>
    tpu.vector_store %arg5[%swap3A, %swap3A_909], %convert_element_type3A_908 {strides = array<i32>} : memref<256x32xi32, #tpu.memory_space<vmem>>, vector<256x32xi32>,
    %mul3A_911 = arith.mulf %add3A_9, %add3A_9 : vector<256x2048xf32>
    %reduce_sum3A_912 = arith.constant dense<0.000000e+00> : vector<256xf32>
    %reduce_sum3A_913 = vector.multi_reduction <add>, %mul3A_911, %reduce_sum3A_912 [1] : vector<256x2048xf32> to vector<256xf32>
    %broadcast_in_dim3A_914 = vector.shape_cast %reduce_sum3A_913 : vector<256xf32> to vector<256x1xf32>
    %reduce_sum3A_915 = arith.constant dense<0.000000e+00> : vector<1xf32>
    %reduce_sum3A_916 = vector.multi_reduction <add>, %broadcast_in_dim3A_914, %reduce_sum3A_915 [0] : vector<256x1xf32> to vector<1xf32>
    %broadcast_in_dim3A_917 = vector.shape_cast %reduce_sum3A_916 : vector<1xf32> to vector<1x1xf32>
    %add3A_918 = arith.addf %add3A_907, %broadcast_in_dim3A_917 : vector<1x1xf32>
    %eq3A_919 = arith.constant 0 : i32
    %eq3A_920 = arith.cmpi eq, %arg0, %eq3A_919 : i32
    %convert_element_type3A_921 = arith.extui %eq3A_920 : i1 to i32
    %cond3A = arith.constant 0 : i32
    %cond3A_922 = arith.cmpi ne, %convert_element_type3A_921, %cond3A : i32
    scf.if %cond3A_922 {
      %broadcast_in_dim3A_937 = arith.constant 0.000000e+00 : f32
      %broadcast_in_dim3A_938 = vector.broadcast %broadcast_in_dim3A_937 : f32 to vector<8x1024xf32>
      %swap3A_939 = arith.constant 0 : index
      %swap3A_940 = arith.constant 0 : index
      %swap3A_941 = vector.load %arg6[%swap3A_939, %swap3A_940] : memref<8x1024xf32, #tpu.memory_space<vmem>>, vector<8x1024xf32>
      tpu.vector_store %arg6[%swap3A_939, %swap3A_940], %broadcast_in_dim3A_938 {strides = array<i32>} : memref<8x1024xf32, #tpu.memory_space<vmem>>, vector<8x1024xf32>,
      %broadcast_in_dim3A_942 = arith.constant 0.000000e+00 : f32
      %broadcast_in_dim3A_943 = vector.broadcast %broadcast_in_dim3A_942 : f32 to vector<1x1xf32>
      %swap3A_944 = arith.constant 0 : index
      %swap3A_945 = arith.constant 0 : index
      %swap3A_946 = vector.load %arg7[%swap3A_944, %swap3A_945] : memref<1x1xf32, #tpu.memory_space<vmem>>, vector<1x1xf32>
      tpu.vector_store %arg7[%swap3A_944, %swap3A_945], %broadcast_in_dim3A_943 {strides = array<i32>} : memref<1x1xf32, #tpu.memory_space<vmem>>, vector<1x1xf32>,
    } else {
    }
    %get3A_923 = arith.constant 0 : index
    %get3A_924 = arith.constant 0 : index
    %get3A_925 = vector.load %arg6[%get3A_923, %get3A_924] : memref<8x1024xf32, #tpu.memory_space<vmem>>, vector<1x1024xf32>
    %add3A_926 = arith.addf %get3A_925, %add3A_903 : vector<1x1024xf32>
    %swap3A_927 = arith.constant 0 : index
    %swap3A_928 = arith.constant 0 : index
    %swap3A_929 = vector.load %arg6[%swap3A_927, %swap3A_928] : memref<8x1024xf32, #tpu.memory_space<vmem>>, vector<1x1024xf32>
    tpu.vector_store %arg6[%swap3A_927, %swap3A_928], %add3A_926 {strides = array<i32>} : memref<8x1024xf32, #tpu.memory_space<vmem>>, vector<1x1024xf32>,
    %get3A_930 = arith.constant 0 : index
    %get3A_931 = arith.constant 0 : index
    %get3A_932 = vector.load %arg7[%get3A_930, %get3A_931] : memref<1x1xf32, #tpu.memory_space<vmem>>, vector<1x1xf32>
    %add3A_933 = arith.addf %get3A_932, %add3A_918 : vector<1x1xf32>
    %swap3A_934 = arith.constant 0 : index
    %swap3A_935 = arith.constant 0 : index
    %swap3A_936 = vector.load %arg7[%swap3A_934, %swap3A_935] : memref<1x1xf32, #tpu.memory_space<vmem>>, vector<1x1xf32>
    tpu.vector_store %arg7[%swap3A_934, %swap3A_935], %add3A_933 {strides = array<i32>} : memref<1x1xf32, #tpu.memory_space<vmem>>, vector<1x1xf32>,
    return
  }
  func.func @transform_0(%arg0: i32) -> (i32, i32) {
    %c0_i32 = arith.constant 0 : i32
    %c0_i32_0 = arith.constant 0 : i32
    return %arg0, %c0_i32 : i32, i32
  }
  func.func @transform_1(%arg0: i32) -> (i32, i32) {
    %c0_i32 = arith.constant 0 : i32
    %c0_i32_0 = arith.constant 0 : i32
    %c0_i32_1 = arith.constant 0 : i32
    return %c0_i32, %c0_i32_0 : i32, i32
  }
  func.func @transform_2(%arg0: i32) -> (i32, i32) {
    %c0_i32 = arith.constant 0 : i32
    %c0_i32_0 = arith.constant 0 : i32
    %c0_i32_1 = arith.constant 0 : i32
    return %c0_i32, %c0_i32_0 : i32, i32
  }
  func.func @transform_3(%arg0: i32) -> (i32, i32) {
    %c0_i32 = arith.constant 0 : i32
    %c0_i32_0 = arith.constant 0 : i32
    %c0_i32_1 = arith.constant 0 : i32
    return %c0_i32, %c0_i32_0 : i32, i32
  }
  func.func @transform_4(%arg0: i32) -> (i32, i32) {
    %c0_i32 = arith.constant 0 : i32
    %c0_i32_0 = arith.constant 0 : i32
    return %arg0, %c0_i32 : i32, i32
  }
  func.func @transform_5(%arg0: i32) -> (i32, i32) {
    %c0_i32 = arith.constant 0 : i32
    %c0_i32_0 = arith.constant 0 : i32
    %c0_i32_1 = arith.constant 0 : i32
    return %c0_i32, %c0_i32_0 : i32, i32
  }
  func.func @transform_6(%arg0: i32) -> (i32, i32) {
    %c0_i32 = arith.constant 0 : i32
    %c0_i32_0 = arith.constant 0 : i32
    %c0_i32_1 = arith.constant 0 : i32
    return %c0_i32, %c0_i32_0 : i32, i32
  }
}

module attributes {stable_mosaic.version = 14 : i64} {
  func.func @_depad_kernel(%arg0: i32, %arg1: memref<16384x128xf32, #tpu.memory_space<vmem>>, %arg2: memref<16384x64xf32, #tpu.memory_space<vmem>>) attributes {dimension_semantics = [#tpu.dimension_semantics<arbitrary>], iteration_bounds = array<i64: 8>, scalar_prefetch = 0 : i64, scratch_operands = 0 : i64, tpu.core_type = #tpu.core_type<tc>, window_params = [{transform_indices = @transform_0, window_bounds = array<i64: 16384, 128>}, {transform_indices = @transform_1, window_bounds = array<i64: 16384, 64>}]} {
    %get3A = arith.constant 0 : index
    %get3A_0 = arith.constant 0 : index
    %get3A_1 = vector.load %arg1[%get3A, %get3A_0] : memref<16384x128xf32, #tpu.memory_space<vmem>>, vector<16384x64xf32>
    %swap3A = arith.constant 0 : index
    %swap3A_2 = arith.constant 0 : index
    %swap3A_3 = vector.load %arg2[%swap3A, %swap3A_2] : memref<16384x64xf32, #tpu.memory_space<vmem>>, vector<16384x64xf32>
    tpu.vector_store %arg2[%swap3A, %swap3A_2], %get3A_1 {strides = array<i32>} : memref<16384x64xf32, #tpu.memory_space<vmem>>, vector<16384x64xf32>,
    return
  }
  func.func @transform_0(%arg0: i32) -> (i32, i32) {
    %c0_i32 = arith.constant 0 : i32
    %c0_i32_0 = arith.constant 0 : i32
    return %arg0, %c0_i32 : i32, i32
  }
  func.func @transform_1(%arg0: i32) -> (i32, i32) {
    %c0_i32 = arith.constant 0 : i32
    %c0_i32_0 = arith.constant 0 : i32
    return %arg0, %c0_i32 : i32, i32
  }
}

module attributes {stable_mosaic.version = 14 : i64} {
  func.func @_head_kernel(%arg0: i32, %arg1: memref<512x2048xf32, #tpu.memory_space<vmem>>, %arg2: memref<2048x64xf32, #tpu.memory_space<vmem>>, %arg3: memref<1x64xf32, #tpu.memory_space<vmem>>, %arg4: memref<64x128xf32, #tpu.memory_space<vmem>>, %arg5: memref<1x128xf32, #tpu.memory_space<vmem>>, %arg6: memref<2048x1024xf32, #tpu.memory_space<vmem>>, %arg7: memref<1x1024xf32, #tpu.memory_space<vmem>>, %arg8: memref<8x1024xf32, #tpu.memory_space<vmem>>, %arg9: memref<1x1xf32, #tpu.memory_space<vmem>>, %arg10: memref<512x128xf32, #tpu.memory_space<vmem>>, %arg11: memref<512x1024xf32, #tpu.memory_space<vmem>>, %arg12: memref<1x1xf32, #tpu.memory_space<vmem>>, %arg13: memref<1x1xf32, #tpu.memory_space<vmem>>) attributes {dimension_semantics = [#tpu.dimension_semantics<arbitrary>], iteration_bounds = array<i64: 8>, scalar_prefetch = 0 : i64, scratch_operands = 0 : i64, tpu.core_type = #tpu.core_type<tc>, window_params = [{transform_indices = @transform_0, window_bounds = array<i64: 512, 2048>}, {pipeline_mode = #tpu.pipeline_mode<synchronous>, transform_indices = @transform_1, window_bounds = array<i64: 2048, 64>}, {pipeline_mode = #tpu.pipeline_mode<synchronous>, transform_indices = @transform_2, window_bounds = array<i64: 1, 64>}, {pipeline_mode = #tpu.pipeline_mode<synchronous>, transform_indices = @transform_3, window_bounds = array<i64: 64, 128>}, {pipeline_mode = #tpu.pipeline_mode<synchronous>, transform_indices = @transform_4, window_bounds = array<i64: 1, 128>}, {pipeline_mode = #tpu.pipeline_mode<synchronous>, transform_indices = @transform_5, window_bounds = array<i64: 2048, 1024>}, {pipeline_mode = #tpu.pipeline_mode<synchronous>, transform_indices = @transform_6, window_bounds = array<i64: 1, 1024>}, {pipeline_mode = #tpu.pipeline_mode<synchronous>, transform_indices = @transform_7, window_bounds = array<i64: 8, 1024>}, {pipeline_mode = #tpu.pipeline_mode<synchronous>, transform_indices = @transform_8, window_bounds = array<i64: 1, 1>}, {transform_indices = @transform_9, window_bounds = array<i64: 512, 128>}, {transform_indices = @transform_10, window_bounds = array<i64: 512, 1024>}, {pipeline_mode = #tpu.pipeline_mode<synchronous>, transform_indices = @transform_11, window_bounds = array<i64: 1, 1>}, {pipeline_mode = #tpu.pipeline_mode<synchronous>, transform_indices = @transform_12, window_bounds = array<i64: 1, 1>}]} {
    %get3A = arith.constant 0 : index
    %get3A_0 = arith.constant 0 : index
    %get3A_1 = vector.load %arg1[%get3A, %get3A_0] : memref<512x2048xf32, #tpu.memory_space<vmem>>, vector<512x2048xf32>
    %get3A_2 = arith.constant 0 : index
    %get3A_3 = arith.constant 0 : index
    %get3A_4 = vector.load %arg2[%get3A_2, %get3A_3] : memref<2048x64xf32, #tpu.memory_space<vmem>>, vector<2048x64xf32>
    %dot_general3A = arith.constant dense<0.000000e+00> : vector<512x64xf32>
    %dot_general3A_5 = tpu.matmul %get3A_1, %get3A_4, %dot_general3A {dimension_numbers = #tpu.dot_dimension_numbers<[1], [0], [0], [1], [0, 0, 1, 1], [], []>, transpose_lhs_hint = false} : vector<512x2048xf32>, vector<2048x64xf32>, vector<512x64xf32> -> vector<512x64xf32>
    %get3A_6 = arith.constant 0 : index
    %get3A_7 = arith.constant 0 : index
    %get3A_8 = vector.load %arg3[%get3A_6, %get3A_7] : memref<1x64xf32, #tpu.memory_space<vmem>>, vector<1x64xf32>
    %add3A = vector.broadcast %get3A_8 : vector<1x64xf32> to vector<512x64xf32>
    %add3A_9 = arith.addf %dot_general3A_5, %add3A : vector<512x64xf32>
    %integer_pow3A = arith.mulf %add3A_9, %add3A_9 : vector<512x64xf32>
    %integer_pow3A_10 = arith.mulf %add3A_9, %integer_pow3A : vector<512x64xf32>
    %mul3A = arith.constant 4.471500e-02 : f32
    %mul3A_11 = vector.broadcast %mul3A : f32 to vector<512x64xf32>
    %mul3A_12 = arith.mulf %mul3A_11, %integer_pow3A_10 : vector<512x64xf32>
    %add3A_13 = arith.addf %add3A_9, %mul3A_12 : vector<512x64xf32>
    %mul3A_14 = arith.constant 0.797884583 : f32
    %mul3A_15 = vector.broadcast %mul3A_14 : f32 to vector<512x64xf32>
    %mul3A_16 = arith.mulf %mul3A_15, %add3A_13 : vector<512x64xf32>
    %tanh3A = math.tanh %mul3A_16 : vector<512x64xf32>
    %add3A_17 = arith.constant 1.000000e+00 : f32
    %add3A_18 = vector.broadcast %add3A_17 : f32 to vector<512x64xf32>
    %add3A_19 = arith.addf %add3A_18, %tanh3A : vector<512x64xf32>
    %mul3A_20 = arith.constant 5.000000e-01 : f32
    %mul3A_21 = vector.broadcast %mul3A_20 : f32 to vector<512x64xf32>
    %mul3A_22 = arith.mulf %mul3A_21, %add3A_19 : vector<512x64xf32>
    %mul3A_23 = arith.mulf %add3A_9, %mul3A_22 : vector<512x64xf32>
    %get3A_24 = arith.constant 0 : index
    %get3A_25 = arith.constant 0 : index
    %get3A_26 = vector.load %arg4[%get3A_24, %get3A_25] : memref<64x128xf32, #tpu.memory_space<vmem>>, vector<64x128xf32>
    %dot_general3A_27 = arith.constant dense<0.000000e+00> : vector<512x128xf32>
    %dot_general3A_28 = tpu.matmul %mul3A_23, %get3A_26, %dot_general3A_27 {dimension_numbers = #tpu.dot_dimension_numbers<[1], [0], [0], [1], [0, 0, 1, 1], [], []>, transpose_lhs_hint = false} : vector<512x64xf32>, vector<64x128xf32>, vector<512x128xf32> -> vector<512x128xf32>
    %get3A_29 = arith.constant 0 : index
    %get3A_30 = arith.constant 0 : index
    %get3A_31 = vector.load %arg5[%get3A_29, %get3A_30] : memref<1x128xf32, #tpu.memory_space<vmem>>, vector<1x128xf32>
    %add3A_32 = vector.broadcast %get3A_31 : vector<1x128xf32> to vector<512x128xf32>
    %add3A_33 = arith.addf %dot_general3A_28, %add3A_32 : vector<512x128xf32>
    %swap3A = arith.constant 0 : index
    %swap3A_34 = arith.constant 0 : index
    %swap3A_35 = vector.load %arg10[%swap3A, %swap3A_34] : memref<512x128xf32, #tpu.memory_space<vmem>>, vector<512x128xf32>
    tpu.vector_store %arg10[%swap3A, %swap3A_34], %add3A_33 {strides = array<i32>} : memref<512x128xf32, #tpu.memory_space<vmem>>, vector<512x128xf32>,
    %get3A_36 = arith.constant 0 : index
    %get3A_37 = arith.constant 0 : index
    %get3A_38 = vector.load %arg6[%get3A_36, %get3A_37] : memref<2048x1024xf32, #tpu.memory_space<vmem>>, vector<2048x1024xf32>
    %dot_general3A_39 = arith.constant dense<0.000000e+00> : vector<512x1024xf32>
    %dot_general3A_40 = tpu.matmul %get3A_1, %get3A_38, %dot_general3A_39 {dimension_numbers = #tpu.dot_dimension_numbers<[1], [0], [0], [1], [0, 0, 1, 1], [], []>, transpose_lhs_hint = false} : vector<512x2048xf32>, vector<2048x1024xf32>, vector<512x1024xf32> -> vector<512x1024xf32>
    %get3A_41 = arith.constant 0 : index
    %get3A_42 = arith.constant 0 : index
    %get3A_43 = vector.load %arg7[%get3A_41, %get3A_42] : memref<1x1024xf32, #tpu.memory_space<vmem>>, vector<1x1024xf32>
    %add3A_44 = vector.broadcast %get3A_43 : vector<1x1024xf32> to vector<512x1024xf32>
    %add3A_45 = arith.addf %dot_general3A_40, %add3A_44 : vector<512x1024xf32>
    %swap3A_46 = arith.constant 0 : index
    %swap3A_47 = arith.constant 0 : index
    %swap3A_48 = vector.load %arg11[%swap3A_46, %swap3A_47] : memref<512x1024xf32, #tpu.memory_space<vmem>>, vector<512x1024xf32>
    tpu.vector_store %arg11[%swap3A_46, %swap3A_47], %add3A_45 {strides = array<i32>} : memref<512x1024xf32, #tpu.memory_space<vmem>>, vector<512x1024xf32>,
    %eq3A = arith.constant 0 : i32
    %eq3A_49 = arith.cmpi eq, %arg0, %eq3A : i32
    %convert_element_type3A = arith.extui %eq3A_49 : i1 to i32
    %cond3A = arith.constant 0 : i32
    %cond3A_50 = arith.cmpi ne, %convert_element_type3A, %cond3A : i32
    scf.if %cond3A_50 {
      %get3A_51 = arith.constant 0 : index
      %get3A_52 = arith.constant 0 : index
      %get3A_53 = vector.load %arg8[%get3A_51, %get3A_52] : memref<8x1024xf32, #tpu.memory_space<vmem>>, vector<1x1024xf32>
      %reduce_sum3A = arith.constant dense<0.000000e+00> : vector<1xf32>
      %reduce_sum3A_54 = vector.multi_reduction <add>, %get3A_53, %reduce_sum3A [1] : vector<1x1024xf32> to vector<1xf32>
      %broadcast_in_dim3A = vector.shape_cast %reduce_sum3A_54 : vector<1xf32> to vector<1x1xf32>
      %div3A = vector.broadcast %broadcast_in_dim3A : vector<1x1xf32> to vector<1x1024xf32>
      %div3A_55 = arith.divf %get3A_53, %div3A : vector<1x1024xf32>
      %add3A_56 = arith.constant 1.000000e-10 : f32
      %add3A_57 = vector.broadcast %add3A_56 : f32 to vector<1x1024xf32>
      %add3A_58 = arith.addf %div3A_55, %add3A_57 : vector<1x1024xf32>
      %log3A = math.log %add3A_58 : vector<1x1024xf32>
      %mul3A_59 = arith.mulf %div3A_55, %log3A : vector<1x1024xf32>
      %reduce_sum3A_60 = arith.constant dense<0.000000e+00> : vector<1xf32>
      %reduce_sum3A_61 = vector.multi_reduction <add>, %mul3A_59, %reduce_sum3A_60 [1] : vector<1x1024xf32> to vector<1xf32>
      %broadcast_in_dim3A_62 = vector.shape_cast %reduce_sum3A_61 : vector<1xf32> to vector<1x1xf32>
      %neg3A = arith.constant 0.000000e+00 : f32
      %neg3A_63 = vector.broadcast %neg3A : f32 to vector<1x1xf32>
      %neg3A_64 = arith.subf %neg3A_63, %broadcast_in_dim3A_62 : vector<1x1xf32>
      %exp3A = math.exp %neg3A_64 : vector<1x1xf32>
      %swap3A_65 = arith.constant 0 : index
      %swap3A_66 = arith.constant 0 : index
      %swap3A_67 = vector.load %arg13[%swap3A_65, %swap3A_66] : memref<1x1xf32, #tpu.memory_space<vmem>>, vector<1x1xf32>
      tpu.vector_store %arg13[%swap3A_65, %swap3A_66], %exp3A {strides = array<i32>} : memref<1x1xf32, #tpu.memory_space<vmem>>, vector<1x1xf32>,
      %get3A_68 = arith.constant 0 : index
      %get3A_69 = arith.constant 0 : index
      %get3A_70 = vector.load %arg9[%get3A_68, %get3A_69] : memref<1x1xf32, #tpu.memory_space<vmem>>, vector<1x1xf32>
      %mul3A_71 = arith.constant 1.49011612E-7 : f32
      %mul3A_72 = vector.broadcast %mul3A_71 : f32 to vector<1x1xf32>
      %mul3A_73 = arith.mulf %get3A_70, %mul3A_72 : vector<1x1xf32>
      %swap3A_74 = arith.constant 0 : index
      %swap3A_75 = arith.constant 0 : index
      %swap3A_76 = vector.load %arg12[%swap3A_74, %swap3A_75] : memref<1x1xf32, #tpu.memory_space<vmem>>, vector<1x1xf32>
      tpu.vector_store %arg12[%swap3A_74, %swap3A_75], %mul3A_73 {strides = array<i32>} : memref<1x1xf32, #tpu.memory_space<vmem>>, vector<1x1xf32>,
    } else {
    }
    return
  }
  func.func @transform_0(%arg0: i32) -> (i32, i32) {
    %c0_i32 = arith.constant 0 : i32
    %c0_i32_0 = arith.constant 0 : i32
    return %arg0, %c0_i32 : i32, i32
  }
  func.func @transform_1(%arg0: i32) -> (i32, i32) {
    %c0_i32 = arith.constant 0 : i32
    %c0_i32_0 = arith.constant 0 : i32
    %c0_i32_1 = arith.constant 0 : i32
    return %c0_i32, %c0_i32_0 : i32, i32
  }
  func.func @transform_2(%arg0: i32) -> (i32, i32) {
    %c0_i32 = arith.constant 0 : i32
    %c0_i32_0 = arith.constant 0 : i32
    %c0_i32_1 = arith.constant 0 : i32
    return %c0_i32, %c0_i32_0 : i32, i32
  }
  func.func @transform_3(%arg0: i32) -> (i32, i32) {
    %c0_i32 = arith.constant 0 : i32
    %c0_i32_0 = arith.constant 0 : i32
    %c0_i32_1 = arith.constant 0 : i32
    return %c0_i32, %c0_i32_0 : i32, i32
  }
  func.func @transform_4(%arg0: i32) -> (i32, i32) {
    %c0_i32 = arith.constant 0 : i32
    %c0_i32_0 = arith.constant 0 : i32
    %c0_i32_1 = arith.constant 0 : i32
    return %c0_i32, %c0_i32_0 : i32, i32
  }
  func.func @transform_5(%arg0: i32) -> (i32, i32) {
    %c0_i32 = arith.constant 0 : i32
    %c0_i32_0 = arith.constant 0 : i32
    %c0_i32_1 = arith.constant 0 : i32
    return %c0_i32, %c0_i32_0 : i32, i32
  }
  func.func @transform_6(%arg0: i32) -> (i32, i32) {
    %c0_i32 = arith.constant 0 : i32
    %c0_i32_0 = arith.constant 0 : i32
    %c0_i32_1 = arith.constant 0 : i32
    return %c0_i32, %c0_i32_0 : i32, i32
  }
  func.func @transform_7(%arg0: i32) -> (i32, i32) {
    %c0_i32 = arith.constant 0 : i32
    %c0_i32_0 = arith.constant 0 : i32
    %c0_i32_1 = arith.constant 0 : i32
    return %c0_i32, %c0_i32_0 : i32, i32
  }
  func.func @transform_8(%arg0: i32) -> (i32, i32) {
    %c0_i32 = arith.constant 0 : i32
    %c0_i32_0 = arith.constant 0 : i32
    %c0_i32_1 = arith.constant 0 : i32
    return %c0_i32, %c0_i32_0 : i32, i32
  }
  func.func @transform_9(%arg0: i32) -> (i32, i32) {
    %c0_i32 = arith.constant 0 : i32
    %c0_i32_0 = arith.constant 0 : i32
    return %arg0, %c0_i32 : i32, i32
  }
  func.func @transform_10(%arg0: i32) -> (i32, i32) {
    %c0_i32 = arith.constant 0 : i32
    %c0_i32_0 = arith.constant 0 : i32
    return %arg0, %c0_i32 : i32, i32
  }
  func.func @transform_11(%arg0: i32) -> (i32, i32) {
    %c0_i32 = arith.constant 0 : i32
    %c0_i32_0 = arith.constant 0 : i32
    %c0_i32_1 = arith.constant 0 : i32
    return %c0_i32, %c0_i32_0 : i32, i32
  }
  func.func @transform_12(%arg0: i32) -> (i32, i32) {
    %c0_i32 = arith.constant 0 : i32
    %c0_i32_0 = arith.constant 0 : i32
    %c0_i32_1 = arith.constant 0 : i32
    return %c0_i32, %c0_i32_0 : i32, i32
  }
}

</mosaic_0001>

<sc_bundles>
// kernel: kernel.6.cloned.1.call-start
scs
__scs_entry_jumppad:
0x0: {  	(pc) =	sbr.rel $0x88, $3  }
0x1: {  	(tag) =	ssettag $0x0;
	lr =	simm.s32 $0x1  }
0x2: {  	[smem:$0x3F97] =	sst lr;
	_ =	strace $0xD0000000  }
0x3: {  	_ = 	snop  }
0x4: {  	_ = 	snop  }
0x5: {  	_ = 	snop  }
0x6: {  	_ = 	snop  }
0x7: {  	_ = 	snop  }
__scs_overlays_trampoline_lowered:
0x8: {  	[smem:$0x3FA6] =	sst s0  }
0x9: {  	[smem:$0x3FA7] =	sst s1  }
0xa: {  	[smem:$0x3FA8] =	sst s2  }
0xb: {  	[smem:$0x3FA9] =	sst s3  }
0xc: {  	[smem:$0x3FAA] =	sst s4  }
0xd: {  	[smem:$0x3FAB] =	sst s5  }
0xe: {  	[smem:$0x3FAC] =	sst s6  }
0xf: {  	[smem:$0x3FAD] =	sst s7  }
0x10: {  	[smem:$0x3FAE] =	sst s8  }
0x11: {  	[smem:$0x3FAF] =	sst s9;
	s0 =	simm.s32 @!p0 $0x0  }
0x12: {  	s1 =	sld [smem:$0x3F95];
	s0 =	simm.s32 @p0 $0x1  }
0x13: {  	[smem:$0x3FB0] =	sst s0;
	s0 =	simm.s32 @!p1 $0x0  }
0x14: {  	s2 =	sld [smem:$0x3F94];
	s0 =	simm.s32 @p1 $0x1  }
0x15: {  	[smem:$0x3FB1] =	sst s0;
	s0 =	simm.s32 @!p2 $0x0  }
0x16: {  	s3 =	sld [smem:$0x3FDB];
	s0 =	simm.s32 @p2 $0x1  }
0x17: {  	s4 =	simm.s32 $0x1BF5;
	[smem:$0x3FB3] =	sst s0  }
0x18: {  	s0 =	sld [smem:$0x3F96];
	_ =	swait.ge [sflag:s4], $0x0  }
0x19: {  	s7 =	sld [smem:$0x3F97]  }
0x1a: {  	s8 =	sadd.s32 $0xFFFFE003, lr  }
0x1b: {  	s9 =	sadd.s32 $0xFFFFFEF7, lr;
	s5 =	simm.s32 $0xFFFFFFFF;
	p2 =	slt.u32 s8, $0xFFFFF086  }
0x1c: {  	p1 =	slt.u32 s9, $0xF7A;
	s5 =	simm.s32 @!p2 $0x0  }
0x1d: {  	s5 =	simm.s32 @p1 $0x1;
	p0 =	seq.s32 s7, s2  }
0x1e: {  	s7 =	smul.u32 @!p0 $0xF7A, s2;
	p2 =	seq.s32 @!p0 s5, $0x0  }
0x1f: {  	s9 =	smul.u32 $0xF7A, s1;
	s8 =	simm.s32 @!p0 $0x1BF5;
	p2 =	por !p2, p0  }
0x20: {  	[sflag:s8] =	ssyncset.s32 @!p0 $0xFFFFF086;
	s6 =	sadd.s32 @!p0 s3, s7;
	s7 =	simm.s32 @!p0 $0x108  }
0x21: {  	s3 =	sadd.s32 s3, s9;
	s6 =	sadd.s32 @!p0 $0x88, s6;
	s7 =	simm.s32 @p2 $0x1082  }
0x22: {  	[simem:s7], [sflag:s8] =	dma.local @!p0 [hbm:s6], $0xF7A  }
0x23: {  	s9 =	sor.u32 $0xD0000000, s2;
	s6 =	simm.s32 $0x108;
	_ =	swait.ge @!p0 [sflag:s8], $0x0  }
0x24: {  	s3 =	sadd.s32 $0x88, s3;
	s6 =	simm.s32 @!p1 $0x1082;
	[sflag:s4] =	ssyncset.s32 $0xFFFFF086  }
0x25: {  	[simem:s6], [sflag:s4] =	dma.local [hbm:s3], $0xF7A  }
0x26: {  	[smem:$0x3F97] =	sst s1;
	(tag) =	ssettag s2;
	_ =	strace s9  }
0x27: {  	s1 =	sld [smem:$0x3FA7]  }
0x28: {  	s2 =	sld [smem:$0x3FA8]  }
0x29: {  	s4 =	sld [smem:$0x3FAA]  }
0x2a: {  	p0 =	seq.s32 s5, $0x0;
	s5 =	sld [smem:$0x3FAB]  }
0x2b: {  	s6 =	sld [smem:$0x3FAC]  }
0x2c: {  	s7 =	sld [smem:$0x3FAD]  }
0x2d: {  	s3 =	simm.s32 $0x108;
	s8 =	sld [smem:$0x3FAE]  }
0x2e: {  	s3 =	simm.s32 @!p0 $0x1082;
	s9 =	sld [smem:$0x3FAF]  }
0x2f: {  	lr =	sadd.s32 s0, s3;
	s0 =	sld [smem:$0x3FA6]  }
0x30: {  	s3 =	sld [smem:$0x3FA9]  }
0x31: {  	[smem:$0x3FB2] =	sst s10  }
0x32: {  	s10 =	sld [smem:$0x3FB0];
	_ =	sdelay $0x3  }
0x33: {  	p0 =	seq.s32 s10, $0x1;
	s10 =	sld [smem:$0x3FB2];
	_ =	sdelay $0x3  }
0x34: {  	[smem:$0x3FB2] =	sst s10  }
0x35: {  	s10 =	sld [smem:$0x3FB1];
	_ =	sdelay $0x3  }
0x36: {  	p1 =	seq.s32 s10, $0x1;
	s10 =	sld [smem:$0x3FB2];
	_ =	sdelay $0x3  }
0x37: {  	[smem:$0x3FB2] =	sst s10  }
0x38: {  	s10 =	sld [smem:$0x3FB3]  }
0x39: {  	_ = 	snop;
	(pc) =	sbr.ind lr, $3  }
0x3a: {  	_ = 	snop  }
0x3b: {  	_ = 	snop  }
0x3c: {  	p2 =	seq.s32 s10, $0x1;
	s10 =	sld [smem:$0x3FB2]  }
0x3d: {  	_ =	shalt  }
0x3e: {  	_ =	shalt  }
0x3f: {  	_ =	shalt  }
0x40: {  	_ =	shalt  }
0x41: {  	_ =	shalt  }
0x42: {  	_ =	shalt  }
0x43: {  	_ =	shalt  }
0x44: {  	_ =	shalt  }
0x45: {  	_ =	shalt  }
0x46: {  	_ =	shalt  }
0x47: {  	_ =	shalt  }
0x48: {  	_ =	shalt  }
0x49: {  	_ =	shalt  }
0x4a: {  	_ =	shalt  }
0x4b: {  	_ =	shalt  }
0x4c: {  	_ =	shalt  }
0x4d: {  	_ =	shalt  }
0x4e: {  	_ =	shalt  }
0x4f: {  	_ =	shalt  }
0x50: {  	_ =	shalt  }
0x51: {  	_ =	shalt  }
0x52: {  	_ =	shalt  }
0x53: {  	_ =	shalt  }
0x54: {  	_ =	shalt  }
0x55: {  	_ =	shalt  }
0x56: {  	_ =	shalt  }
0x57: {  	_ =	shalt  }
0x58: {  	_ =	shalt  }
0x59: {  	_ =	shalt  }
0x5a: {  	_ =	shalt  }
0x5b: {  	_ =	shalt  }
0x5c: {  	_ =	shalt  }
0x5d: {  	_ =	shalt  }
0x5e: {  	_ =	shalt  }
0x5f: {  	_ =	shalt  }
0x60: {  	_ =	shalt  }
0x61: {  	_ =	shalt  }
0x62: {  	_ =	shalt  }
0x63: {  	_ =	shalt  }
0x64: {  	_ =	shalt  }
0x65: {  	_ =	shalt  }
0x66: {  	_ =	shalt  }
0x67: {  	_ =	shalt  }
0x68: {  	_ =	shalt  }
0x69: {  	_ =	shalt  }
0x6a: {  	_ =	shalt  }
0x6b: {  	_ =	shalt  }
0x6c: {  	_ =	shalt  }
0x6d: {  	_ =	shalt  }
0x6e: {  	_ =	shalt  }
0x6f: {  	_ =	shalt  }
0x70: {  	_ =	shalt  }
0x71: {  	_ =	shalt  }
0x72: {  	_ =	shalt  }
0x73: {  	_ =	shalt  }
0x74: {  	_ =	shalt  }
0x75: {  	_ =	shalt  }
0x76: {  	_ =	shalt  }
0x77: {  	_ =	shalt  }
0x78: {  	_ =	shalt  }
0x79: {  	_ =	shalt  }
0x7a: {  	_ =	shalt  }
0x7b: {  	_ =	shalt  }
0x7c: {  	_ =	shalt  }
0x7d: {  	_ =	shalt  }
0x7e: {  	_ =	shalt  }
0x7f: {  	_ =	shalt  }
0x80: {  	_ =	shalt  }
0x81: {  	_ =	shalt  }
0x82: {  	_ =	shalt  }
0x83: {  	_ =	shalt  }
0x84: {  	_ =	shalt  }
0x85: {  	_ =	shalt  }
0x86: {  	_ =	shalt  }
0x87: {  	_ =	shalt  }
.Lfunc_end0:
.L_simem_size_0:
called_computation.1_lowered:
.L_overlay_start_0:
0x88: {  	s2 =	sld [smem:$0x3FD9]  }
0x89: {  	s3 =	sld [smem:$0x3FFE];
	_ =	sdelay $0x1  }
0x8a: {  	s1 =	srdreg.scid  }
0x8b: {  	s0 =	sand.u32 $0x1, s1  }
0x8c: {  	s14 =	sshll.u32 s0, $0xA;
	s2 =	sadd.s32 s3, s2  }
0x8d: {  	s2 =	sadd.s32 s2, s14  }
0x8e: {  	[smem:$0x3FBE] =	sst s2  }
0x8f: {  	_ = 	snop  }
0x90: {  	s2 =	sld [smem:$0x3FD0];
	_ =	sdelay $0x2  }
0x91: {  	s15 =	simm.s32 $0xA;
	s4 =	simm.s32 $0x10  }
0x92: {  	[smem:s4], [sflag:s15] =	dma.local [hbm:s2], $0x1  }
0x93: {  	_ =	swait.eq [sflag:s15], $0x1  }
0x94: {  	[sflag:s15] =	ssyncset.done $0x0  }
0x95: {  	s16 =	sld [smem:$0x12];
	[sflag:s15] =	ssyncadd.s32 $0xFFFFFFFF  }
0x96: {  	s17 =	sld [smem:$0x13];
	(tm) =	ssettm $0x1  }
0x97: {  	s18 =	sld [smem:$0x3FFB];
	_ =	sdelay $0x3  }
0x98: {  	_ =	strace s18  }
0x99: {  	s4 =	sld [smem:$0x3FFC];
	_ =	sdelay $0x3  }
0x9a: {  	_ =	strace s4  }
0x9b: {  	s4 =	sld [smem:$0x3FFD];
	_ =	sdelay $0x3  }
0x9c: {  	_ =	strace s4  }
0x9d: {  	_ =	strace $0x8FFFFFFF  }
0x9e: {  	s19 =	sld [smem:$0x3FDB];
	_ =	sdelay $0x1  }
0x9f: {  	s5 =	simm.s32 $_scs_section_size  }
0xa0: {  	s6 =	simm.s32 $_size__tile_overlayer_lowered;
	s7 =	simm.s32 $_tile_overlayer_lowered  }
0xa1: {  	s22 =	simm.s32 $0x1BFF;
	s21 =	sshll.u32 s7, $0x1;
	s4 =	sadd.s32 s5, s19  }
0xa2: {  	s8 =	simm.s32 $0x0;
	s20 =	sshll.u32 s6, $0x1;
	s6 =	sadd.s32 s21, s4  }
0xa3: {  	[timem:s8], [sflag:s22] =	dma.local [hbm:s6], s20  }
0xa4: {  	_ =	swait.ge [sflag:s22], s20  }
0xa5: {  	s5 =	ssub.s32 $0x0, s20;
	[sflag:s22] =	ssyncset.done $0x0  }
0xa6: {  	[sflag:s22] =	ssyncadd.s32 s5;
	_ =	sdelay $0x1  }
0xa7: {  	s23 =	simm.s32 $0x1B8B  }
0xa8: {  	_ =	swait.ge [sflag:s23], $0x1  }
0xa9: {  	[sflag:s23] =	ssyncset.done $0x0  }
0xaa: {  	s25 =	simm.s32 $0x1B8E;
	s24 =	sld [smem:$0x3FFE];
	[sflag:s23] =	ssyncadd.s32 $0xFFFFFFFF  }
0xab: {  	s26 =	simm.s32 $execute0_lowered;
	[smem:$0x3FD2] =	sst s25  }
0xac: {  	s6 =	sshll.u32 s26, $0x1;
	_ =	strace $0x80000046;
	[dreg:$0x1] =	wrdreg $0xFFFFFFFF  }
0xad: {  	s28 =	simm.s32 $_size_execute0_lowered;
	s4 =	sadd.s32 s4, s6;
	[dreg:$0x0] =	wrdreg $0x0  }
0xae: {  	s6 =	sshll.u32 s28, $0x1;
	[dreg:$0x2] =	wrdreg s4  }
0xaf: {  	[dreg:$0x3] =	wrdreg s6  }
0xb0: {  	[dreg:$0x4] =	wrdreg $0xC0  }
0xb1: {  	_ =	task [dreg:s8], $0x5FFFF  }
0xb2: {  	[dreg:$0x1] =	wrdreg $0xFFFFFFFF  }
0xb3: {  	[dreg:$0x0] =	wrdreg $0x60  }
0xb4: {  	[dreg:$0x2] =	wrdreg s17  }
0xb5: {  	[dreg:$0x3] =	wrdreg s16  }
0xb6: {  	[dreg:$0x4] =	wrdreg s24  }
0xb7: {  	[dreg:$0x5] =	wrdreg $0x9  }
0xb8: {  	_ =	task.clear_ibuf [dreg:s8], $0x6FFFF;
	_ =	strace $0x90000046  }
0xb9: {  	s29 =	simm.s32 $0x9;
	_ =	strace $0x80000048  }
0xba: {  	_ =	swait.ge [sflag:s29], $0x1  }
0xbb: {  	[sflag:s29] =	ssyncadd.s32 $0xFFFFFFFF  }
0xbc: {  	_ =	strace $0x90000048  }
0xbd: {  	_ =	sfence  }
0xbe: {  	s30 =	sld [smem:$0x0];
	_ =	sdelay $0x2  }
0xbf: {  	s31 =	sshll.u32 s1, $0xD;
	s1 =	sshrl.u32 s1, $0x2  }
0xc0: {  	s3 =	sand.u32 $0x4000, s31;
	s1 =	sadd.s32 s1, s30  }
0xc1: {  	s0 =	sor.u32 s3, s0;
	s1 =	sshll.u32 s1, $0x11  }
0xc2: {  	s0 =	sor.u32 s1, s0  }
0xc3: {  	s0 =	sadd.s32 $0x8F2B, s0  }
0xc4: {  	[sflag:s0] =	ssyncadd.remote.s32 $0x1  }
0xc5: {  	_ =	sfence.sel $0xFFFF  }
0xc6: {  	[dreg:$0x0] =	wrdreg $0xFFFFFFFF;
	(pc) =	sbr.abs _section_cstart, $3  }
0xc7: {  	[dreg:$0x1] =	wrdreg $0xFFFFFFFF  }
0xc8: {  	_ =	task.clear_ibuf [dreg:s8], $0x2FFFF;
	_ =	strace $0x9FFFFFFF  }
0xc9: {  	(tm) =	ssettm $0x7FFFFFFF  }
tec
execute0_lowered:
.L_overlay_start_1:
0x0: {  	(tag) =	ssettag $0x1  }
0x1: {  	s2 =	rddreg [dreg:$0x0]  }
0x2: {  	s29 =	rddreg [dreg:$0x1]  }
0x3: {  	s4 =	rddreg [dreg:$0x2];
	s0 =	srdreg.scid  }
0x4: {  	s1 =	stileid.u32;
	s3 =	simm.s32 $0x0;
	s0 =	sand.u32 $0x1, s0  }
0x5: {  	s5 =	sshll.u32 s1, $0xD;
	[smem:$0x7FF] =	sst s3;
	s6 =	sshll.u32 s0, $0xC  }
0x6: {  	[dreg:$0x11] =	wrdreg s0;
	s30 =	sor.u32 s6, s5  }
0x7: {  	s31 =	sadd.s32 $0x2600, s4;
	_ =	strace $0x80000047;
	s5 =	sshrl.u32 s30, $0x3  }
0x8: {  	s6 =	sor.u32 $0x100, s30;
	s17 =	sshll.u32 s30, $0x4;
	s19 =	sor.u32 $0x200, s30  }
0x9: {  	s7 =	sor.u32 $0x300, s30;
	s1 =	sor.u32 $0x500, s30;
	s14 =	sadd.s32 s29, s5  }
0xa: {  	s15 =	sshrl.u32 s6, $0x3;
	s18 =	sadd.s32 s31, s17;
	[dreg:$0x4] =	wrdreg s14  }
0xb: {  	s20 =	sshrl.u32 s19, $0x3;
	s16 =	sadd.s32 s29, s15;
	[dreg:$0x6] =	wrdreg s18  }
0xc: {  	s6 =	sshll.u32 s6, $0x4;
	s4 =	sadd.s32 s29, s20;
	[dreg:$0x5] =	wrdreg s16  }
0xd: {  	s22 =	sshrl.u32 s7, $0x3;
	s21 =	sadd.s32 s31, s6;
	[dreg:$0x7] =	wrdreg s4  }
0xe: {  	s5 =	sshll.u32 s19, $0x4;
	s23 =	sadd.s32 s29, s22;
	[dreg:$0x8] =	wrdreg s21  }
0xf: {  	s0 =	sshll.u32 s7, $0x4;
	s24 =	sadd.s32 s31, s5;
	[dreg:$0x9] =	wrdreg s23  }
0x10: {  	s9 =	sshrl.u32 s1, $0x3;
	s8 =	sadd.s32 s31, s0;
	[dreg:$0xa] =	wrdreg s24  }
0x11: {  	s25 =	sor.u32 $0x400, s30;
	s10 =	sadd.s32 s29, s9;
	[dreg:$0xc] =	wrdreg s8  }
0x12: {  	s13 =	sor.u32 $0x600, s30;
	s26 =	sshrl.u32 s25, $0x3;
	[dreg:$0xd] =	wrdreg s10  }
0x13: {  	s5 =	sshll.u32 s25, $0x4;
	s4 =	sadd.s32 s29, s26;
	s15 =	rddreg [dreg:$0x4]  }
0x14: {  	s14 =	sshll.u32 s1, $0x4;
	s11 =	sadd.s32 s31, s5;
	[dreg:$0xb] =	wrdreg s4  }
0x15: {  	s12 =	sshrl.u32 s13, $0x3;
	s16 =	sadd.s32 s31, s14;
	[dreg:$0xe] =	wrdreg s11  }
0x16: {  	s4 =	sadd.s32 s29, s12;
	[dreg:$0x10] =	wrdreg s16  }
0x17: {  	[tilespmem:s3], [sflag:$0x5] =	stream.linear.gather [hbm4b:s15+s3], $0x100, $0x38;
	[tilespmem:$0x10200] =	vst v63  }
0x18: {  	[dreg:$0xf] =	wrdreg s4;
	s4 =	simm.s32 $0x5  }
0x19: {  	_ =	swait.ge [sflag:s4], $0x100  }
0x1a: {  	[sflag:s4] =	ssyncset.done $0x0  }
0x1b: {  	s6 =	simm.s32 $0x200;
	s5 =	simm.s32 $0x100;
	[sflag:s4] =	ssyncadd.s32 $0xFFFFFF00  }
0x1c: {  	[tilespmem:s6], [sflag:$0x1] =	stream.indirect.gather [hbm4b:s2+s5], $0x80, s3, s5, $0xb8;
	[tilespmem:$0x10200] =	vst v63  }
0x1d: {  	s17 =	rddreg [dreg:$0x5]  }
0x1e: {  	[tilespmem:s5], [sflag:$0x5] =	stream.linear.gather [hbm4b:s17+s3], $0x100, $0x38;
	[tilespmem:$0x10200] =	vst v63  }
0x1f: {  	_ =	swait.ge [sflag:s4], $0x100  }
0x20: {  	[sflag:s4] =	ssyncset.done $0x0  }
0x21: {  	s7 =	simm.s32 $0x8200;
	s8 =	simm.s32 $0x1;
	[sflag:s4] =	ssyncadd.s32 $0xFFFFFF00  }
0x22: {  	[tilespmem:s7], [sflag:$0x2] =	stream.indirect.gather [hbm4b:s2+s5], $0x80, s5, s5, $0xb8;
	[tilespmem:$0x10200] =	vst v63  }
0x23: {  	_ =	swait.ge [sflag:s8], $0x8000  }
0x24: {  	[sflag:s8] =	ssyncset.done $0x0  }
0x25: {  	s9 =	simm.s32 $0x3;
	s10 =	rddreg [dreg:$0x6];
	[sflag:s8] =	ssyncadd.s32 $0xFFFF8000  }
0x26: {  	[hbm4b:s10+s3] =	stream.linear.scatter [tilespmem:s6], [sflag:$0x3], $0x8000, $0x38;
	[tilespmem:$0x10200] =	vst v63  }
0x27: {  	_ =	swait.ge [sflag:s9], $0x8000  }
0x28: {  	[sflag:s9] =	ssyncset.done $0x0  }
0x29: {  	s18 =	rddreg [dreg:$0x7];
	[sflag:s9] =	ssyncadd.s32 $0xFFFF8000  }
0x2a: {  	[tilespmem:s3], [sflag:$0x5] =	stream.linear.gather [hbm4b:s18+s3], $0x100, $0x38;
	[tilespmem:$0x10200] =	vst v63  }
0x2b: {  	_ =	swait.ge [sflag:s4], $0x100  }
0x2c: {  	[sflag:s4] =	ssyncset.done $0x0  }
0x2d: {  	s10 =	simm.s32 $0x2;
	[sflag:s4] =	ssyncadd.s32 $0xFFFFFF00  }
0x2e: {  	[tilespmem:s6], [sflag:$0x1] =	stream.indirect.gather [hbm4b:s2+s5], $0x80, s3, s5, $0xb8;
	[tilespmem:$0x10200] =	vst v63  }
0x2f: {  	_ =	swait.ge [sflag:s10], $0x8000  }
0x30: {  	[sflag:s10] =	ssyncset.done $0x0  }
0x31: {  	s11 =	simm.s32 $0x4;
	s12 =	rddreg [dreg:$0x8];
	[sflag:s10] =	ssyncadd.s32 $0xFFFF8000  }
0x32: {  	[hbm4b:s12+s3] =	stream.linear.scatter [tilespmem:s7], [sflag:$0x4], $0x8000, $0x38;
	[tilespmem:$0x10200] =	vst v63  }
0x33: {  	_ =	swait.ge [sflag:s11], $0x8000  }
0x34: {  	[sflag:s11] =	ssyncset.done $0x0  }
0x35: {  	s19 =	rddreg [dreg:$0x9];
	[sflag:s11] =	ssyncadd.s32 $0xFFFF8000  }
0x36: {  	[tilespmem:s5], [sflag:$0x5] =	stream.linear.gather [hbm4b:s19+s3], $0x100, $0x38;
	[tilespmem:$0x10200] =	vst v63  }
0x37: {  	_ =	swait.ge [sflag:s4], $0x100  }
0x38: {  	[sflag:s4] =	ssyncset.done $0x0  }
0x39: {  	[sflag:s4] =	ssyncadd.s32 $0xFFFFFF00  }
0x3a: {  	[tilespmem:s7], [sflag:$0x2] =	stream.indirect.gather [hbm4b:s2+s5], $0x80, s5, s5, $0xb8;
	[tilespmem:$0x10200] =	vst v63  }
0x3b: {  	_ =	swait.ge [sflag:s8], $0x8000  }
0x3c: {  	[sflag:s8] =	ssyncset.done $0x0  }
0x3d: {  	s20 =	rddreg [dreg:$0xa];
	[sflag:s8] =	ssyncadd.s32 $0xFFFF8000  }
0x3e: {  	[hbm4b:s20+s3] =	stream.linear.scatter [tilespmem:s6], [sflag:$0x3], $0x8000, $0x38;
	[tilespmem:$0x10200] =	vst v63  }
0x3f: {  	_ =	swait.ge [sflag:s9], $0x8000  }
0x40: {  	[sflag:s9] =	ssyncset.done $0x0  }
0x41: {  	s21 =	rddreg [dreg:$0xb];
	[sflag:s9] =	ssyncadd.s32 $0xFFFF8000  }
0x42: {  	[tilespmem:s3], [sflag:$0x5] =	stream.linear.gather [hbm4b:s21+s3], $0x100, $0x38;
	[tilespmem:$0x10200] =	vst v63  }
0x43: {  	_ =	swait.ge [sflag:s4], $0x100  }
0x44: {  	[sflag:s4] =	ssyncset.done $0x0  }
0x45: {  	[sflag:s4] =	ssyncadd.s32 $0xFFFFFF00  }
0x46: {  	[tilespmem:s6], [sflag:$0x1] =	stream.indirect.gather [hbm4b:s2+s5], $0x80, s3, s5, $0xb8;
	[tilespmem:$0x10200] =	vst v63  }
0x47: {  	_ =	swait.ge [sflag:s10], $0x8000  }
0x48: {  	[sflag:s10] =	ssyncset.done $0x0  }
0x49: {  	s22 =	rddreg [dreg:$0xc];
	[sflag:s10] =	ssyncadd.s32 $0xFFFF8000  }
0x4a: {  	[hbm4b:s22+s3] =	stream.linear.scatter [tilespmem:s7], [sflag:$0x4], $0x8000, $0x38;
	[tilespmem:$0x10200] =	vst v63  }
0x4b: {  	_ =	swait.ge [sflag:s11], $0x8000  }
0x4c: {  	[sflag:s11] =	ssyncset.done $0x0  }
0x4d: {  	s23 =	rddreg [dreg:$0xd];
	[sflag:s11] =	ssyncadd.s32 $0xFFFF8000  }
0x4e: {  	[tilespmem:s5], [sflag:$0x5] =	stream.linear.gather [hbm4b:s23+s3], $0x100, $0x38;
	[tilespmem:$0x10200] =	vst v63  }
0x4f: {  	_ =	swait.ge [sflag:s4], $0x100  }
0x50: {  	[sflag:s4] =	ssyncset.done $0x0  }
0x51: {  	[sflag:s4] =	ssyncadd.s32 $0xFFFFFF00  }
0x52: {  	[tilespmem:s7], [sflag:$0x2] =	stream.indirect.gather [hbm4b:s2+s5], $0x80, s5, s5, $0xb8;
	[tilespmem:$0x10200] =	vst v63  }
0x53: {  	_ =	swait.ge [sflag:s8], $0x8000  }
0x54: {  	[sflag:s8] =	ssyncset.done $0x0  }
0x55: {  	s24 =	rddreg [dreg:$0xe];
	[sflag:s8] =	ssyncadd.s32 $0xFFFF8000  }
0x56: {  	[hbm4b:s24+s3] =	stream.linear.scatter [tilespmem:s6], [sflag:$0x3], $0x8000, $0x38;
	[tilespmem:$0x10200] =	vst v63  }
0x57: {  	_ =	swait.ge [sflag:s9], $0x8000  }
0x58: {  	[sflag:s9] =	ssyncset.done $0x0  }
0x59: {  	s25 =	rddreg [dreg:$0xf];
	[sflag:s9] =	ssyncadd.s32 $0xFFFF8000  }
0x5a: {  	[tilespmem:s3], [sflag:$0x5] =	stream.linear.gather [hbm4b:s25+s3], $0x100, $0x38;
	[tilespmem:$0x10200] =	vst v63  }
0x5b: {  	_ =	swait.ge [sflag:s4], $0x100  }
0x5c: {  	[sflag:s4] =	ssyncset.done $0x0  }
0x5d: {  	[sflag:s4] =	ssyncadd.s32 $0xFFFFFF00  }
0x5e: {  	[tilespmem:s6], [sflag:$0x1] =	stream.indirect.gather [hbm4b:s2+s5], $0x80, s3, s5, $0xb8;
	[tilespmem:$0x10200] =	vst v63  }
0x5f: {  	_ =	swait.ge [sflag:s10], $0x8000  }
0x60: {  	[sflag:s10] =	ssyncset.done $0x0  }
0x61: {  	s26 =	rddreg [dreg:$0x10];
	[sflag:s10] =	ssyncadd.s32 $0xFFFF8000  }
0x62: {  	[hbm4b:s26+s3] =	stream.linear.scatter [tilespmem:s7], [sflag:$0x4], $0x8000, $0x38;
	[tilespmem:$0x10200] =	vst v63  }
0x63: {  	s15 =	sor.u32 $0x700, s30;
	_ =	swait.ge [sflag:s11], $0x8000  }
0x64: {  	s0 =	sshrl.u32 s15, $0x3;
	[sflag:s11] =	ssyncset.done $0x0  }
0x65: {  	s12 =	sadd.s32 s29, s0;
	[sflag:s11] =	ssyncadd.s32 $0xFFFF8000  }
0x66: {  	[tilespmem:s5], [sflag:$0x5] =	stream.linear.gather [hbm4b:s12+s3], $0x100, $0x38;
	[tilespmem:$0x10200] =	vst v63  }
0x67: {  	_ =	swait.ge [sflag:s4], $0x100  }
0x68: {  	[sflag:s4] =	ssyncset.done $0x0  }
0x69: {  	[sflag:s4] =	ssyncadd.s32 $0xFFFFFF00  }
0x6a: {  	[tilespmem:s7], [sflag:$0x2] =	stream.indirect.gather [hbm4b:s2+s5], $0x80, s5, s5, $0xb8;
	[tilespmem:$0x10200] =	vst v63  }
0x6b: {  	_ =	swait.ge [sflag:s8], $0x8000  }
0x6c: {  	s13 =	sshll.u32 s13, $0x4;
	[sflag:s8] =	ssyncset.done $0x0  }
0x6d: {  	s13 =	sadd.s32 s31, s13;
	[sflag:s8] =	ssyncadd.s32 $0xFFFF8000  }
0x6e: {  	[hbm4b:s13+s3] =	stream.linear.scatter [tilespmem:s6], [sflag:$0x3], $0x8000, $0x38;
	[tilespmem:$0x10200] =	vst v63  }
0x6f: {  	s17 =	sor.u32 $0x800, s30;
	_ =	swait.ge [sflag:s9], $0x8000  }
0x70: {  	s14 =	sshrl.u32 s17, $0x3;
	[sflag:s9] =	ssyncset.done $0x0  }
0x71: {  	s14 =	sadd.s32 s29, s14;
	[sflag:s9] =	ssyncadd.s32 $0xFFFF8000  }
0x72: {  	[tilespmem:s3], [sflag:$0x5] =	stream.linear.gather [hbm4b:s14+s3], $0x100, $0x38;
	[tilespmem:$0x10200] =	vst v63  }
0x73: {  	_ =	swait.ge [sflag:s4], $0x100  }
0x74: {  	[sflag:s4] =	ssyncset.done $0x0  }
0x75: {  	[sflag:s4] =	ssyncadd.s32 $0xFFFFFF00  }
0x76: {  	[tilespmem:s6], [sflag:$0x1] =	stream.indirect.gather [hbm4b:s2+s5], $0x80, s3, s5, $0xb8;
	[tilespmem:$0x10200] =	vst v63  }
0x77: {  	_ =	swait.ge [sflag:s10], $0x8000  }
0x78: {  	s15 =	sshll.u32 s15, $0x4;
	[sflag:s10] =	ssyncset.done $0x0  }
0x79: {  	s15 =	sadd.s32 s31, s15;
	[sflag:s10] =	ssyncadd.s32 $0xFFFF8000  }
0x7a: {  	[hbm4b:s15+s3] =	stream.linear.scatter [tilespmem:s7], [sflag:$0x4], $0x8000, $0x38;
	[tilespmem:$0x10200] =	vst v63  }
0x7b: {  	s19 =	sor.u32 $0x900, s30;
	_ =	swait.ge [sflag:s11], $0x8000  }
0x7c: {  	s16 =	sshrl.u32 s19, $0x3;
	[sflag:s11] =	ssyncset.done $0x0  }
0x7d: {  	s16 =	sadd.s32 s29, s16;
	[sflag:s11] =	ssyncadd.s32 $0xFFFF8000  }
0x7e: {  	[tilespmem:s5], [sflag:$0x5] =	stream.linear.gather [hbm4b:s16+s3], $0x100, $0x38;
	[tilespmem:$0x10200] =	vst v63  }
0x7f: {  	_ =	swait.ge [sflag:s4], $0x100  }
0x80: {  	[sflag:s4] =	ssyncset.done $0x0  }
0x81: {  	[sflag:s4] =	ssyncadd.s32 $0xFFFFFF00  }
0x82: {  	[tilespmem:s7], [sflag:$0x2] =	stream.indirect.gather [hbm4b:s2+s5], $0x80, s5, s5, $0xb8;
	[tilespmem:$0x10200] =	vst v63  }
0x83: {  	_ =	swait.ge [sflag:s8], $0x8000  }
0x84: {  	s17 =	sshll.u32 s17, $0x4;
	[sflag:s8] =	ssyncset.done $0x0  }
0x85: {  	s17 =	sadd.s32 s31, s17;
	[sflag:s8] =	ssyncadd.s32 $0xFFFF8000  }
0x86: {  	[hbm4b:s17+s3] =	stream.linear.scatter [tilespmem:s6], [sflag:$0x3], $0x8000, $0x38;
	[tilespmem:$0x10200] =	vst v63  }
0x87: {  	s21 =	sor.u32 $0xA00, s30;
	_ =	swait.ge [sflag:s9], $0x8000  }
0x88: {  	s18 =	sshrl.u32 s21, $0x3;
	[sflag:s9] =	ssyncset.done $0x0  }
0x89: {  	s18 =	sadd.s32 s29, s18;
	[sflag:s9] =	ssyncadd.s32 $0xFFFF8000  }
0x8a: {  	[tilespmem:s3], [sflag:$0x5] =	stream.linear.gather [hbm4b:s18+s3], $0x100, $0x38;
	[tilespmem:$0x10200] =	vst v63  }
0x8b: {  	_ =	swait.ge [sflag:s4], $0x100  }
0x8c: {  	[sflag:s4] =	ssyncset.done $0x0  }
0x8d: {  	[sflag:s4] =	ssyncadd.s32 $0xFFFFFF00  }
0x8e: {  	[tilespmem:s6], [sflag:$0x1] =	stream.indirect.gather [hbm4b:s2+s5], $0x80, s3, s5, $0xb8;
	[tilespmem:$0x10200] =	vst v63  }
0x8f: {  	_ =	swait.ge [sflag:s10], $0x8000  }
0x90: {  	s19 =	sshll.u32 s19, $0x4;
	[sflag:s10] =	ssyncset.done $0x0  }
0x91: {  	s19 =	sadd.s32 s31, s19;
	[sflag:s10] =	ssyncadd.s32 $0xFFFF8000  }
0x92: {  	[hbm4b:s19+s3] =	stream.linear.scatter [tilespmem:s7], [sflag:$0x4], $0x8000, $0x38;
	[tilespmem:$0x10200] =	vst v63  }
0x93: {  	s23 =	sor.u32 $0xB00, s30;
	_ =	swait.ge [sflag:s11], $0x8000  }
0x94: {  	s20 =	sshrl.u32 s23, $0x3;
	[sflag:s11] =	ssyncset.done $0x0  }
0x95: {  	s20 =	sadd.s32 s29, s20;
	[sflag:s11] =	ssyncadd.s32 $0xFFFF8000  }
0x96: {  	[tilespmem:s5], [sflag:$0x5] =	stream.linear.gather [hbm4b:s20+s3], $0x100, $0x38;
	[tilespmem:$0x10200] =	vst v63  }
0x97: {  	_ =	swait.ge [sflag:s4], $0x100  }
0x98: {  	[sflag:s4] =	ssyncset.done $0x0  }
0x99: {  	[sflag:s4] =	ssyncadd.s32 $0xFFFFFF00  }
0x9a: {  	[tilespmem:s7], [sflag:$0x2] =	stream.indirect.gather [hbm4b:s2+s5], $0x80, s5, s5, $0xb8;
	[tilespmem:$0x10200] =	vst v63  }
0x9b: {  	_ =	swait.ge [sflag:s8], $0x8000  }
0x9c: {  	s21 =	sshll.u32 s21, $0x4;
	[sflag:s8] =	ssyncset.done $0x0  }
0x9d: {  	s21 =	sadd.s32 s31, s21;
	[sflag:s8] =	ssyncadd.s32 $0xFFFF8000  }
0x9e: {  	[hbm4b:s21+s3] =	stream.linear.scatter [tilespmem:s6], [sflag:$0x3], $0x8000, $0x38;
	[tilespmem:$0x10200] =	vst v63  }
0x9f: {  	s25 =	sor.u32 $0xC00, s30;
	_ =	swait.ge [sflag:s9], $0x8000  }
0xa0: {  	s22 =	sshrl.u32 s25, $0x3;
	[sflag:s9] =	ssyncset.done $0x0  }
0xa1: {  	s22 =	sadd.s32 s29, s22;
	[sflag:s9] =	ssyncadd.s32 $0xFFFF8000  }
0xa2: {  	[tilespmem:s3], [sflag:$0x5] =	stream.linear.gather [hbm4b:s22+s3], $0x100, $0x38;
	[tilespmem:$0x10200] =	vst v63  }
0xa3: {  	_ =	swait.ge [sflag:s4], $0x100  }
0xa4: {  	[sflag:s4] =	ssyncset.done $0x0  }
0xa5: {  	[sflag:s4] =	ssyncadd.s32 $0xFFFFFF00  }
0xa6: {  	[tilespmem:s6], [sflag:$0x1] =	stream.indirect.gather [hbm4b:s2+s5], $0x80, s3, s5, $0xb8;
	[tilespmem:$0x10200] =	vst v63  }
0xa7: {  	_ =	swait.ge [sflag:s10], $0x8000  }
0xa8: {  	s23 =	sshll.u32 s23, $0x4;
	[sflag:s10] =	ssyncset.done $0x0  }
0xa9: {  	s23 =	sadd.s32 s31, s23;
	[sflag:s10] =	ssyncadd.s32 $0xFFFF8000  }
0xaa: {  	[hbm4b:s23+s3] =	stream.linear.scatter [tilespmem:s7], [sflag:$0x4], $0x8000, $0x38;
	[tilespmem:$0x10200] =	vst v63  }
0xab: {  	s28 =	sor.u32 $0xD00, s30;
	_ =	swait.ge [sflag:s11], $0x8000  }
0xac: {  	s24 =	sshrl.u32 s28, $0x3;
	[sflag:s11] =	ssyncset.done $0x0  }
0xad: {  	s24 =	sadd.s32 s29, s24;
	[sflag:s11] =	ssyncadd.s32 $0xFFFF8000  }
0xae: {  	[tilespmem:s5], [sflag:$0x5] =	stream.linear.gather [hbm4b:s24+s3], $0x100, $0x38;
	[tilespmem:$0x10200] =	vst v63  }
0xaf: {  	_ =	swait.ge [sflag:s4], $0x100  }
0xb0: {  	[sflag:s4] =	ssyncset.done $0x0  }
0xb1: {  	[sflag:s4] =	ssyncadd.s32 $0xFFFFFF00  }
0xb2: {  	[tilespmem:s7], [sflag:$0x2] =	stream.indirect.gather [hbm4b:s2+s5], $0x80, s5, s5, $0xb8;
	[tilespmem:$0x10200] =	vst v63  }
0xb3: {  	_ =	swait.ge [sflag:s8], $0x8000  }
0xb4: {  	s25 =	sshll.u32 s25, $0x4;
	[sflag:s8] =	ssyncset.done $0x0  }
0xb5: {  	s25 =	sadd.s32 s31, s25;
	[sflag:s8] =	ssyncadd.s32 $0xFFFF8000  }
0xb6: {  	[hbm4b:s25+s3] =	stream.linear.scatter [tilespmem:s6], [sflag:$0x3], $0x8000, $0x38;
	[tilespmem:$0x10200] =	vst v63  }
0xb7: {  	s1 =	sor.u32 $0xE00, s30;
	_ =	swait.ge [sflag:s9], $0x8000  }
0xb8: {  	s26 =	sshrl.u32 s1, $0x3;
	[sflag:s9] =	ssyncset.done $0x0  }
0xb9: {  	s26 =	sadd.s32 s29, s26;
	[sflag:s9] =	ssyncadd.s32 $0xFFFF8000  }
0xba: {  	[tilespmem:s3], [sflag:$0x5] =	stream.linear.gather [hbm4b:s26+s3], $0x100, $0x38;
	[tilespmem:$0x10200] =	vst v63  }
0xbb: {  	_ =	swait.ge [sflag:s4], $0x100  }
0xbc: {  	[sflag:s4] =	ssyncset.done $0x0  }
0xbd: {  	[sflag:s4] =	ssyncadd.s32 $0xFFFFFF00  }
0xbe: {  	[tilespmem:s6], [sflag:$0x1] =	stream.indirect.gather [hbm4b:s2+s5], $0x80, s3, s5, $0xb8;
	[tilespmem:$0x10200] =	vst v63  }
0xbf: {  	_ =	swait.ge [sflag:s10], $0x8000  }
0xc0: {  	s28 =	sshll.u32 s28, $0x4;
	[sflag:s10] =	ssyncset.done $0x0  }
0xc1: {  	s28 =	sadd.s32 s31, s28;
	[sflag:s10] =	ssyncadd.s32 $0xFFFF8000  }
0xc2: {  	[hbm4b:s28+s3] =	stream.linear.scatter [tilespmem:s7], [sflag:$0x4], $0x8000, $0x38;
	[tilespmem:$0x10200] =	vst v63  }
0xc3: {  	s0 =	sor.u32 $0xF00, s30;
	_ =	swait.ge [sflag:s11], $0x8000  }
0xc4: {  	s30 =	sshrl.u32 s0, $0x3;
	[sflag:s11] =	ssyncset.done $0x0  }
0xc5: {  	s29 =	sadd.s32 s29, s30;
	[sflag:s11] =	ssyncadd.s32 $0xFFFF8000  }
0xc6: {  	[tilespmem:s5], [sflag:$0x5] =	stream.linear.gather [hbm4b:s29+s3], $0x100, $0x38;
	[tilespmem:$0x10200] =	vst v63  }
0xc7: {  	_ =	swait.ge [sflag:s4], $0x100  }
0xc8: {  	[sflag:s4] =	ssyncset.done $0x0  }
0xc9: {  	[sflag:s4] =	ssyncadd.s32 $0xFFFFFF00  }
0xca: {  	[tilespmem:s7], [sflag:$0x2] =	stream.indirect.gather [hbm4b:s2+s5], $0x80, s5, s5, $0xb8;
	[tilespmem:$0x10200] =	vst v63  }
0xcb: {  	_ =	swait.ge [sflag:s8], $0x8000  }
0xcc: {  	s1 =	sshll.u32 s1, $0x4;
	[sflag:s8] =	ssyncset.done $0x0  }
0xcd: {  	s30 =	sadd.s32 s31, s1;
	[sflag:s8] =	ssyncadd.s32 $0xFFFF8000  }
0xce: {  	[hbm4b:s30+s3] =	stream.linear.scatter [tilespmem:s6], [sflag:$0x3], $0x8000, $0x38;
	[tilespmem:$0x10200] =	vst v63  }
0xcf: {  	_ =	swait.ge [sflag:s10], $0x8000  }
0xd0: {  	s0 =	sshll.u32 s0, $0x4;
	[sflag:s10] =	ssyncset.done $0x0;
	s1 =	rddreg [dreg:$0x11]  }
0xd1: {  	s31 =	sadd.s32 s31, s0;
	s0 =	ssub.s32 $0x2, s1;
	[sflag:s10] =	ssyncadd.s32 $0xFFFF8000  }
0xd2: {  	[hbm4b:s31+s3] =	stream.linear.scatter [tilespmem:s7], [sflag:$0x4], $0x8000, $0x38;
	[tilespmem:$0x10200] =	vst v63  }
0xd3: {  	s1 =	sshrl.u32 s0, $0x1  }
0xd4: {  	s0 =	ssub.s32 s0, s1  }
0xd5: {  	s0 =	smax.u32 s0, $0x1  }
0xd6: {  	p0 =	sne.s32 s0, $0x1  }
.Ltmp0:
0xd7: {  	_ =	swait.ge [sflag:s9], $0x8000;
	(pc) =	sbr.rel @!p0 .LBB2_2-.Ltmp0, $4  }
0xd8: {  	[sflag:s9] =	ssyncset.done $0x0  }
0xd9: {  	[sflag:s9] =	ssyncadd.s32 $0xFFFF8000  }
0xda: {  	_ =	swait.ge [sflag:s11], $0x8000  }
0xdb: {  	s0 =	sadd.s32 $0xFFFFFFFF, s0;
	[sflag:s11] =	ssyncset.done $0x0  }
.LBB2_1:
0xdc: {  	s1 =	rddreg [dreg:$0x4];
	[sflag:s11] =	ssyncadd.s32 $0xFFFF8000  }
0xdd: {  	[tilespmem:s3], [sflag:$0x5] =	stream.linear.gather [hbm4b:s1+s3], $0x100, $0x38;
	[tilespmem:$0x10200] =	vst v63  }
0xde: {  	_ =	swait.ge [sflag:s4], $0x100  }
0xdf: {  	[sflag:s4] =	ssyncset.done $0x0  }
0xe0: {  	[sflag:s4] =	ssyncadd.s32 $0xFFFFFF00  }
0xe1: {  	[tilespmem:s6], [sflag:$0x1] =	stream.indirect.gather [hbm4b:s2+s5], $0x80, s3, s5, $0xb8;
	[tilespmem:$0x10200] =	vst v63  }
0xe2: {  	s1 =	rddreg [dreg:$0x5]  }
0xe3: {  	[tilespmem:s5], [sflag:$0x5] =	stream.linear.gather [hbm4b:s1+s3], $0x100, $0x38;
	[tilespmem:$0x10200] =	vst v63  }
0xe4: {  	_ =	swait.ge [sflag:s4], $0x100  }
0xe5: {  	[sflag:s4] =	ssyncset.done $0x0  }
0xe6: {  	[sflag:s4] =	ssyncadd.s32 $0xFFFFFF00  }
0xe7: {  	[tilespmem:s7], [sflag:$0x2] =	stream.indirect.gather [hbm4b:s2+s5], $0x80, s5, s5, $0xb8;
	[tilespmem:$0x10200] =	vst v63  }
0xe8: {  	_ =	swait.ge [sflag:s8], $0x8000  }
0xe9: {  	[sflag:s8] =	ssyncset.done $0x0  }
0xea: {  	s1 =	rddreg [dreg:$0x6];
	[sflag:s8] =	ssyncadd.s32 $0xFFFF8000  }
0xeb: {  	[hbm4b:s1+s3] =	stream.linear.scatter [tilespmem:s6], [sflag:$0x3], $0x8000, $0x38;
	[tilespmem:$0x10200] =	vst v63  }
0xec: {  	_ =	swait.ge [sflag:s9], $0x8000  }
0xed: {  	[sflag:s9] =	ssyncset.done $0x0  }
0xee: {  	s1 =	rddreg [dreg:$0x7];
	[sflag:s9] =	ssyncadd.s32 $0xFFFF8000  }
0xef: {  	[tilespmem:s3], [sflag:$0x5] =	stream.linear.gather [hbm4b:s1+s3], $0x100, $0x38;
	[tilespmem:$0x10200] =	vst v63  }
0xf0: {  	_ =	swait.ge [sflag:s4], $0x100  }
0xf1: {  	[sflag:s4] =	ssyncset.done $0x0  }
0xf2: {  	[sflag:s4] =	ssyncadd.s32 $0xFFFFFF00  }
0xf3: {  	[tilespmem:s6], [sflag:$0x1] =	stream.indirect.gather [hbm4b:s2+s5], $0x80, s3, s5, $0xb8;
	[tilespmem:$0x10200] =	vst v63  }
0xf4: {  	_ =	swait.ge [sflag:s10], $0x8000  }
0xf5: {  	[sflag:s10] =	ssyncset.done $0x0  }
0xf6: {  	s1 =	rddreg [dreg:$0x8];
	[sflag:s10] =	ssyncadd.s32 $0xFFFF8000  }
0xf7: {  	[hbm4b:s1+s3] =	stream.linear.scatter [tilespmem:s7], [sflag:$0x4], $0x8000, $0x38;
	[tilespmem:$0x10200] =	vst v63  }
0xf8: {  	_ =	swait.ge [sflag:s11], $0x8000  }
0xf9: {  	[sflag:s11] =	ssyncset.done $0x0  }
0xfa: {  	s1 =	rddreg [dreg:$0x9];
	[sflag:s11] =	ssyncadd.s32 $0xFFFF8000  }
0xfb: {  	[tilespmem:s5], [sflag:$0x5] =	stream.linear.gather [hbm4b:s1+s3], $0x100, $0x38;
	[tilespmem:$0x10200] =	vst v63  }
0xfc: {  	_ =	swait.ge [sflag:s4], $0x100  }
0xfd: {  	[sflag:s4] =	ssyncset.done $0x0  }
0xfe: {  	[sflag:s4] =	ssyncadd.s32 $0xFFFFFF00  }
0xff: {  	[tilespmem:s7], [sflag:$0x2] =	stream.indirect.gather [hbm4b:s2+s5], $0x80, s5, s5, $0xb8;
	[tilespmem:$0x10200] =	vst v63  }
0x100: {  	_ =	swait.ge [sflag:s8], $0x8000  }
0x101: {  	[sflag:s8] =	ssyncset.done $0x0  }
0x102: {  	s1 =	rddreg [dreg:$0xa];
	[sflag:s8] =	ssyncadd.s32 $0xFFFF8000  }
0x103: {  	[hbm4b:s1+s3] =	stream.linear.scatter [tilespmem:s6], [sflag:$0x3], $0x8000, $0x38;
	[tilespmem:$0x10200] =	vst v63  }
0x104: {  	_ =	swait.ge [sflag:s9], $0x8000  }
0x105: {  	[sflag:s9] =	ssyncset.done $0x0  }
0x106: {  	s1 =	rddreg [dreg:$0xb];
	[sflag:s9] =	ssyncadd.s32 $0xFFFF8000  }
0x107: {  	[tilespmem:s3], [sflag:$0x5] =	stream.linear.gather [hbm4b:s1+s3], $0x100, $0x38;
	[tilespmem:$0x10200] =	vst v63  }
0x108: {  	_ =	swait.ge [sflag:s4], $0x100  }
0x109: {  	[sflag:s4] =	ssyncset.done $0x0  }
0x10a: {  	[sflag:s4] =	ssyncadd.s32 $0xFFFFFF00  }
0x10b: {  	[tilespmem:s6], [sflag:$0x1] =	stream.indirect.gather [hbm4b:s2+s5], $0x80, s3, s5, $0xb8;
	[tilespmem:$0x10200] =	vst v63  }
0x10c: {  	_ =	swait.ge [sflag:s10], $0x8000  }
0x10d: {  	[sflag:s10] =	ssyncset.done $0x0  }
0x10e: {  	s1 =	rddreg [dreg:$0xc];
	[sflag:s10] =	ssyncadd.s32 $0xFFFF8000  }
0x10f: {  	[hbm4b:s1+s3] =	stream.linear.scatter [tilespmem:s7], [sflag:$0x4], $0x8000, $0x38;
	[tilespmem:$0x10200] =	vst v63  }
0x110: {  	_ =	swait.ge [sflag:s11], $0x8000  }
0x111: {  	[sflag:s11] =	ssyncset.done $0x0  }
0x112: {  	s1 =	rddreg [dreg:$0xd];
	[sflag:s11] =	ssyncadd.s32 $0xFFFF8000  }
0x113: {  	[tilespmem:s5], [sflag:$0x5] =	stream.linear.gather [hbm4b:s1+s3], $0x100, $0x38;
	[tilespmem:$0x10200] =	vst v63  }
0x114: {  	_ =	swait.ge [sflag:s4], $0x100  }
0x115: {  	[sflag:s4] =	ssyncset.done $0x0  }
0x116: {  	[sflag:s4] =	ssyncadd.s32 $0xFFFFFF00  }
0x117: {  	[tilespmem:s7], [sflag:$0x2] =	stream.indirect.gather [hbm4b:s2+s5], $0x80, s5, s5, $0xb8;
	[tilespmem:$0x10200] =	vst v63  }
0x118: {  	_ =	swait.ge [sflag:s8], $0x8000  }
0x119: {  	[sflag:s8] =	ssyncset.done $0x0  }
0x11a: {  	s1 =	rddreg [dreg:$0xe];
	[sflag:s8] =	ssyncadd.s32 $0xFFFF8000  }
0x11b: {  	[hbm4b:s1+s3] =	stream.linear.scatter [tilespmem:s6], [sflag:$0x3], $0x8000, $0x38;
	[tilespmem:$0x10200] =	vst v63  }
0x11c: {  	_ =	swait.ge [sflag:s9], $0x8000  }
0x11d: {  	[sflag:s9] =	ssyncset.done $0x0  }
0x11e: {  	s1 =	rddreg [dreg:$0xf];
	[sflag:s9] =	ssyncadd.s32 $0xFFFF8000  }
0x11f: {  	[tilespmem:s3], [sflag:$0x5] =	stream.linear.gather [hbm4b:s1+s3], $0x100, $0x38;
	[tilespmem:$0x10200] =	vst v63  }
0x120: {  	_ =	swait.ge [sflag:s4], $0x100  }
0x121: {  	[sflag:s4] =	ssyncset.done $0x0  }
0x122: {  	[sflag:s4] =	ssyncadd.s32 $0xFFFFFF00  }
0x123: {  	[tilespmem:s6], [sflag:$0x1] =	stream.indirect.gather [hbm4b:s2+s5], $0x80, s3, s5, $0xb8;
	[tilespmem:$0x10200] =	vst v63  }
0x124: {  	_ =	swait.ge [sflag:s10], $0x8000  }
0x125: {  	[sflag:s10] =	ssyncset.done $0x0  }
0x126: {  	s1 =	rddreg [dreg:$0x10];
	[sflag:s10] =	ssyncadd.s32 $0xFFFF8000  }
0x127: {  	[hbm4b:s1+s3] =	stream.linear.scatter [tilespmem:s7], [sflag:$0x4], $0x8000, $0x38;
	[tilespmem:$0x10200] =	vst v63  }
0x128: {  	_ =	swait.ge [sflag:s11], $0x8000  }
0x129: {  	[sflag:s11] =	ssyncset.done $0x0  }
0x12a: {  	[sflag:s11] =	ssyncadd.s32 $0xFFFF8000  }
0x12b: {  	[tilespmem:s5], [sflag:$0x5] =	stream.linear.gather [hbm4b:s12+s3], $0x100, $0x38;
	[tilespmem:$0x10200] =	vst v63  }
0x12c: {  	_ =	swait.ge [sflag:s4], $0x100  }
0x12d: {  	[sflag:s4] =	ssyncset.done $0x0  }
0x12e: {  	[sflag:s4] =	ssyncadd.s32 $0xFFFFFF00  }
0x12f: {  	[tilespmem:s7], [sflag:$0x2] =	stream.indirect.gather [hbm4b:s2+s5], $0x80, s5, s5, $0xb8;
	[tilespmem:$0x10200] =	vst v63  }
0x130: {  	_ =	swait.ge [sflag:s8], $0x8000  }
0x131: {  	[sflag:s8] =	ssyncset.done $0x0  }
0x132: {  	[sflag:s8] =	ssyncadd.s32 $0xFFFF8000  }
0x133: {  	[hbm4b:s13+s3] =	stream.linear.scatter [tilespmem:s6], [sflag:$0x3], $0x8000, $0x38;
	[tilespmem:$0x10200] =	vst v63  }
0x134: {  	_ =	swait.ge [sflag:s9], $0x8000  }
0x135: {  	[sflag:s9] =	ssyncset.done $0x0  }
0x136: {  	[sflag:s9] =	ssyncadd.s32 $0xFFFF8000  }
0x137: {  	[tilespmem:s3], [sflag:$0x5] =	stream.linear.gather [hbm4b:s14+s3], $0x100, $0x38;
	[tilespmem:$0x10200] =	vst v63  }
0x138: {  	_ =	swait.ge [sflag:s4], $0x100  }
0x139: {  	[sflag:s4] =	ssyncset.done $0x0  }
0x13a: {  	[sflag:s4] =	ssyncadd.s32 $0xFFFFFF00  }
0x13b: {  	[tilespmem:s6], [sflag:$0x1] =	stream.indirect.gather [hbm4b:s2+s5], $0x80, s3, s5, $0xb8;
	[tilespmem:$0x10200] =	vst v63  }
0x13c: {  	_ =	swait.ge [sflag:s10], $0x8000  }
0x13d: {  	[sflag:s10] =	ssyncset.done $0x0  }
0x13e: {  	[sflag:s10] =	ssyncadd.s32 $0xFFFF8000  }
0x13f: {  	[hbm4b:s15+s3] =	stream.linear.scatter [tilespmem:s7], [sflag:$0x4], $0x8000, $0x38;
	[tilespmem:$0x10200] =	vst v63  }
0x140: {  	_ =	swait.ge [sflag:s11], $0x8000  }
0x141: {  	[sflag:s11] =	ssyncset.done $0x0  }
0x142: {  	[sflag:s11] =	ssyncadd.s32 $0xFFFF8000  }
0x143: {  	[tilespmem:s5], [sflag:$0x5] =	stream.linear.gather [hbm4b:s16+s3], $0x100, $0x38;
	[tilespmem:$0x10200] =	vst v63  }
0x144: {  	_ =	swait.ge [sflag:s4], $0x100  }
0x145: {  	[sflag:s4] =	ssyncset.done $0x0  }
0x146: {  	[sflag:s4] =	ssyncadd.s32 $0xFFFFFF00  }
0x147: {  	[tilespmem:s7], [sflag:$0x2] =	stream.indirect.gather [hbm4b:s2+s5], $0x80, s5, s5, $0xb8;
	[tilespmem:$0x10200] =	vst v63  }
0x148: {  	_ =	swait.ge [sflag:s8], $0x8000  }
0x149: {  	[sflag:s8] =	ssyncset.done $0x0  }
0x14a: {  	[sflag:s8] =	ssyncadd.s32 $0xFFFF8000  }
0x14b: {  	[hbm4b:s17+s3] =	stream.linear.scatter [tilespmem:s6], [sflag:$0x3], $0x8000, $0x38;
	[tilespmem:$0x10200] =	vst v63  }
0x14c: {  	_ =	swait.ge [sflag:s9], $0x8000  }
0x14d: {  	[sflag:s9] =	ssyncset.done $0x0  }
0x14e: {  	[sflag:s9] =	ssyncadd.s32 $0xFFFF8000  }
0x14f: {  	[tilespmem:s3], [sflag:$0x5] =	stream.linear.gather [hbm4b:s18+s3], $0x100, $0x38;
	[tilespmem:$0x10200] =	vst v63  }
0x150: {  	_ =	swait.ge [sflag:s4], $0x100  }
0x151: {  	[sflag:s4] =	ssyncset.done $0x0  }
0x152: {  	[sflag:s4] =	ssyncadd.s32 $0xFFFFFF00  }
0x153: {  	[tilespmem:s6], [sflag:$0x1] =	stream.indirect.gather [hbm4b:s2+s5], $0x80, s3, s5, $0xb8;
	[tilespmem:$0x10200] =	vst v63  }
0x154: {  	_ =	swait.ge [sflag:s10], $0x8000  }
0x155: {  	[sflag:s10] =	ssyncset.done $0x0  }
0x156: {  	[sflag:s10] =	ssyncadd.s32 $0xFFFF8000  }
0x157: {  	[hbm4b:s19+s3] =	stream.linear.scatter [tilespmem:s7], [sflag:$0x4], $0x8000, $0x38;
	[tilespmem:$0x10200] =	vst v63  }
0x158: {  	_ =	swait.ge [sflag:s11], $0x8000  }
0x159: {  	[sflag:s11] =	ssyncset.done $0x0  }
0x15a: {  	[sflag:s11] =	ssyncadd.s32 $0xFFFF8000  }
0x15b: {  	[tilespmem:s5], [sflag:$0x5] =	stream.linear.gather [hbm4b:s20+s3], $0x100, $0x38;
	[tilespmem:$0x10200] =	vst v63  }
0x15c: {  	_ =	swait.ge [sflag:s4], $0x100  }
0x15d: {  	[sflag:s4] =	ssyncset.done $0x0  }
0x15e: {  	[sflag:s4] =	ssyncadd.s32 $0xFFFFFF00  }
0x15f: {  	[tilespmem:s7], [sflag:$0x2] =	stream.indirect.gather [hbm4b:s2+s5], $0x80, s5, s5, $0xb8;
	[tilespmem:$0x10200] =	vst v63  }
0x160: {  	_ =	swait.ge [sflag:s8], $0x8000  }
0x161: {  	[sflag:s8] =	ssyncset.done $0x0  }
0x162: {  	[sflag:s8] =	ssyncadd.s32 $0xFFFF8000  }
0x163: {  	[hbm4b:s21+s3] =	stream.linear.scatter [tilespmem:s6], [sflag:$0x3], $0x8000, $0x38;
	[tilespmem:$0x10200] =	vst v63  }
0x164: {  	_ =	swait.ge [sflag:s9], $0x8000  }
0x165: {  	[sflag:s9] =	ssyncset.done $0x0  }
0x166: {  	[sflag:s9] =	ssyncadd.s32 $0xFFFF8000  }
0x167: {  	[tilespmem:s3], [sflag:$0x5] =	stream.linear.gather [hbm4b:s22+s3], $0x100, $0x38;
	[tilespmem:$0x10200] =	vst v63  }
0x168: {  	_ =	swait.ge [sflag:s4], $0x100  }
0x169: {  	[sflag:s4] =	ssyncset.done $0x0  }
0x16a: {  	[sflag:s4] =	ssyncadd.s32 $0xFFFFFF00  }
0x16b: {  	[tilespmem:s6], [sflag:$0x1] =	stream.indirect.gather [hbm4b:s2+s5], $0x80, s3, s5, $0xb8;
	[tilespmem:$0x10200] =	vst v63  }
0x16c: {  	_ =	swait.ge [sflag:s10], $0x8000  }
0x16d: {  	[sflag:s10] =	ssyncset.done $0x0  }
0x16e: {  	[sflag:s10] =	ssyncadd.s32 $0xFFFF8000  }
0x16f: {  	[hbm4b:s23+s3] =	stream.linear.scatter [tilespmem:s7], [sflag:$0x4], $0x8000, $0x38;
	[tilespmem:$0x10200] =	vst v63  }
0x170: {  	_ =	swait.ge [sflag:s11], $0x8000  }
0x171: {  	[sflag:s11] =	ssyncset.done $0x0  }
0x172: {  	[sflag:s11] =	ssyncadd.s32 $0xFFFF8000  }
0x173: {  	[tilespmem:s5], [sflag:$0x5] =	stream.linear.gather [hbm4b:s24+s3], $0x100, $0x38;
	[tilespmem:$0x10200] =	vst v63  }
0x174: {  	_ =	swait.ge [sflag:s4], $0x100  }
0x175: {  	[sflag:s4] =	ssyncset.done $0x0  }
0x176: {  	[sflag:s4] =	ssyncadd.s32 $0xFFFFFF00  }
0x177: {  	[tilespmem:s7], [sflag:$0x2] =	stream.indirect.gather [hbm4b:s2+s5], $0x80, s5, s5, $0xb8;
	[tilespmem:$0x10200] =	vst v63  }
0x178: {  	_ =	swait.ge [sflag:s8], $0x8000  }
0x179: {  	[sflag:s8] =	ssyncset.done $0x0  }
0x17a: {  	[sflag:s8] =	ssyncadd.s32 $0xFFFF8000  }
0x17b: {  	[hbm4b:s25+s3] =	stream.linear.scatter [tilespmem:s6], [sflag:$0x3], $0x8000, $0x38;
	[tilespmem:$0x10200] =	vst v63  }
0x17c: {  	_ =	swait.ge [sflag:s9], $0x8000  }
0x17d: {  	[sflag:s9] =	ssyncset.done $0x0  }
0x17e: {  	[sflag:s9] =	ssyncadd.s32 $0xFFFF8000  }
0x17f: {  	[tilespmem:s3], [sflag:$0x5] =	stream.linear.gather [hbm4b:s26+s3], $0x100, $0x38;
	[tilespmem:$0x10200] =	vst v63  }
0x180: {  	_ =	swait.ge [sflag:s4], $0x100  }
0x181: {  	[sflag:s4] =	ssyncset.done $0x0  }
0x182: {  	[sflag:s4] =	ssyncadd.s32 $0xFFFFFF00  }
0x183: {  	[tilespmem:s6], [sflag:$0x1] =	stream.indirect.gather [hbm4b:s2+s5], $0x80, s3, s5, $0xb8;
	[tilespmem:$0x10200] =	vst v63  }
0x184: {  	_ =	swait.ge [sflag:s10], $0x8000  }
0x185: {  	[sflag:s10] =	ssyncset.done $0x0  }
0x186: {  	[sflag:s10] =	ssyncadd.s32 $0xFFFF8000  }
0x187: {  	[hbm4b:s28+s3] =	stream.linear.scatter [tilespmem:s7], [sflag:$0x4], $0x8000, $0x38;
	[tilespmem:$0x10200] =	vst v63  }
0x188: {  	_ =	swait.ge [sflag:s11], $0x8000  }
0x189: {  	[sflag:s11] =	ssyncset.done $0x0  }
0x18a: {  	[sflag:s11] =	ssyncadd.s32 $0xFFFF8000  }
0x18b: {  	[tilespmem:s5], [sflag:$0x5] =	stream.linear.gather [hbm4b:s29+s3], $0x100, $0x38;
	[tilespmem:$0x10200] =	vst v63  }
0x18c: {  	_ =	swait.ge [sflag:s4], $0x100  }
0x18d: {  	[sflag:s4] =	ssyncset.done $0x0  }
0x18e: {  	[sflag:s4] =	ssyncadd.s32 $0xFFFFFF00  }
0x18f: {  	[tilespmem:s7], [sflag:$0x2] =	stream.indirect.gather [hbm4b:s2+s5], $0x80, s5, s5, $0xb8;
	[tilespmem:$0x10200] =	vst v63  }
0x190: {  	_ =	swait.ge [sflag:s8], $0x8000  }
0x191: {  	[sflag:s8] =	ssyncset.done $0x0  }
0x192: {  	[sflag:s8] =	ssyncadd.s32 $0xFFFF8000  }
0x193: {  	[hbm4b:s30+s3] =	stream.linear.scatter [tilespmem:s6], [sflag:$0x3], $0x8000, $0x38;
	[tilespmem:$0x10200] =	vst v63  }
0x194: {  	_ =	swait.ge [sflag:s10], $0x8000  }
0x195: {  	[sflag:s10] =	ssyncset.done $0x0  }
0x196: {  	p0 =	sne.s32 s0, $0x1;
	[sflag:s10] =	ssyncadd.s32 $0xFFFF8000  }
0x197: {  	[hbm4b:s31+s3] =	stream.linear.scatter [tilespmem:s7], [sflag:$0x4], $0x8000, $0x38;
	[tilespmem:$0x10200] =	vst v63  }
.Ltmp1:
0x198: {  	_ =	swait.ge [sflag:s9], $0x8000;
	(pc) =	sbr.rel @p0 .LBB2_1-.Ltmp1, $4  }
0x199: {  	[sflag:s9] =	ssyncset.done $0x0  }
0x19a: {  	[sflag:s9] =	ssyncadd.s32 $0xFFFF8000  }
0x19b: {  	_ =	swait.ge [sflag:s11], $0x8000  }
0x19c: {  	s0 =	sadd.s32 $0xFFFFFFFF, s0;
	[sflag:s11] =	ssyncset.done $0x0  }
.LBB2_2:
0x19d: {  	[sflag:s11] =	ssyncadd.s32 $0xFFFF8000  }
0x19e: {  	_ =	sfence.sel $0x180000  }
0x19f: {  	[bflag:$0x0] =	sbarrier.arrive $0xFFFF  }
0x1a0: {  	_ =	strace $0x90000047  }
0x1a1: {  	s0 =	stileid.u32;
	[bflag:$0x2] =	sbarrier.arrive $0xFFFF  }
0x1a2: {  	p0 =	sne.s32 s0, $0x0;
	s0 =	rddreg [dreg:$0x3]  }
0x1a3: {  	s0 =	sadd.s32 @!p0 $0x100000, s0  }
0x1a4: {  	[sflag:s0] =	ssyncadd.tile.s32 @!p0 $0x1;
	_ =	shalt  }
.Lfunc_end2:
_tile_overlayer_lowered:
.L_overlay_start_2:
0x1a5: {  	(tag) =	ssettag $0x2  }
0x1a6: {  	s0 =	rddreg [dreg:$0x0];
	s2 =	stileid.u32  }
0x1a7: {  	s1 =	rddreg [dreg:$0x1];
	p0 =	sne.s32 s2, $0x0  }
0x1a8: {  	s3 =	rddreg [dreg:$0x2];
	[bflag:$0x3] =	sbarrier.arrive $0xFFFF;
	s2 =	simm.s32 @!p0 $0x1C05  }
0x1a9: {  	[timem:s3], [sflag:s2] =	dma.local @!p0 [hbm:s0], s1  }
0x1aa: {  	s0 =	simm.s32 @!p0 $0x5  }
0x1ab: {  	_ =	swait.ge @!p0 [sflag:s0], s1  }
0x1ac: {  	s1 =	ssub.s32 @!p0 $0x0, s1;
	[sflag:s0] =	ssyncset.done @!p0 $0x0  }
0x1ad: {  	[sflag:s0] =	ssyncadd.s32 @!p0 s1  }
0x1ae: {  	[bflag:$0x3] =	sbarrier.arrive $0xFFFF  }
0x1af: {  	_ =	shalt  }

// kernel: sparse-core-data-format-call.cloned.1.call-start
scs
called_computation_lowered:
.L_overlay_start_0:
0x0: {  	s2 =	sld [smem:$0x3FD9]  }
0x1: {  	s3 =	sld [smem:$0x3FFE];
	_ =	sdelay $0x1  }
0x2: {  	s1 =	srdreg.scid  }
0x3: {  	s0 =	sand.u32 $0x1, s1  }
0x4: {  	s15 =	sshll.u32 s0, $0xA;
	s2 =	sadd.s32 s3, s2  }
0x5: {  	s2 =	sadd.s32 s2, s15  }
0x6: {  	[smem:$0x3FBE] =	sst s2  }
0x7: {  	_ = 	snop  }
0x8: {  	s2 =	sld [smem:$0x3FD0];
	_ =	sdelay $0x2  }
0x9: {  	s16 =	simm.s32 $0xA;
	s4 =	simm.s32 $0x10  }
0xa: {  	[smem:s4], [sflag:s16] =	dma.local [hbm:s2], $0x1  }
0xb: {  	_ =	swait.eq [sflag:s16], $0x1  }
0xc: {  	[sflag:s16] =	ssyncset.done $0x0  }
0xd: {  	[sflag:s16] =	ssyncadd.s32 $0xFFFFFFFF  }
0xe: {  	s17 =	sld [smem:$0x12];
	(tm) =	ssettm $0x1  }
0xf: {  	s18 =	sld [smem:$0x3FFB];
	_ =	sdelay $0x3  }
0x10: {  	_ =	strace s18  }
0x11: {  	s3 =	sld [smem:$0x3FFC];
	_ =	sdelay $0x3  }
0x12: {  	_ =	strace s3  }
0x13: {  	s3 =	sld [smem:$0x3FFD];
	_ =	sdelay $0x3  }
0x14: {  	_ =	strace s3  }
0x15: {  	_ =	strace $0x8FFFFFFF  }
0x16: {  	s19 =	sld [smem:$0x3FDB];
	_ =	sdelay $0x1  }
0x17: {  	s20 =	simm.s32 $_scs_section_size  }
0x18: {  	s5 =	simm.s32 $_size__tile_overlayer_lowered;
	s6 =	simm.s32 $_tile_overlayer_lowered  }
0x19: {  	s23 =	simm.s32 $0x1BFF;
	s22 =	sshll.u32 s6, $0x1;
	s3 =	sadd.s32 s20, s19  }
0x1a: {  	s7 =	simm.s32 $0x0;
	s21 =	sshll.u32 s5, $0x1;
	s5 =	sadd.s32 s22, s3  }
0x1b: {  	[timem:s7], [sflag:s23] =	dma.local [hbm:s5], s21  }
0x1c: {  	_ =	swait.ge [sflag:s23], s21  }
0x1d: {  	s4 =	ssub.s32 $0x0, s21;
	[sflag:s23] =	ssyncset.done $0x0  }
0x1e: {  	[sflag:s23] =	ssyncadd.s32 s4;
	_ =	sdelay $0x1  }
0x1f: {  	s24 =	simm.s32 $0x1B8B  }
0x20: {  	_ =	swait.ge [sflag:s24], $0x1  }
0x21: {  	[sflag:s24] =	ssyncset.done $0x0  }
0x22: {  	s26 =	simm.s32 $0x1B8E;
	s25 =	sld [smem:$0x3FFE];
	[sflag:s24] =	ssyncadd.s32 $0xFFFFFFFF  }
0x23: {  	s27 =	simm.s32 $execute0_lowered;
	[smem:$0x3FD2] =	sst s26  }
0x24: {  	s5 =	sshll.u32 s27, $0x1;
	_ =	strace $0x80000049;
	[dreg:$0x1] =	wrdreg $0xFFFFFFFF  }
0x25: {  	s28 =	simm.s32 $_size_execute0_lowered;
	s3 =	sadd.s32 s3, s5;
	[dreg:$0x0] =	wrdreg $0x0  }
0x26: {  	s5 =	sshll.u32 s28, $0x1;
	[dreg:$0x2] =	wrdreg s3  }
0x27: {  	[dreg:$0x3] =	wrdreg s5  }
0x28: {  	[dreg:$0x4] =	wrdreg $0xC0  }
0x29: {  	_ =	task [dreg:s7], $0x5FFFF  }
0x2a: {  	[dreg:$0x1] =	wrdreg $0xFFFFFFFF  }
0x2b: {  	[dreg:$0x0] =	wrdreg $0x60  }
0x2c: {  	[dreg:$0x2] =	wrdreg s25  }
0x2d: {  	[dreg:$0x3] =	wrdreg s17  }
0x2e: {  	[dreg:$0x4] =	wrdreg $0x9  }
0x2f: {  	_ =	task.clear_ibuf [dreg:s7], $0x5FFFF;
	_ =	strace $0x90000049  }
0x30: {  	s29 =	simm.s32 $0x9;
	_ =	strace $0x8000004B  }
0x31: {  	_ =	swait.ge [sflag:s29], $0x1  }
0x32: {  	[sflag:s29] =	ssyncadd.s32 $0xFFFFFFFF  }
0x33: {  	_ =	strace $0x9000004B  }
0x34: {  	_ =	sfence  }
0x35: {  	s30 =	sld [smem:$0x0];
	_ =	sdelay $0x2  }
0x36: {  	s31 =	sshll.u32 s1, $0xD;
	s1 =	sshrl.u32 s1, $0x2  }
0x37: {  	s3 =	sand.u32 $0x4000, s31;
	s1 =	sadd.s32 s1, s30  }
0x38: {  	s0 =	sor.u32 s3, s0;
	s1 =	sshll.u32 s1, $0x11  }
0x39: {  	s0 =	sor.u32 s1, s0  }
0x3a: {  	s0 =	sadd.s32 $0x8F2B, s0  }
0x3b: {  	[sflag:s0] =	ssyncadd.remote.s32 $0x1  }
0x3c: {  	_ =	sfence.sel $0xFFFF  }
0x3d: {  	[dreg:$0x0] =	wrdreg $0xFFFFFFFF;
	(pc) =	sbr.abs _section_cstart, $3  }
0x3e: {  	[dreg:$0x1] =	wrdreg $0xFFFFFFFF  }
0x3f: {  	_ =	task.clear_ibuf [dreg:s7], $0x2FFFF;
	_ =	strace $0x9FFFFFFF  }
0x40: {  	(tm) =	ssettm $0x7FFFFFFF  }
0x41: {  	_ =	shalt  }
tec
execute0_lowered:
.L_overlay_start_1:
0x0: {  	(tag) =	ssettag $0x1  }
0x1: {  	s0 =	srdreg.scid  }
0x2: {  	s1 =	sshll.u32 s0, $0x4  }
0x3: {  	s6 =	rddreg [dreg:$0x0];
	s0 =	stileid.u32;
	s1 =	sand.u32 $0x10, s1  }
0x4: {  	s3 =	rddreg [dreg:$0x1];
	s5 =	simm.s32 $0x1;
	s1 =	sor.u32 s0, s1  }
0x5: {  	s31 =	simm.s32 $0x2;
	s12 =	simm.s32 $0x0;
	s2 =	sshll.u32 s1, $0x7  }
0x6: {  	s8 =	simm.s32 $0x8000;
	s13 =	simm.s32 $0x0;
	s4 =	ssub.s32 $0x1000, s2  }
0x7: {  	s9 =	simm.s32 $0x0;
	s11 =	simm.s32 $0x0;
	s30 =	sand.u32 $0xF80, s4  }
.Ltmp0:
0x8: {  	s6 =	sadd.s32 $0x202600, s6;
	p0 =	sne.s32 s30, $0x0;
	(pc) =	sbr.rel .LBB1_1-.Ltmp0, $4  }
0x9: {  	s1 =	rddreg [dreg:$0x2];
	s7 =	sshrl.u32 s4, $0xC;
	s5 =	simm.s32 @!p0 $0x0  }
0xa: {  	_ =	strace $0x8000004A;
	s4 =	simm.s32 $0x1;
	s5 =	sadd.s32 s5, s7  }
0xb: {  	s10 =	smov.u32 s2;
	[sflag:s4] =	ssyncpa.u1 $0x0;
	s5 =	sshll.u32 s5, $0x5  }
0xc: {  	[sflag:s31] =	ssyncpa.u1 $0x0;
	p0 =	por $0x0, $0x0;
	s7 =	sor.u32 $0x1, s5  }
.LBB1_4:
0xd: {  	s16 =	sshll.u32 s13, $0x3;
	s17 =	sand.u32 $0x78, s13  }
0xe: {  	s30 =	sand.u32 $0x7E00, s13;
	s12 =	sshll.u32 s12, $0xF;
	s16 =	sand.u32 $0xC00, s16  }
0xf: {  	[tilespmem:s15+$0x810 ss:$0x81] =	vst.msk $0xffff, v2;
	s31 =	sand.u32 $0x7, s13;
	s16 =	sor.u32 s17, s16;
	s17 =	sadd.s32 s3, s30  }
0x10: {  	[tilespmem:s15+$0x1020 ss:$0x81] =	vst.msk $0xffff, v0;
	s13 =	sshll.u32 s31, $0x12;
	s12 =	sadd.s32 s12, s17;
	s16 =	sshrl.u32 s16, $0x3  }
0x11: {  	[tilespmem:s15+$0x0 ss:$0x81] =	vst.msk $0xffff, v1;
	s13 =	sor.u32 $0x400, s13;
	s12 =	sadd.s32 s16, s12  }
0x12: {  	[hbm4b:s12+s13] =	stream.strided.scatter [tilespmem:s14], [sflag:$0x2], $0x2000, s8, s13, $0x20;
	[tilespmem:$0x8080] =	vst v63  }
.LBB1_5:
0x13: {  	s14 =	sadd.s32 $0x1, s9  }
0x14: {  	s12 =	sadd.s32 $0x1000, s10;
	s16 =	smov.u32 s10;
	p2 =	sgt.s32 s14, $0x1F  }
0x15: {  	s16 =	smov.u32 @p2 s12  }
0x16: {  	s14 =	simm.s32 @p2 $0x0;
	p2 =	sgt.s32 s16, $0xFFF  }
0x17: {  	s16 =	smov.u32 @p2 s2;
	p2 =	sne.s32 s11, s7  }
.Ltmp1:
0x18: {  	p1 =	slt.u32 s11, $0x2;
	(pc) =	sbr.rel @!p2 .LBB1_6-.Ltmp1, $4  }
0x19: {  	s15 =	simm.s32 @!p1 $0x2  }
0x1a: {  	s13 =	smov.u32 s10;
	p0 =	por !p0, !p0;
	_ =	swait.ge @!p1 [sflag:s15], $0x2000  }
0x1b: {  	s12 =	smov.u32 s9;
	[sflag:s15] =	ssyncset.done @!p1 $0x0;
	s9 =	smov.u32 s14  }
0x1c: {  	s11 =	sadd.s32 $0x1, s11;
	[sflag:s15] =	ssyncadd.s32 @!p1 $0xFFFFE000;
	s10 =	smov.u32 s16  }
.LBB1_1:
0x1d: {  	p1 =	sge.u32 s11, s5  }
0x1e: {  	s31 =	sadd.s32 $0xFFFFFFFF, s11;
	s14 =	sxor.u32 @!p1 $0xFFFFFFFF, s11  }
0x1f: {  	s15 =	sshll.u32 @!p1 s10, $0x9;
	s16 =	sshll.u32 @!p1 s9, $0x4;
	s17 =	simm.s32 @!p1 $0x1000  }
0x20: {  	s14 =	sshll.u32 @!p1 s14, $0xD;
	s16 =	sand.u32 @!p1 $0x1F0, s16;
	s15 =	sadd.s32 @!p1 s6, s15  }
0x21: {  	s14 =	sand.u32 @!p1 $0x2000, s14;
	s15 =	sadd.s32 @!p1 s16, s15;
	s16 =	simm.s32 @!p1 $0x40  }
0x22: {  	[tilespmem:s14], [sflag:$0x1] =	stream.strided.gather @!p1 [hbm4b:s15+s16], $0x2000, s17, s16, $0x38;
	[tilespmem:$0x8080] =	vst v63  }
0x23: {  	p1 =	sge.u32 s31, s5  }
.Ltmp2:
0x24: {  	_ = 	snop;
	(pc) =	sbr.rel @p1 .LBB1_5-.Ltmp2, $1  }
0x25: {  	_ =	sdelay $0x3  }
0x26: {  	s14 =	simm.s32 $0x1  }
0x27: {  	_ =	swait.ge [sflag:s4], $0x2000;
	s14 =	simm.s32 @!p0 $0x0  }
0x28: {  	[sflag:s4] =	ssyncset.done $0x0;
	s15 =	sshll.u32 s14, $0xD  }
0x29: {  	[sflag:s4] =	ssyncadd.s32 $0xFFFFE000;
	s18 =	sor.u32 $0x20, s15  }
0x2a: {  	s14 =	smul.u32 $0x8100, s14;
	v3 =	vld [tilespmem:s18+$0x10]  }
0x2b: {  	s30 =	sand.u32 $0x1, s11;
	v2 =	vld [tilespmem:s18+$0xFFFFFFF0]  }
0x2c: {  	s15 =	smul.u32 $0x8100, s30;
	s14 =	sshrl.u32 s14, $0x2;
	v0 =	vld [tilespmem:s18+$0x0]  }
0x2d: {  	v1 =	vld [tilespmem:s18+$0xFFFFFFE0];
	s16 =	sor.u32 $0x4000, s14  }
0x2e: {  	s31 =	sshrl.u32 s15, $0x2;
	s15 =	sadd.s32 $0x0, s16  }
0x2f: {  	s17 =	simm.s32 $0x4;
	s18 =	sadd.s32 $0x40, s18;
	s14 =	sor.u32 $0x4000, s31;
	[tilespmem:s15+$0x1830 ss:$0x81] =	vst.msk $0xffff, v3  }
.LBB1_3:
0x30: {  	v3 =	vld [tilespmem:s18+$0x10];
	p1 =	sne.s32 s17, $0x1FC;
	[tilespmem:s15+$0x810 ss:$0x81] =	vst.msk $0xffff, v2;
	s19 =	smov.u32 s17;
	s17 =	sadd.s32 $0x4, s17  }
.Ltmp3:
0x31: {  	v2 =	vld [tilespmem:s18+$0xFFFFFFF0];
	[tilespmem:s15+$0x1020 ss:$0x81] =	vst.msk $0xffff, v0;
	(pc) =	sbr.rel @p1 .LBB1_3-.Ltmp3, $4  }
0x32: {  	v0 =	vld [tilespmem:s18+$0x0];
	[tilespmem:s15+$0x0 ss:$0x81] =	vst.msk $0xffff, v1  }
0x33: {  	s15 =	sshra.s32 s19, $0x2;
	v1 =	vld [tilespmem:s18+$0xFFFFFFE0]  }
0x34: {  	s15 =	sadd.s32 s15, s16  }
0x35: {  	s18 =	sadd.s32 $0x40, s18;
	[tilespmem:s15+$0x1830 ss:$0x81] =	vst.msk $0xffff, v3  }
.Ltmp4:
0x36: {  	_ = 	snop;
	(pc) =	sbr.rel .LBB1_4-.Ltmp4, $1  }
0x37: {  	_ =	sdelay $0x3  }
.LBB1_6:
0x38: {  	_ =	sfence.sel $0x180000  }
0x39: {  	s2 =	simm.s32 $0x1;
	[bflag:$0x0] =	sbarrier.arrive $0xFFFF  }
0x3a: {  	s31 =	simm.s32 $0x2;
	[sflag:s2] =	ssyncpa.u1 $0x1  }
0x3b: {  	[sflag:s31] =	ssyncpa.u1 $0x1  }
0x3c: {  	p0 =	sne.s32 s0, $0x0;
	_ =	strace $0x9000004A  }
0x3d: {  	s0 =	sadd.s32 @!p0 $0x100000, s1;
	[bflag:$0x2] =	sbarrier.arrive $0xFFFF  }
0x3e: {  	[sflag:s0] =	ssyncadd.tile.s32 @!p0 $0x1;
	_ =	shalt  }
.Lfunc_end1:
_tile_overlayer_lowered:
.L_overlay_start_2:
0x3f: {  	(tag) =	ssettag $0x2  }
0x40: {  	s0 =	rddreg [dreg:$0x0];
	s2 =	stileid.u32  }
0x41: {  	s1 =	rddreg [dreg:$0x1];
	p0 =	sne.s32 s2, $0x0  }
0x42: {  	s3 =	rddreg [dreg:$0x2];
	[bflag:$0x3] =	sbarrier.arrive $0xFFFF;
	s2 =	simm.s32 @!p0 $0x1C01  }
0x43: {  	[timem:s3], [sflag:s2] =	dma.local @!p0 [hbm:s0], s1  }
0x44: {  	s0 =	simm.s32 @!p0 $0x1  }
0x45: {  	_ =	swait.ge @!p0 [sflag:s0], s1  }
0x46: {  	s1 =	ssub.s32 @!p0 $0x0, s1;
	[sflag:s0] =	ssyncset.done @!p0 $0x0  }
0x47: {  	[sflag:s0] =	ssyncadd.s32 @!p0 s1  }
0x48: {  	[bflag:$0x3] =	sbarrier.arrive $0xFFFF  }
0x49: {  	_ =	shalt  }

</sc_bundles>
